<compile_context>
chip_gen: v7x
topology: tpu7x:2x2x1
jax: 0.10.2.dev20260603
libtpu: 0.0.44.dev20260713+nightly
codegen_flags: <defaults>
</compile_context>

<pallas_src>
import jax
import jax.numpy as jnp
from jax import lax
from jax.experimental import pallas as pl
from jax.experimental.pallas import tpu as pltpu
from jax.experimental.pallas import tpu_sc as plsc

_N = 128
_NCELL = 27
_TOPK = 32
_CUTOFF2 = 25.0
_INVALID_BASE = 100000.0
_PAD_KEY = 1e9
_NV = (_N * _NCELL) // 16
_CAND = _N * _NCELL


def _sqrt16(x):
    xi = lax.bitcast_convert_type(x, jnp.int32)
    yi = (xi >> 1) + jnp.int32(0x1FBD1DF5)
    y = lax.bitcast_convert_type(yi, jnp.float32)
    for _ in range(2):
        y = 0.5 * (y + x / y)
    return y


def _merge32(R0, V0, R1, V1, ck, cv):
    cs, cvs = plsc.sort_key_val(ck, cv)
    cr = lax.rev(cs, (0,))
    cvr = lax.rev(cvs, (0,))
    m1 = R1 <= cr
    lo_k = jnp.where(m1, R1, cr)
    lo_v = jnp.where(m1, V1, cvr)
    l1k, l1v = plsc.sort_key_val(lo_k, lo_v)
    l1kr = lax.rev(l1k, (0,))
    l1vr = lax.rev(l1v, (0,))
    m2 = R0 <= l1kr
    ak = jnp.where(m2, R0, l1kr)
    av = jnp.where(m2, V0, l1vr)
    bk = jnp.where(m2, l1kr, R0)
    bv = jnp.where(m2, l1vr, V0)
    R0n, V0n = plsc.sort_key_val(ak, av)
    R1n, V1n = plsc.sort_key_val(bk, bv)
    return R0n, V0n, R1n, V1n


def _sc_body(px_h, py_h, pz_h, ox_h, oy_h, oz_h, pm_h,
             dist_h, nidx_h, valid_h,
             pxv, pyv, pzv, oxv, oyv, ozv, prm,
             shx, shy, shz, fidx, fqx, fqy, fqz,
             vkey, vidx, ikey, iidx,
             od, oi, ov, csel):
    b = lax.axis_index("c") * 16 + lax.axis_index("s")

    pltpu.sync_copy(px_h.at[b], pxv.at[pl.ds(0, _N)])
    pltpu.sync_copy(py_h.at[b], pyv.at[pl.ds(0, _N)])
    pltpu.sync_copy(pz_h.at[b], pzv.at[pl.ds(0, _N)])
    pltpu.sync_copy(ox_h.at[b], oxv.at[pl.ds(0, _N)])
    pltpu.sync_copy(oy_h.at[b], oyv.at[pl.ds(0, _N)])
    pltpu.sync_copy(oz_h.at[b], ozv.at[pl.ds(0, _N)])
    pltpu.sync_copy(pm_h.at[b], prm.at[pl.ds(0, _N)])

    lane = lax.iota(jnp.int32, 16)
    lane27 = lane * _NCELL

    def pre_body(t, _):
        c = t // 8
        jv16 = (t % 8) * 16
        sl = t * 16
        oxs = oxv[pl.ds(c, 16)][0]
        oys = oyv[pl.ds(c, 16)][0]
        ozs = ozv[pl.ds(c, 16)][0]
        shx[pl.ds(sl, 16)] = pxv[pl.ds(jv16, 16)] + oxs
        shy[pl.ds(sl, 16)] = pyv[pl.ds(jv16, 16)] + oys
        shz[pl.ds(sl, 16)] = pzv[pl.ds(jv16, 16)] + ozs
        fidx[pl.ds(sl, 16)] = lane27 + (jv16 * _NCELL + c)
        return 0

    lax.fori_loop(0, _NV, pre_body, 0)

    civ = prm[pl.ds(0, 16)]
    c00, c10, c20 = civ[0], civ[3], civ[6]
    c01, c11, c21 = civ[1], civ[4], civ[7]
    c02, c12, c22 = civ[2], civ[5], civ[8]
    hx, hy, hz = civ[9], civ[10], civ[11]

    def fq_body(jv, _):
        sl = jv * 16
        bx = pxv[pl.ds(sl, 16)]
        by = pyv[pl.ds(sl, 16)]
        bz = pzv[pl.ds(sl, 16)]
        fqx[pl.ds(sl, 16)] = bx * c00 + by * c10 + bz * c20
        fqy[pl.ds(sl, 16)] = bx * c01 + by * c11 + bz * c21
        fqz[pl.ds(sl, 16)] = bx * c02 + by * c12 + bz * c22
        return 0

    lax.fori_loop(0, 8, fq_body, 0)

    def query_body(i, _):
        qx = pxv[pl.ds(i, 16)][0]
        qy = pyv[pl.ds(i, 16)][0]
        qz = pzv[pl.ds(i, 16)][0]
        fx = fqx[pl.ds(i, 16)][0]
        fy = fqy[pl.ds(i, 16)][0]
        fz = fqz[pl.ds(i, 16)][0]

        rpad = _CUTOFF2 ** 0.5 + 0.01
        bn = (jnp.logical_not(fx * hx > rpad),
              jnp.logical_not(fy * hy > rpad),
              jnp.logical_not(fz * hz > rpad))
        bp = (jnp.logical_not((1.0 - fx) * hx > rpad),
              jnp.logical_not((1.0 - fy) * hy > rpad),
              jnp.logical_not((1.0 - fz) * hz > rpad))
        cnt = jnp.int32(0)
        for c in range(_NCELL):
            ks = (c // 9 - 1, (c // 3) % 3 - 1, c % 3 - 1)
            keep = None
            for d in range(3):
                cond = bn[d] if ks[d] == -1 else (bp[d] if ks[d] == 1 else None)
                if cond is not None:
                    keep = cond if keep is None else jnp.logical_and(keep, cond)
            csel[cnt] = jnp.int32(c)
            cnt = cnt + (jnp.int32(1) if keep is None
                         else keep.astype(jnp.int32))

        @plsc.parallel_loop(0, cnt * 8, unroll=4,
                            carry=jnp.zeros((16,), jnp.int32))
        def pass1(t, off_spl):
            c = csel[t >> 3]
            jv = t & 7
            sl = c * _N + jv * 16
            dx = qx - shx[pl.ds(sl, 16)]
            dy = qy - shy[pl.ds(sl, 16)]
            dz = qz - shz[pl.ds(sl, 16)]
            d2 = dx * dx + dy * dy + dz * dz
            ok = (d2 > 1e-4) & (d2 <= _CUTOFF2)
            oki = ok.astype(jnp.int32)
            inc = plsc.cumsum(oki)
            posn = off_spl + inc - oki
            fl = lane27 + (jv * 16 * _NCELL + c)
            plsc.store_scatter(vkey, [posn], d2, mask=ok)
            plsc.store_scatter(vidx, [posn], fl, mask=ok)
            return off_spl + plsc.all_reduce_population_count(ok)

        mv = pass1[0]
        vkey[pl.ds(mv, 16)] = jnp.full((16,), _PAD_KEY, jnp.float32)
        vidx[pl.ds(mv, 16)] = jnp.zeros((16,), jnp.int32)

        R0 = jnp.full((16,), _PAD_KEY, jnp.float32)
        R1 = jnp.full((16,), _PAD_KEY, jnp.float32)
        V0 = jnp.zeros((16,), jnp.int32)
        V1 = jnp.zeros((16,), jnp.int32)

        def mbody(t, carry):
            R0, V0, R1, V1 = carry
            sl = t * 16
            return _merge32(R0, V0, R1, V1, vkey[pl.ds(sl, 16)],
                            vidx[pl.ds(sl, 16)])

        nvv = (mv + 15) // 16
        R0, V0, R1, V1 = lax.fori_loop(0, nvv, mbody, (R0, V0, R1, V1))

        def pass2(t, ioff):
            sl = t * 16
            dx = qx - shx[pl.ds(sl, 16)]
            dy = qy - shy[pl.ds(sl, 16)]
            dz = qz - shz[pl.ds(sl, 16)]
            d2 = dx * dx + dy * dy + dz * dz
            bad = (d2 <= 1e-4) | (d2 > _CUTOFF2)
            fl = fidx[pl.ds(sl, 16)]
            fkey = _INVALID_BASE + fl.astype(jnp.float32)
            plsc.store_compressed(ikey.at[pl.ds(ioff, 16)], fkey, mask=bad)
            plsc.store_compressed(iidx.at[pl.ds(ioff, 16)], fl, mask=bad)
            return ioff + jnp.sum(bad.astype(jnp.int32))

        t2 = jnp.where(mv < _TOPK, _NV, 0)
        ioff = lax.fori_loop(0, t2, pass2, jnp.int32(0))
        ikey[pl.ds(ioff, 16)] = jnp.full((16,), _PAD_KEY, jnp.float32)
        iidx[pl.ds(ioff, 16)] = jnp.zeros((16,), jnp.int32)

        def mbody2(t, carry):
            R0, V0, R1, V1 = carry
            sl = t * 16
            return _merge32(R0, V0, R1, V1, ikey[pl.ds(sl, 16)],
                            iidx[pl.ds(sl, 16)])

        nvi = jnp.where(mv < _TOPK, (ioff + 15) // 16, 0)
        R0, V0, R1, V1 = lax.fori_loop(0, nvi, mbody2, (R0, V0, R1, V1))

        base = i * _TOPK
        for k0, (rk, rv) in ((0, (R0, V0)), (16, (R1, V1))):
            sel = rk < _INVALID_BASE
            dist = jnp.where(sel, _sqrt16(rk), 0.0)
            od[pl.ds(base + k0, 16)] = dist
            oi[pl.ds(base + k0, 16)] = rv // _NCELL
            ov[pl.ds(base + k0, 16)] = sel.astype(jnp.int32)
        return 0

    lax.fori_loop(0, _N, query_body, 0)

    pltpu.sync_copy(od, dist_h.at[b])
    pltpu.sync_copy(oi, nidx_h.at[b])
    pltpu.sync_copy(ov, valid_h.at[b])


@jax.jit
def kernel(pos, cell):
    B, n, _ = pos.shape
    r = jnp.arange(-1, 2, dtype=pos.dtype)
    gx, gy, gz = jnp.meshgrid(r, r, r, indexing='ij')
    offsets = jnp.stack([gx.ravel(), gy.ravel(), gz.ravel()], axis=-1)
    cart_off = jnp.einsum('cd,bde->bce', offsets, cell)
    cart_off = jnp.pad(cart_off, ((0, 0), (0, n - _NCELL), (0, 0)))

    px, py, pz = pos[..., 0], pos[..., 1], pos[..., 2]
    ox, oy, oz = cart_off[..., 0], cart_off[..., 1], cart_off[..., 2]

    cinv = jnp.linalg.inv(cell)
    hspc = 1.0 / jnp.sqrt(jnp.sum(cinv * cinv, axis=1))
    params = jnp.concatenate([cinv.reshape(B, 9), hspc], axis=1)
    params = jnp.pad(params, ((0, 0), (0, n - 12)))

    mesh = plsc.VectorSubcoreMesh(core_axis_name="c", subcore_axis_name="s")
    out_type = [
        jax.ShapeDtypeStruct((B, n * _TOPK), jnp.float32),
        jax.ShapeDtypeStruct((B, n * _TOPK), jnp.int32),
        jax.ShapeDtypeStruct((B, n * _TOPK), jnp.int32),
    ]
    scratch = [
        pltpu.VMEM((n + 16,), jnp.float32),
        pltpu.VMEM((n + 16,), jnp.float32),
        pltpu.VMEM((n + 16,), jnp.float32),
        pltpu.VMEM((n + 16,), jnp.float32),
        pltpu.VMEM((n + 16,), jnp.float32),
        pltpu.VMEM((n + 16,), jnp.float32),
        pltpu.VMEM((n + 16,), jnp.float32),
        pltpu.VMEM((_CAND,), jnp.float32),
        pltpu.VMEM((_CAND,), jnp.float32),
        pltpu.VMEM((_CAND,), jnp.float32),
        pltpu.VMEM((_CAND,), jnp.int32),
        pltpu.VMEM((n + 16,), jnp.float32),
        pltpu.VMEM((n + 16,), jnp.float32),
        pltpu.VMEM((n + 16,), jnp.float32),
        pltpu.VMEM((_CAND + 16,), jnp.float32),
        pltpu.VMEM((_CAND + 16,), jnp.int32),
        pltpu.VMEM((_CAND + 16,), jnp.float32),
        pltpu.VMEM((_CAND + 16,), jnp.int32),
        pltpu.VMEM((n * _TOPK,), jnp.float32),
        pltpu.VMEM((n * _TOPK,), jnp.int32),
        pltpu.VMEM((n * _TOPK,), jnp.int32),
        pltpu.SMEM((32,), jnp.int32),
    ]
    fn = pl.kernel(_sc_body, mesh=mesh, out_type=out_type,
                   compiler_params=pltpu.CompilerParams(
                       needs_layout_passes=False),
                   scratch_types=scratch)
    dist_f, nidx_f, valid_f = fn(px, py, pz, ox, oy, oz, params)

    dist = dist_f.reshape(B, n, _TOPK)
    nidx = nidx_f.reshape(B, n, _TOPK)
    valid = valid_f.reshape(B, n, _TOPK).astype(bool)
    return dist, nidx, valid

# --- scband reference (transcript-rebuilt; emitter-appended) ---
"""Pipeline reference for scband-alpha-net-25254407701112 (READ-ONLY COPY).

The authoritative reference and input builder live on the scoring server;
editing this copy changes nothing except your own understanding.
"""

import jax, jax.numpy as jnp
import numpy as np

CUTOFF = 5.0
TOPK = 32


def setup_inputs(seed: int = 0) -> dict:
    key = jax.random.key(seed)
    k1, k2 = jax.random.split(key)
    B, n = 32, 128
    # lattice cells: ~10 Angstrom boxes with small distortion (batch of 32 crystals, 128 atoms each)
    cell = 10.0 * jnp.eye(3, dtype=jnp.float32)[None, :, :] + 0.3 * jax.random.normal(k2, (B, 3, 3), dtype=jnp.float32)
    frac = jax.random.uniform(k1, (B, n, 3), dtype=jnp.float32)
    pos = jnp.einsum('bnd,bde->bne', frac, cell)  # cartesian positions
    return {"pos": pos, "cell": cell}


def reference(pos, cell):
    # Faithful jax translation of the kNN-retrieval core of AlphaNet's radius_graph_pbc /
    # get_pbc_distances / get_max_neighbors_mask: compute all periodic-image pairwise
    # distances, mask self-pairs and pairs outside the cutoff radius, then keep the
    # max_num_neighbors (=TOPK) nearest neighbors per query atom via sorted selection.
    B, n, _ = pos.shape
    r = jnp.arange(-1, 2, dtype=pos.dtype)
    ox, oy, oz = jnp.meshgrid(r, r, r, indexing='ij')
    offsets = jnp.stack([ox.ravel(), oy.ravel(), oz.ravel()], axis=-1)  # [27,3] unit-cell replicas
    cart_off = jnp.einsum('cd,bde->bce', offsets, cell)  # [B,27,3] pbc offsets (cell_offsets.bmm(cell))
    # distance_vectors = pos[row] - (pos[col] + offset), dense over all pairs & replicas
    shifted = pos[:, None, :, None, :] + cart_off[:, None, None, :, :]  # [B,1,n,27,3]
    diff = pos[:, :, None, None, :] - shifted                           # [B,n,n,27,3]
    d2 = jnp.sum(diff * diff, axis=-1)                                  # [B,n,n,27]
    # mask_not_same (d2 > 1e-4) and mask_within_radius (d2 <= radius^2)
    invalid = (d2 <= 1e-4) | (d2 > CUTOFF * CUTOFF)
    scored = jnp.where(invalid, jnp.inf, d2).reshape(B, n, n * 27)
    # nearest max_num_neighbors per atom (distance_sort + truncation in torch code)
    neg_vals, idx = jax.lax.top_k(-scored, TOPK)
    d2_sel = jnp.take_along_axis(d2.reshape(B, n, n * 27), idx, axis=-1)
    valid = jnp.isfinite(neg_vals)  # finite => real neighbor within radius
    dist = jnp.where(valid, jnp.sqrt(jnp.maximum(d2_sel, 1e-12)), 0.0)
    neighbor_index = idx // 27  # atom index of retrieved neighbor (edge_index col)
    return dist, neighbor_index, valid

if __name__ == "__main__":
    import jax
    _d = setup_inputs()
    print(jax.jit(kernel)(*tuple(_d.values())))

</pallas_src>

<mosaic_0001>
#map = affine_map<(d0, d1) -> (0, 0)>
module attributes {stable_mosaic.version = 14 : i64} {
  func.func @_sc_body(%arg0: i32, %arg1: i32, %arg2: memref<32x128xf32, #tpu.memory_space<hbm>>, %arg3: memref<32x128xf32, #tpu.memory_space<hbm>>, %arg4: memref<32x128xf32, #tpu.memory_space<hbm>>, %arg5: memref<32x128xf32, #tpu.memory_space<hbm>>, %arg6: memref<32x128xf32, #tpu.memory_space<hbm>>, %arg7: memref<32x128xf32, #tpu.memory_space<hbm>>, %arg8: memref<32x128xf32, #tpu.memory_space<hbm>>, %arg9: memref<32x4096xf32, #tpu.memory_space<hbm>>, %arg10: memref<32x4096xi32, #tpu.memory_space<hbm>>, %arg11: memref<32x4096xi32, #tpu.memory_space<hbm>>, %arg12: memref<144xf32, #tpu.memory_space<vmem>>, %arg13: memref<144xf32, #tpu.memory_space<vmem>>, %arg14: memref<144xf32, #tpu.memory_space<vmem>>, %arg15: memref<144xf32, #tpu.memory_space<vmem>>, %arg16: memref<144xf32, #tpu.memory_space<vmem>>, %arg17: memref<144xf32, #tpu.memory_space<vmem>>, %arg18: memref<144xf32, #tpu.memory_space<vmem>>, %arg19: memref<3456xf32, #tpu.memory_space<vmem>>, %arg20: memref<3456xf32, #tpu.memory_space<vmem>>, %arg21: memref<3456xf32, #tpu.memory_space<vmem>>, %arg22: memref<3456xi32, #tpu.memory_space<vmem>>, %arg23: memref<144xf32, #tpu.memory_space<vmem>>, %arg24: memref<144xf32, #tpu.memory_space<vmem>>, %arg25: memref<144xf32, #tpu.memory_space<vmem>>, %arg26: memref<3472xf32, #tpu.memory_space<vmem>>, %arg27: memref<3472xi32, #tpu.memory_space<vmem>>, %arg28: memref<3472xf32, #tpu.memory_space<vmem>>, %arg29: memref<3472xi32, #tpu.memory_space<vmem>>, %arg30: memref<4096xf32, #tpu.memory_space<vmem>>, %arg31: memref<4096xi32, #tpu.memory_space<vmem>>, %arg32: memref<4096xi32, #tpu.memory_space<vmem>>, %arg33: memref<32xi32, #tpu.memory_space<smem>>) attributes {dimension_semantics = [#tpu.dimension_semantics<core_parallel>, #tpu.dimension_semantics<subcore_parallel>], iteration_bounds = array<i64: 2, 16>, scalar_prefetch = 0 : i64, scratch_operands = 22 : i64, tpu.core_type = #tpu.core_type<sc_vector_subcore>, window_params = [{transform_indices = #map}, {transform_indices = #map}, {transform_indices = #map}, {transform_indices = #map}, {transform_indices = #map}, {transform_indices = #map}, {transform_indices = #map}, {transform_indices = #map}, {transform_indices = #map}, {transform_indices = #map}]} {
    %mul3A = arith.constant 16 : i32
    %mul3A_0 = arith.muli %arg0, %mul3A : i32
    %add3A = arith.addi %mul3A_0, %arg1 : i32
    "tpu.region"() ({
      %run_scoped3A = tpu.sem_alloc : memref<!tpu.dma_semaphore, #tpu.memory_space<semaphore_mem>>
      %dma_start3A = arith.constant 0 : i32
      %dma_start3A_47 = tpu.memref_slice %arg12[%dma_start3A] : memref<144xf32, #tpu.memory_space<vmem>> -> memref<128xf32, #tpu.memory_space<vmem>>
      %dma_start3A_48 = arith.constant 0 : i32
      %dma_start3A_49 = tpu.memref_slice %arg2[%add3A, %dma_start3A_48] : memref<32x128xf32, #tpu.memory_space<hbm>> -> memref<1x128xf32, #tpu.memory_space<hbm>>
      %dma_start3A_50 = tpu.memref_squeeze %dma_start3A_49 : memref<1x128xf32, #tpu.memory_space<hbm>> -> memref<128xf32, #tpu.memory_space<hbm>>
      %dma_start3A_51 = arith.constant 0 : i32
      %dma_start3A_52 = tpu.memref_slice %arg12[%dma_start3A_51] : memref<144xf32, #tpu.memory_space<vmem>> -> memref<128xf32, #tpu.memory_space<vmem>>
      %dma_start3A_53 = arith.constant 0 : i32
      %dma_start3A_54 = tpu.memref_slice %arg2[%add3A, %dma_start3A_53] : memref<32x128xf32, #tpu.memory_space<hbm>> -> memref<1x128xf32, #tpu.memory_space<hbm>>
      %dma_start3A_55 = tpu.memref_squeeze %dma_start3A_54 : memref<1x128xf32, #tpu.memory_space<hbm>> -> memref<128xf32, #tpu.memory_space<hbm>>
      tpu.enqueue_dma source(%dma_start3A_55 : memref<128xf32, #tpu.memory_space<hbm>>) target(%dma_start3A_52 : memref<128xf32, #tpu.memory_space<vmem>>) target_semaphore(%run_scoped3A : memref<!tpu.dma_semaphore, #tpu.memory_space<semaphore_mem>>)
      %dma_wait3A = arith.constant 0 : i32
      %dma_wait3A_56 = tpu.memref_slice %arg12[%dma_wait3A] : memref<144xf32, #tpu.memory_space<vmem>> -> memref<128xf32, #tpu.memory_space<vmem>>
      %dma_wait3A_57 = arith.constant 0 : i32
      %dma_wait3A_58 = tpu.memref_slice %arg2[%add3A, %dma_wait3A_57] : memref<32x128xf32, #tpu.memory_space<hbm>> -> memref<1x128xf32, #tpu.memory_space<hbm>>
      %dma_wait3A_59 = tpu.memref_squeeze %dma_wait3A_58 : memref<1x128xf32, #tpu.memory_space<hbm>> -> memref<128xf32, #tpu.memory_space<hbm>>
      %dma_wait3A_60 = arith.constant 0 : i32
      %dma_wait3A_61 = tpu.memref_slice %arg12[%dma_wait3A_60] : memref<144xf32, #tpu.memory_space<vmem>> -> memref<128xf32, #tpu.memory_space<vmem>>
      %dma_wait3A_62 = arith.constant 0 : i32
      %dma_wait3A_63 = tpu.memref_slice %arg2[%add3A, %dma_wait3A_62] : memref<32x128xf32, #tpu.memory_space<hbm>> -> memref<1x128xf32, #tpu.memory_space<hbm>>
      %dma_wait3A_64 = tpu.memref_squeeze %dma_wait3A_63 : memref<1x128xf32, #tpu.memory_space<hbm>> -> memref<128xf32, #tpu.memory_space<hbm>>
      tpu.wait_dma2 semaphore(%run_scoped3A : memref<!tpu.dma_semaphore, #tpu.memory_space<semaphore_mem>>) src(%dma_wait3A_64 : memref<128xf32, #tpu.memory_space<hbm>>) dst(%dma_wait3A_61 : memref<128xf32, #tpu.memory_space<vmem>>)
      tpu.yield
    }) : () -> ()
    "tpu.region"() ({
      %run_scoped3A = tpu.sem_alloc : memref<!tpu.dma_semaphore, #tpu.memory_space<semaphore_mem>>
      %dma_start3A = arith.constant 0 : i32
      %dma_start3A_47 = tpu.memref_slice %arg13[%dma_start3A] : memref<144xf32, #tpu.memory_space<vmem>> -> memref<128xf32, #tpu.memory_space<vmem>>
      %dma_start3A_48 = arith.constant 0 : i32
      %dma_start3A_49 = tpu.memref_slice %arg3[%add3A, %dma_start3A_48] : memref<32x128xf32, #tpu.memory_space<hbm>> -> memref<1x128xf32, #tpu.memory_space<hbm>>
      %dma_start3A_50 = tpu.memref_squeeze %dma_start3A_49 : memref<1x128xf32, #tpu.memory_space<hbm>> -> memref<128xf32, #tpu.memory_space<hbm>>
      %dma_start3A_51 = arith.constant 0 : i32
      %dma_start3A_52 = tpu.memref_slice %arg13[%dma_start3A_51] : memref<144xf32, #tpu.memory_space<vmem>> -> memref<128xf32, #tpu.memory_space<vmem>>
      %dma_start3A_53 = arith.constant 0 : i32
      %dma_start3A_54 = tpu.memref_slice %arg3[%add3A, %dma_start3A_53] : memref<32x128xf32, #tpu.memory_space<hbm>> -> memref<1x128xf32, #tpu.memory_space<hbm>>
      %dma_start3A_55 = tpu.memref_squeeze %dma_start3A_54 : memref<1x128xf32, #tpu.memory_space<hbm>> -> memref<128xf32, #tpu.memory_space<hbm>>
      tpu.enqueue_dma source(%dma_start3A_55 : memref<128xf32, #tpu.memory_space<hbm>>) target(%dma_start3A_52 : memref<128xf32, #tpu.memory_space<vmem>>) target_semaphore(%run_scoped3A : memref<!tpu.dma_semaphore, #tpu.memory_space<semaphore_mem>>)
      %dma_wait3A = arith.constant 0 : i32
      %dma_wait3A_56 = tpu.memref_slice %arg13[%dma_wait3A] : memref<144xf32, #tpu.memory_space<vmem>> -> memref<128xf32, #tpu.memory_space<vmem>>
      %dma_wait3A_57 = arith.constant 0 : i32
      %dma_wait3A_58 = tpu.memref_slice %arg3[%add3A, %dma_wait3A_57] : memref<32x128xf32, #tpu.memory_space<hbm>> -> memref<1x128xf32, #tpu.memory_space<hbm>>
      %dma_wait3A_59 = tpu.memref_squeeze %dma_wait3A_58 : memref<1x128xf32, #tpu.memory_space<hbm>> -> memref<128xf32, #tpu.memory_space<hbm>>
      %dma_wait3A_60 = arith.constant 0 : i32
      %dma_wait3A_61 = tpu.memref_slice %arg13[%dma_wait3A_60] : memref<144xf32, #tpu.memory_space<vmem>> -> memref<128xf32, #tpu.memory_space<vmem>>
      %dma_wait3A_62 = arith.constant 0 : i32
      %dma_wait3A_63 = tpu.memref_slice %arg3[%add3A, %dma_wait3A_62] : memref<32x128xf32, #tpu.memory_space<hbm>> -> memref<1x128xf32, #tpu.memory_space<hbm>>
      %dma_wait3A_64 = tpu.memref_squeeze %dma_wait3A_63 : memref<1x128xf32, #tpu.memory_space<hbm>> -> memref<128xf32, #tpu.memory_space<hbm>>
      tpu.wait_dma2 semaphore(%run_scoped3A : memref<!tpu.dma_semaphore, #tpu.memory_space<semaphore_mem>>) src(%dma_wait3A_64 : memref<128xf32, #tpu.memory_space<hbm>>) dst(%dma_wait3A_61 : memref<128xf32, #tpu.memory_space<vmem>>)
      tpu.yield
    }) : () -> ()
    "tpu.region"() ({
      %run_scoped3A = tpu.sem_alloc : memref<!tpu.dma_semaphore, #tpu.memory_space<semaphore_mem>>
      %dma_start3A = arith.constant 0 : i32
      %dma_start3A_47 = tpu.memref_slice %arg14[%dma_start3A] : memref<144xf32, #tpu.memory_space<vmem>> -> memref<128xf32, #tpu.memory_space<vmem>>
      %dma_start3A_48 = arith.constant 0 : i32
      %dma_start3A_49 = tpu.memref_slice %arg4[%add3A, %dma_start3A_48] : memref<32x128xf32, #tpu.memory_space<hbm>> -> memref<1x128xf32, #tpu.memory_space<hbm>>
      %dma_start3A_50 = tpu.memref_squeeze %dma_start3A_49 : memref<1x128xf32, #tpu.memory_space<hbm>> -> memref<128xf32, #tpu.memory_space<hbm>>
      %dma_start3A_51 = arith.constant 0 : i32
      %dma_start3A_52 = tpu.memref_slice %arg14[%dma_start3A_51] : memref<144xf32, #tpu.memory_space<vmem>> -> memref<128xf32, #tpu.memory_space<vmem>>
      %dma_start3A_53 = arith.constant 0 : i32
      %dma_start3A_54 = tpu.memref_slice %arg4[%add3A, %dma_start3A_53] : memref<32x128xf32, #tpu.memory_space<hbm>> -> memref<1x128xf32, #tpu.memory_space<hbm>>
      %dma_start3A_55 = tpu.memref_squeeze %dma_start3A_54 : memref<1x128xf32, #tpu.memory_space<hbm>> -> memref<128xf32, #tpu.memory_space<hbm>>
      tpu.enqueue_dma source(%dma_start3A_55 : memref<128xf32, #tpu.memory_space<hbm>>) target(%dma_start3A_52 : memref<128xf32, #tpu.memory_space<vmem>>) target_semaphore(%run_scoped3A : memref<!tpu.dma_semaphore, #tpu.memory_space<semaphore_mem>>)
      %dma_wait3A = arith.constant 0 : i32
      %dma_wait3A_56 = tpu.memref_slice %arg14[%dma_wait3A] : memref<144xf32, #tpu.memory_space<vmem>> -> memref<128xf32, #tpu.memory_space<vmem>>
      %dma_wait3A_57 = arith.constant 0 : i32
      %dma_wait3A_58 = tpu.memref_slice %arg4[%add3A, %dma_wait3A_57] : memref<32x128xf32, #tpu.memory_space<hbm>> -> memref<1x128xf32, #tpu.memory_space<hbm>>
      %dma_wait3A_59 = tpu.memref_squeeze %dma_wait3A_58 : memref<1x128xf32, #tpu.memory_space<hbm>> -> memref<128xf32, #tpu.memory_space<hbm>>
      %dma_wait3A_60 = arith.constant 0 : i32
      %dma_wait3A_61 = tpu.memref_slice %arg14[%dma_wait3A_60] : memref<144xf32, #tpu.memory_space<vmem>> -> memref<128xf32, #tpu.memory_space<vmem>>
      %dma_wait3A_62 = arith.constant 0 : i32
      %dma_wait3A_63 = tpu.memref_slice %arg4[%add3A, %dma_wait3A_62] : memref<32x128xf32, #tpu.memory_space<hbm>> -> memref<1x128xf32, #tpu.memory_space<hbm>>
      %dma_wait3A_64 = tpu.memref_squeeze %dma_wait3A_63 : memref<1x128xf32, #tpu.memory_space<hbm>> -> memref<128xf32, #tpu.memory_space<hbm>>
      tpu.wait_dma2 semaphore(%run_scoped3A : memref<!tpu.dma_semaphore, #tpu.memory_space<semaphore_mem>>) src(%dma_wait3A_64 : memref<128xf32, #tpu.memory_space<hbm>>) dst(%dma_wait3A_61 : memref<128xf32, #tpu.memory_space<vmem>>)
      tpu.yield
    }) : () -> ()
    "tpu.region"() ({
      %run_scoped3A = tpu.sem_alloc : memref<!tpu.dma_semaphore, #tpu.memory_space<semaphore_mem>>
      %dma_start3A = arith.constant 0 : i32
      %dma_start3A_47 = tpu.memref_slice %arg15[%dma_start3A] : memref<144xf32, #tpu.memory_space<vmem>> -> memref<128xf32, #tpu.memory_space<vmem>>
      %dma_start3A_48 = arith.constant 0 : i32
      %dma_start3A_49 = tpu.memref_slice %arg5[%add3A, %dma_start3A_48] : memref<32x128xf32, #tpu.memory_space<hbm>> -> memref<1x128xf32, #tpu.memory_space<hbm>>
      %dma_start3A_50 = tpu.memref_squeeze %dma_start3A_49 : memref<1x128xf32, #tpu.memory_space<hbm>> -> memref<128xf32, #tpu.memory_space<hbm>>
      %dma_start3A_51 = arith.constant 0 : i32
      %dma_start3A_52 = tpu.memref_slice %arg15[%dma_start3A_51] : memref<144xf32, #tpu.memory_space<vmem>> -> memref<128xf32, #tpu.memory_space<vmem>>
      %dma_start3A_53 = arith.constant 0 : i32
      %dma_start3A_54 = tpu.memref_slice %arg5[%add3A, %dma_start3A_53] : memref<32x128xf32, #tpu.memory_space<hbm>> -> memref<1x128xf32, #tpu.memory_space<hbm>>
      %dma_start3A_55 = tpu.memref_squeeze %dma_start3A_54 : memref<1x128xf32, #tpu.memory_space<hbm>> -> memref<128xf32, #tpu.memory_space<hbm>>
      tpu.enqueue_dma source(%dma_start3A_55 : memref<128xf32, #tpu.memory_space<hbm>>) target(%dma_start3A_52 : memref<128xf32, #tpu.memory_space<vmem>>) target_semaphore(%run_scoped3A : memref<!tpu.dma_semaphore, #tpu.memory_space<semaphore_mem>>)
      %dma_wait3A = arith.constant 0 : i32
      %dma_wait3A_56 = tpu.memref_slice %arg15[%dma_wait3A] : memref<144xf32, #tpu.memory_space<vmem>> -> memref<128xf32, #tpu.memory_space<vmem>>
      %dma_wait3A_57 = arith.constant 0 : i32
      %dma_wait3A_58 = tpu.memref_slice %arg5[%add3A, %dma_wait3A_57] : memref<32x128xf32, #tpu.memory_space<hbm>> -> memref<1x128xf32, #tpu.memory_space<hbm>>
      %dma_wait3A_59 = tpu.memref_squeeze %dma_wait3A_58 : memref<1x128xf32, #tpu.memory_space<hbm>> -> memref<128xf32, #tpu.memory_space<hbm>>
      %dma_wait3A_60 = arith.constant 0 : i32
      %dma_wait3A_61 = tpu.memref_slice %arg15[%dma_wait3A_60] : memref<144xf32, #tpu.memory_space<vmem>> -> memref<128xf32, #tpu.memory_space<vmem>>
      %dma_wait3A_62 = arith.constant 0 : i32
      %dma_wait3A_63 = tpu.memref_slice %arg5[%add3A, %dma_wait3A_62] : memref<32x128xf32, #tpu.memory_space<hbm>> -> memref<1x128xf32, #tpu.memory_space<hbm>>
      %dma_wait3A_64 = tpu.memref_squeeze %dma_wait3A_63 : memref<1x128xf32, #tpu.memory_space<hbm>> -> memref<128xf32, #tpu.memory_space<hbm>>
      tpu.wait_dma2 semaphore(%run_scoped3A : memref<!tpu.dma_semaphore, #tpu.memory_space<semaphore_mem>>) src(%dma_wait3A_64 : memref<128xf32, #tpu.memory_space<hbm>>) dst(%dma_wait3A_61 : memref<128xf32, #tpu.memory_space<vmem>>)
      tpu.yield
    }) : () -> ()
    "tpu.region"() ({
      %run_scoped3A = tpu.sem_alloc : memref<!tpu.dma_semaphore, #tpu.memory_space<semaphore_mem>>
      %dma_start3A = arith.constant 0 : i32
      %dma_start3A_47 = tpu.memref_slice %arg16[%dma_start3A] : memref<144xf32, #tpu.memory_space<vmem>> -> memref<128xf32, #tpu.memory_space<vmem>>
      %dma_start3A_48 = arith.constant 0 : i32
      %dma_start3A_49 = tpu.memref_slice %arg6[%add3A, %dma_start3A_48] : memref<32x128xf32, #tpu.memory_space<hbm>> -> memref<1x128xf32, #tpu.memory_space<hbm>>
      %dma_start3A_50 = tpu.memref_squeeze %dma_start3A_49 : memref<1x128xf32, #tpu.memory_space<hbm>> -> memref<128xf32, #tpu.memory_space<hbm>>
      %dma_start3A_51 = arith.constant 0 : i32
      %dma_start3A_52 = tpu.memref_slice %arg16[%dma_start3A_51] : memref<144xf32, #tpu.memory_space<vmem>> -> memref<128xf32, #tpu.memory_space<vmem>>
      %dma_start3A_53 = arith.constant 0 : i32
      %dma_start3A_54 = tpu.memref_slice %arg6[%add3A, %dma_start3A_53] : memref<32x128xf32, #tpu.memory_space<hbm>> -> memref<1x128xf32, #tpu.memory_space<hbm>>
      %dma_start3A_55 = tpu.memref_squeeze %dma_start3A_54 : memref<1x128xf32, #tpu.memory_space<hbm>> -> memref<128xf32, #tpu.memory_space<hbm>>
      tpu.enqueue_dma source(%dma_start3A_55 : memref<128xf32, #tpu.memory_space<hbm>>) target(%dma_start3A_52 : memref<128xf32, #tpu.memory_space<vmem>>) target_semaphore(%run_scoped3A : memref<!tpu.dma_semaphore, #tpu.memory_space<semaphore_mem>>)
      %dma_wait3A = arith.constant 0 : i32
      %dma_wait3A_56 = tpu.memref_slice %arg16[%dma_wait3A] : memref<144xf32, #tpu.memory_space<vmem>> -> memref<128xf32, #tpu.memory_space<vmem>>
      %dma_wait3A_57 = arith.constant 0 : i32
      %dma_wait3A_58 = tpu.memref_slice %arg6[%add3A, %dma_wait3A_57] : memref<32x128xf32, #tpu.memory_space<hbm>> -> memref<1x128xf32, #tpu.memory_space<hbm>>
      %dma_wait3A_59 = tpu.memref_squeeze %dma_wait3A_58 : memref<1x128xf32, #tpu.memory_space<hbm>> -> memref<128xf32, #tpu.memory_space<hbm>>
      %dma_wait3A_60 = arith.constant 0 : i32
      %dma_wait3A_61 = tpu.memref_slice %arg16[%dma_wait3A_60] : memref<144xf32, #tpu.memory_space<vmem>> -> memref<128xf32, #tpu.memory_space<vmem>>
      %dma_wait3A_62 = arith.constant 0 : i32
      %dma_wait3A_63 = tpu.memref_slice %arg6[%add3A, %dma_wait3A_62] : memref<32x128xf32, #tpu.memory_space<hbm>> -> memref<1x128xf32, #tpu.memory_space<hbm>>
      %dma_wait3A_64 = tpu.memref_squeeze %dma_wait3A_63 : memref<1x128xf32, #tpu.memory_space<hbm>> -> memref<128xf32, #tpu.memory_space<hbm>>
      tpu.wait_dma2 semaphore(%run_scoped3A : memref<!tpu.dma_semaphore, #tpu.memory_space<semaphore_mem>>) src(%dma_wait3A_64 : memref<128xf32, #tpu.memory_space<hbm>>) dst(%dma_wait3A_61 : memref<128xf32, #tpu.memory_space<vmem>>)
      tpu.yield
    }) : () -> ()
    "tpu.region"() ({
      %run_scoped3A = tpu.sem_alloc : memref<!tpu.dma_semaphore, #tpu.memory_space<semaphore_mem>>
      %dma_start3A = arith.constant 0 : i32
      %dma_start3A_47 = tpu.memref_slice %arg17[%dma_start3A] : memref<144xf32, #tpu.memory_space<vmem>> -> memref<128xf32, #tpu.memory_space<vmem>>
      %dma_start3A_48 = arith.constant 0 : i32
      %dma_start3A_49 = tpu.memref_slice %arg7[%add3A, %dma_start3A_48] : memref<32x128xf32, #tpu.memory_space<hbm>> -> memref<1x128xf32, #tpu.memory_space<hbm>>
      %dma_start3A_50 = tpu.memref_squeeze %dma_start3A_49 : memref<1x128xf32, #tpu.memory_space<hbm>> -> memref<128xf32, #tpu.memory_space<hbm>>
      %dma_start3A_51 = arith.constant 0 : i32
      %dma_start3A_52 = tpu.memref_slice %arg17[%dma_start3A_51] : memref<144xf32, #tpu.memory_space<vmem>> -> memref<128xf32, #tpu.memory_space<vmem>>
      %dma_start3A_53 = arith.constant 0 : i32
      %dma_start3A_54 = tpu.memref_slice %arg7[%add3A, %dma_start3A_53] : memref<32x128xf32, #tpu.memory_space<hbm>> -> memref<1x128xf32, #tpu.memory_space<hbm>>
      %dma_start3A_55 = tpu.memref_squeeze %dma_start3A_54 : memref<1x128xf32, #tpu.memory_space<hbm>> -> memref<128xf32, #tpu.memory_space<hbm>>
      tpu.enqueue_dma source(%dma_start3A_55 : memref<128xf32, #tpu.memory_space<hbm>>) target(%dma_start3A_52 : memref<128xf32, #tpu.memory_space<vmem>>) target_semaphore(%run_scoped3A : memref<!tpu.dma_semaphore, #tpu.memory_space<semaphore_mem>>)
      %dma_wait3A = arith.constant 0 : i32
      %dma_wait3A_56 = tpu.memref_slice %arg17[%dma_wait3A] : memref<144xf32, #tpu.memory_space<vmem>> -> memref<128xf32, #tpu.memory_space<vmem>>
      %dma_wait3A_57 = arith.constant 0 : i32
      %dma_wait3A_58 = tpu.memref_slice %arg7[%add3A, %dma_wait3A_57] : memref<32x128xf32, #tpu.memory_space<hbm>> -> memref<1x128xf32, #tpu.memory_space<hbm>>
      %dma_wait3A_59 = tpu.memref_squeeze %dma_wait3A_58 : memref<1x128xf32, #tpu.memory_space<hbm>> -> memref<128xf32, #tpu.memory_space<hbm>>
      %dma_wait3A_60 = arith.constant 0 : i32
      %dma_wait3A_61 = tpu.memref_slice %arg17[%dma_wait3A_60] : memref<144xf32, #tpu.memory_space<vmem>> -> memref<128xf32, #tpu.memory_space<vmem>>
      %dma_wait3A_62 = arith.constant 0 : i32
      %dma_wait3A_63 = tpu.memref_slice %arg7[%add3A, %dma_wait3A_62] : memref<32x128xf32, #tpu.memory_space<hbm>> -> memref<1x128xf32, #tpu.memory_space<hbm>>
      %dma_wait3A_64 = tpu.memref_squeeze %dma_wait3A_63 : memref<1x128xf32, #tpu.memory_space<hbm>> -> memref<128xf32, #tpu.memory_space<hbm>>
      tpu.wait_dma2 semaphore(%run_scoped3A : memref<!tpu.dma_semaphore, #tpu.memory_space<semaphore_mem>>) src(%dma_wait3A_64 : memref<128xf32, #tpu.memory_space<hbm>>) dst(%dma_wait3A_61 : memref<128xf32, #tpu.memory_space<vmem>>)
      tpu.yield
    }) : () -> ()
    "tpu.region"() ({
      %run_scoped3A = tpu.sem_alloc : memref<!tpu.dma_semaphore, #tpu.memory_space<semaphore_mem>>
      %dma_start3A = arith.constant 0 : i32
      %dma_start3A_47 = tpu.memref_slice %arg18[%dma_start3A] : memref<144xf32, #tpu.memory_space<vmem>> -> memref<128xf32, #tpu.memory_space<vmem>>
      %dma_start3A_48 = arith.constant 0 : i32
      %dma_start3A_49 = tpu.memref_slice %arg8[%add3A, %dma_start3A_48] : memref<32x128xf32, #tpu.memory_space<hbm>> -> memref<1x128xf32, #tpu.memory_space<hbm>>
      %dma_start3A_50 = tpu.memref_squeeze %dma_start3A_49 : memref<1x128xf32, #tpu.memory_space<hbm>> -> memref<128xf32, #tpu.memory_space<hbm>>
      %dma_start3A_51 = arith.constant 0 : i32
      %dma_start3A_52 = tpu.memref_slice %arg18[%dma_start3A_51] : memref<144xf32, #tpu.memory_space<vmem>> -> memref<128xf32, #tpu.memory_space<vmem>>
      %dma_start3A_53 = arith.constant 0 : i32
      %dma_start3A_54 = tpu.memref_slice %arg8[%add3A, %dma_start3A_53] : memref<32x128xf32, #tpu.memory_space<hbm>> -> memref<1x128xf32, #tpu.memory_space<hbm>>
      %dma_start3A_55 = tpu.memref_squeeze %dma_start3A_54 : memref<1x128xf32, #tpu.memory_space<hbm>> -> memref<128xf32, #tpu.memory_space<hbm>>
      tpu.enqueue_dma source(%dma_start3A_55 : memref<128xf32, #tpu.memory_space<hbm>>) target(%dma_start3A_52 : memref<128xf32, #tpu.memory_space<vmem>>) target_semaphore(%run_scoped3A : memref<!tpu.dma_semaphore, #tpu.memory_space<semaphore_mem>>)
      %dma_wait3A = arith.constant 0 : i32
      %dma_wait3A_56 = tpu.memref_slice %arg18[%dma_wait3A] : memref<144xf32, #tpu.memory_space<vmem>> -> memref<128xf32, #tpu.memory_space<vmem>>
      %dma_wait3A_57 = arith.constant 0 : i32
      %dma_wait3A_58 = tpu.memref_slice %arg8[%add3A, %dma_wait3A_57] : memref<32x128xf32, #tpu.memory_space<hbm>> -> memref<1x128xf32, #tpu.memory_space<hbm>>
      %dma_wait3A_59 = tpu.memref_squeeze %dma_wait3A_58 : memref<1x128xf32, #tpu.memory_space<hbm>> -> memref<128xf32, #tpu.memory_space<hbm>>
      %dma_wait3A_60 = arith.constant 0 : i32
      %dma_wait3A_61 = tpu.memref_slice %arg18[%dma_wait3A_60] : memref<144xf32, #tpu.memory_space<vmem>> -> memref<128xf32, #tpu.memory_space<vmem>>
      %dma_wait3A_62 = arith.constant 0 : i32
      %dma_wait3A_63 = tpu.memref_slice %arg8[%add3A, %dma_wait3A_62] : memref<32x128xf32, #tpu.memory_space<hbm>> -> memref<1x128xf32, #tpu.memory_space<hbm>>
      %dma_wait3A_64 = tpu.memref_squeeze %dma_wait3A_63 : memref<1x128xf32, #tpu.memory_space<hbm>> -> memref<128xf32, #tpu.memory_space<hbm>>
      tpu.wait_dma2 semaphore(%run_scoped3A : memref<!tpu.dma_semaphore, #tpu.memory_space<semaphore_mem>>) src(%dma_wait3A_64 : memref<128xf32, #tpu.memory_space<hbm>>) dst(%dma_wait3A_61 : memref<128xf32, #tpu.memory_space<vmem>>)
      tpu.yield
    }) : () -> ()
    %iota3A = tpu.iota {dimensions = array<i32: 0>} : vector<16xi32>
    %mul3A_1 = arith.constant 27 : i32
    %mul3A_2 = vector.broadcast %mul3A_1 : i32 to vector<16xi32>
    %mul3A_3 = arith.muli %iota3A, %mul3A_2 : vector<16xi32>
    %scan3A = arith.constant 0 : i32
    %scan3A_4 = arith.constant 0 : i32
    %scan3A_5 = arith.constant 216 : i32
    %scan3A_6 = arith.addi %scan3A_4, %scan3A_5 : i32
    %scan3A_7 = arith.constant 1 : i32
    %scan3A_8 = scf.for %scan3A_47 = %scan3A_4 to %scan3A_6 step %scan3A_7 iter_args(%scan3A_48 = %scan3A) -> (i32)  : i32 {
      %jit3A = arith.constant 8 : i32
      %div3A = arith.divsi %scan3A_47, %jit3A : i32
      %sign3A = arith.constant 0 : i32
      %sign3A_49 = arith.cmpi sgt, %scan3A_47, %sign3A : i32
      %sign3A_50 = arith.extui %sign3A_49 : i1 to i32
      %sign3A_51 = arith.constant 0 : i32
      %sign3A_52 = arith.cmpi slt, %scan3A_47, %sign3A_51 : i32
      %sign3A_53 = arith.extui %sign3A_52 : i1 to i32
      %sign3A_54 = arith.subi %sign3A_50, %sign3A_53 : i32
      %sign3A_55 = arith.constant 0 : i32
      %sign3A_56 = arith.cmpi sgt, %jit3A, %sign3A_55 : i32
      %sign3A_57 = arith.extui %sign3A_56 : i1 to i32
      %sign3A_58 = arith.constant 0 : i32
      %sign3A_59 = arith.cmpi slt, %jit3A, %sign3A_58 : i32
      %sign3A_60 = arith.extui %sign3A_59 : i1 to i32
      %sign3A_61 = arith.subi %sign3A_57, %sign3A_60 : i32
      %ne3A = arith.cmpi ne, %sign3A_54, %sign3A_61 : i32
      %rem3A = arith.remsi %scan3A_47, %jit3A : i32
      %ne3A_62 = arith.constant 0 : i32
      %ne3A_63 = arith.cmpi ne, %rem3A, %ne3A_62 : i32
      %and3A = arith.andi %ne3A, %ne3A_63 : i1
      %sub3A = arith.constant 1 : i32
      %sub3A_64 = arith.subi %div3A, %sub3A : i32
      %select_n3A = arith.select %and3A, %sub3A_64, %div3A : i32
      %jit3A_65 = arith.constant 8 : i32
      %eq3A = arith.constant 0 : i32
      %eq3A_66 = arith.cmpi eq, %jit3A_65, %eq3A : i32
      %jit3A_67 = arith.constant 1 : i32
      %select_n3A_68 = arith.select %eq3A_66, %jit3A_67, %jit3A_65 : i32
      %rem3A_69 = arith.remsi %scan3A_47, %select_n3A_68 : i32
      %ne3A_70 = arith.constant 0 : i32
      %ne3A_71 = arith.cmpi ne, %rem3A_69, %ne3A_70 : i32
      %lt3A = arith.constant 0 : i32
      %lt3A_72 = arith.cmpi slt, %rem3A_69, %lt3A : i32
      %lt3A_73 = arith.constant 0 : i32
      %lt3A_74 = arith.cmpi slt, %select_n3A_68, %lt3A_73 : i32
      %ne3A_75 = arith.xori %lt3A_72, %lt3A_74 : i1
      %and3A_76 = arith.andi %ne3A_75, %ne3A_71 : i1
      %add3A_77 = arith.addi %rem3A_69, %select_n3A_68 : i32
      %select_n3A_78 = arith.select %and3A_76, %add3A_77, %rem3A_69 : i32
      %mul3A_79 = arith.constant 16 : i32
      %mul3A_80 = arith.muli %select_n3A_78, %mul3A_79 : i32
      %mul3A_81 = arith.constant 16 : i32
      %mul3A_82 = arith.muli %scan3A_47, %mul3A_81 : i32
      %get3A_83 = arith.index_cast %select_n3A : i32 to index
      %get3A_84 = tpu.vector_load %arg15[%get3A_83] {strides = array<i32>} : memref<144xf32, #tpu.memory_space<vmem>>, vector<16xf32>,
      %slice3A_85 = vector.extract_strided_slice %get3A_84 {offsets = [0], sizes = [1], strides = [1]} : vector<16xf32> to vector<1xf32>
      %squeeze3A_86 = vector.extract %slice3A_85[0] : f32 from vector<1xf32>
      %get3A_87 = arith.index_cast %select_n3A : i32 to index
      %get3A_88 = tpu.vector_load %arg16[%get3A_87] {strides = array<i32>} : memref<144xf32, #tpu.memory_space<vmem>>, vector<16xf32>,
      %slice3A_89 = vector.extract_strided_slice %get3A_88 {offsets = [0], sizes = [1], strides = [1]} : vector<16xf32> to vector<1xf32>
      %squeeze3A_90 = vector.extract %slice3A_89[0] : f32 from vector<1xf32>
      %get3A_91 = arith.index_cast %select_n3A : i32 to index
      %get3A_92 = tpu.vector_load %arg17[%get3A_91] {strides = array<i32>} : memref<144xf32, #tpu.memory_space<vmem>>, vector<16xf32>,
      %slice3A_93 = vector.extract_strided_slice %get3A_92 {offsets = [0], sizes = [1], strides = [1]} : vector<16xf32> to vector<1xf32>
      %squeeze3A_94 = vector.extract %slice3A_93[0] : f32 from vector<1xf32>
      %get3A_95 = arith.index_cast %mul3A_80 : i32 to index
      %get3A_96 = tpu.vector_load %arg12[%get3A_95] {strides = array<i32>} : memref<144xf32, #tpu.memory_space<vmem>>, vector<16xf32>,
      %add3A_97 = vector.broadcast %squeeze3A_86 : f32 to vector<16xf32>
      %add3A_98 = arith.addf %get3A_96, %add3A_97 : vector<16xf32>
      %swap3A = arith.index_cast %mul3A_82 : i32 to index
      %swap3A_99 = tpu.vector_load %arg19[%swap3A] {strides = array<i32>} : memref<3456xf32, #tpu.memory_space<vmem>>, vector<16xf32>,
      tpu.vector_store %arg19[%swap3A], %add3A_98 {strides = array<i32>} : memref<3456xf32, #tpu.memory_space<vmem>>, vector<16xf32>,
      %get3A_100 = arith.index_cast %mul3A_80 : i32 to index
      %get3A_101 = tpu.vector_load %arg13[%get3A_100] {strides = array<i32>} : memref<144xf32, #tpu.memory_space<vmem>>, vector<16xf32>,
      %add3A_102 = vector.broadcast %squeeze3A_90 : f32 to vector<16xf32>
      %add3A_103 = arith.addf %get3A_101, %add3A_102 : vector<16xf32>
      %swap3A_104 = arith.index_cast %mul3A_82 : i32 to index
      %swap3A_105 = tpu.vector_load %arg20[%swap3A_104] {strides = array<i32>} : memref<3456xf32, #tpu.memory_space<vmem>>, vector<16xf32>,
      tpu.vector_store %arg20[%swap3A_104], %add3A_103 {strides = array<i32>} : memref<3456xf32, #tpu.memory_space<vmem>>, vector<16xf32>,
      %get3A_106 = arith.index_cast %mul3A_80 : i32 to index
      %get3A_107 = tpu.vector_load %arg14[%get3A_106] {strides = array<i32>} : memref<144xf32, #tpu.memory_space<vmem>>, vector<16xf32>,
      %add3A_108 = vector.broadcast %squeeze3A_94 : f32 to vector<16xf32>
      %add3A_109 = arith.addf %get3A_107, %add3A_108 : vector<16xf32>
      %swap3A_110 = arith.index_cast %mul3A_82 : i32 to index
      %swap3A_111 = tpu.vector_load %arg21[%swap3A_110] {strides = array<i32>} : memref<3456xf32, #tpu.memory_space<vmem>>, vector<16xf32>,
      tpu.vector_store %arg21[%swap3A_110], %add3A_109 {strides = array<i32>} : memref<3456xf32, #tpu.memory_space<vmem>>, vector<16xf32>,
      %mul3A_112 = arith.constant 27 : i32
      %mul3A_113 = arith.muli %mul3A_80, %mul3A_112 : i32
      %add3A_114 = arith.addi %mul3A_113, %select_n3A : i32
      %add3A_115 = vector.broadcast %add3A_114 : i32 to vector<16xi32>
      %add3A_116 = arith.addi %mul3A_3, %add3A_115 : vector<16xi32>
      %swap3A_117 = arith.index_cast %mul3A_82 : i32 to index
      %swap3A_118 = tpu.vector_load %arg22[%swap3A_117] {strides = array<i32>} : memref<3456xi32, #tpu.memory_space<vmem>>, vector<16xi32>,
      tpu.vector_store %arg22[%swap3A_117], %add3A_116 {strides = array<i32>} : memref<3456xi32, #tpu.memory_space<vmem>>, vector<16xi32>,
      %scan3A_119 = arith.constant 0 : i32
      scf.yield %scan3A_119 : i32
    }
    %scan3A_9 = arith.constant 216 : i32
    %get3A = arith.constant 0 : index
    %get3A_10 = tpu.vector_load %arg18[%get3A] {strides = array<i32>} : memref<144xf32, #tpu.memory_space<vmem>>, vector<16xf32>,
    %slice3A = vector.extract_strided_slice %get3A_10 {offsets = [0], sizes = [1], strides = [1]} : vector<16xf32> to vector<1xf32>
    %squeeze3A = vector.extract %slice3A[0] : f32 from vector<1xf32>
    %slice3A_11 = vector.extract_strided_slice %get3A_10 {offsets = [3], sizes = [1], strides = [1]} : vector<16xf32> to vector<1xf32>
    %squeeze3A_12 = vector.extract %slice3A_11[0] : f32 from vector<1xf32>
    %slice3A_13 = vector.extract_strided_slice %get3A_10 {offsets = [6], sizes = [1], strides = [1]} : vector<16xf32> to vector<1xf32>
    %squeeze3A_14 = vector.extract %slice3A_13[0] : f32 from vector<1xf32>
    %slice3A_15 = vector.extract_strided_slice %get3A_10 {offsets = [1], sizes = [1], strides = [1]} : vector<16xf32> to vector<1xf32>
    %squeeze3A_16 = vector.extract %slice3A_15[0] : f32 from vector<1xf32>
    %slice3A_17 = vector.extract_strided_slice %get3A_10 {offsets = [4], sizes = [1], strides = [1]} : vector<16xf32> to vector<1xf32>
    %squeeze3A_18 = vector.extract %slice3A_17[0] : f32 from vector<1xf32>
    %slice3A_19 = vector.extract_strided_slice %get3A_10 {offsets = [7], sizes = [1], strides = [1]} : vector<16xf32> to vector<1xf32>
    %squeeze3A_20 = vector.extract %slice3A_19[0] : f32 from vector<1xf32>
    %slice3A_21 = vector.extract_strided_slice %get3A_10 {offsets = [2], sizes = [1], strides = [1]} : vector<16xf32> to vector<1xf32>
    %squeeze3A_22 = vector.extract %slice3A_21[0] : f32 from vector<1xf32>
    %slice3A_23 = vector.extract_strided_slice %get3A_10 {offsets = [5], sizes = [1], strides = [1]} : vector<16xf32> to vector<1xf32>
    %squeeze3A_24 = vector.extract %slice3A_23[0] : f32 from vector<1xf32>
    %slice3A_25 = vector.extract_strided_slice %get3A_10 {offsets = [8], sizes = [1], strides = [1]} : vector<16xf32> to vector<1xf32>
    %squeeze3A_26 = vector.extract %slice3A_25[0] : f32 from vector<1xf32>
    %slice3A_27 = vector.extract_strided_slice %get3A_10 {offsets = [9], sizes = [1], strides = [1]} : vector<16xf32> to vector<1xf32>
    %squeeze3A_28 = vector.extract %slice3A_27[0] : f32 from vector<1xf32>
    %slice3A_29 = vector.extract_strided_slice %get3A_10 {offsets = [10], sizes = [1], strides = [1]} : vector<16xf32> to vector<1xf32>
    %squeeze3A_30 = vector.extract %slice3A_29[0] : f32 from vector<1xf32>
    %slice3A_31 = vector.extract_strided_slice %get3A_10 {offsets = [11], sizes = [1], strides = [1]} : vector<16xf32> to vector<1xf32>
    %squeeze3A_32 = vector.extract %slice3A_31[0] : f32 from vector<1xf32>
    %scan3A_33 = arith.constant 0 : i32
    %scan3A_34 = arith.constant 0 : i32
    %scan3A_35 = arith.constant 8 : i32
    %scan3A_36 = arith.addi %scan3A_34, %scan3A_35 : i32
    %scan3A_37 = arith.constant 1 : i32
    %scan3A_38 = scf.for %scan3A_47 = %scan3A_34 to %scan3A_36 step %scan3A_37 iter_args(%scan3A_48 = %scan3A_33) -> (i32)  : i32 {
      %mul3A_49 = arith.constant 16 : i32
      %mul3A_50 = arith.muli %scan3A_47, %mul3A_49 : i32
      %get3A_51 = arith.index_cast %mul3A_50 : i32 to index
      %get3A_52 = tpu.vector_load %arg12[%get3A_51] {strides = array<i32>} : memref<144xf32, #tpu.memory_space<vmem>>, vector<16xf32>,
      %get3A_53 = arith.index_cast %mul3A_50 : i32 to index
      %get3A_54 = tpu.vector_load %arg13[%get3A_53] {strides = array<i32>} : memref<144xf32, #tpu.memory_space<vmem>>, vector<16xf32>,
      %get3A_55 = arith.index_cast %mul3A_50 : i32 to index
      %get3A_56 = tpu.vector_load %arg14[%get3A_55] {strides = array<i32>} : memref<144xf32, #tpu.memory_space<vmem>>, vector<16xf32>,
      %mul3A_57 = vector.broadcast %squeeze3A : f32 to vector<16xf32>
      %mul3A_58 = arith.mulf %get3A_52, %mul3A_57 : vector<16xf32>
      %mul3A_59 = vector.broadcast %squeeze3A_12 : f32 to vector<16xf32>
      %mul3A_60 = arith.mulf %get3A_54, %mul3A_59 : vector<16xf32>
      %add3A_61 = arith.addf %mul3A_58, %mul3A_60 : vector<16xf32>
      %mul3A_62 = vector.broadcast %squeeze3A_14 : f32 to vector<16xf32>
      %mul3A_63 = arith.mulf %get3A_56, %mul3A_62 : vector<16xf32>
      %add3A_64 = arith.addf %add3A_61, %mul3A_63 : vector<16xf32>
      %swap3A = arith.index_cast %mul3A_50 : i32 to index
      %swap3A_65 = tpu.vector_load %arg23[%swap3A] {strides = array<i32>} : memref<144xf32, #tpu.memory_space<vmem>>, vector<16xf32>,
      tpu.vector_store %arg23[%swap3A], %add3A_64 {strides = array<i32>} : memref<144xf32, #tpu.memory_space<vmem>>, vector<16xf32>,
      %mul3A_66 = vector.broadcast %squeeze3A_16 : f32 to vector<16xf32>
      %mul3A_67 = arith.mulf %get3A_52, %mul3A_66 : vector<16xf32>
      %mul3A_68 = vector.broadcast %squeeze3A_18 : f32 to vector<16xf32>
      %mul3A_69 = arith.mulf %get3A_54, %mul3A_68 : vector<16xf32>
      %add3A_70 = arith.addf %mul3A_67, %mul3A_69 : vector<16xf32>
      %mul3A_71 = vector.broadcast %squeeze3A_20 : f32 to vector<16xf32>
      %mul3A_72 = arith.mulf %get3A_56, %mul3A_71 : vector<16xf32>
      %add3A_73 = arith.addf %add3A_70, %mul3A_72 : vector<16xf32>
      %swap3A_74 = arith.index_cast %mul3A_50 : i32 to index
      %swap3A_75 = tpu.vector_load %arg24[%swap3A_74] {strides = array<i32>} : memref<144xf32, #tpu.memory_space<vmem>>, vector<16xf32>,
      tpu.vector_store %arg24[%swap3A_74], %add3A_73 {strides = array<i32>} : memref<144xf32, #tpu.memory_space<vmem>>, vector<16xf32>,
      %mul3A_76 = vector.broadcast %squeeze3A_22 : f32 to vector<16xf32>
      %mul3A_77 = arith.mulf %get3A_52, %mul3A_76 : vector<16xf32>
      %mul3A_78 = vector.broadcast %squeeze3A_24 : f32 to vector<16xf32>
      %mul3A_79 = arith.mulf %get3A_54, %mul3A_78 : vector<16xf32>
      %add3A_80 = arith.addf %mul3A_77, %mul3A_79 : vector<16xf32>
      %mul3A_81 = vector.broadcast %squeeze3A_26 : f32 to vector<16xf32>
      %mul3A_82 = arith.mulf %get3A_56, %mul3A_81 : vector<16xf32>
      %add3A_83 = arith.addf %add3A_80, %mul3A_82 : vector<16xf32>
      %swap3A_84 = arith.index_cast %mul3A_50 : i32 to index
      %swap3A_85 = tpu.vector_load %arg25[%swap3A_84] {strides = array<i32>} : memref<144xf32, #tpu.memory_space<vmem>>, vector<16xf32>,
      tpu.vector_store %arg25[%swap3A_84], %add3A_83 {strides = array<i32>} : memref<144xf32, #tpu.memory_space<vmem>>, vector<16xf32>,
      %scan3A_86 = arith.constant 0 : i32
      scf.yield %scan3A_86 : i32
    }
    %scan3A_39 = arith.constant 8 : i32
    %scan3A_40 = arith.constant 0 : i32
    %scan3A_41 = arith.constant 0 : i32
    %scan3A_42 = arith.constant 128 : i32
    %scan3A_43 = arith.addi %scan3A_41, %scan3A_42 : i32
    %scan3A_44 = arith.constant 1 : i32
    %scan3A_45 = scf.for %scan3A_47 = %scan3A_41 to %scan3A_43 step %scan3A_44 iter_args(%scan3A_48 = %scan3A_40) -> (i32)  : i32 {
      %get3A_49 = arith.index_cast %scan3A_47 : i32 to index
      %get3A_50 = tpu.vector_load %arg12[%get3A_49] {strides = array<i32>} : memref<144xf32, #tpu.memory_space<vmem>>, vector<16xf32>,
      %slice3A_51 = vector.extract_strided_slice %get3A_50 {offsets = [0], sizes = [1], strides = [1]} : vector<16xf32> to vector<1xf32>
      %squeeze3A_52 = vector.extract %slice3A_51[0] : f32 from vector<1xf32>
      %get3A_53 = arith.index_cast %scan3A_47 : i32 to index
      %get3A_54 = tpu.vector_load %arg13[%get3A_53] {strides = array<i32>} : memref<144xf32, #tpu.memory_space<vmem>>, vector<16xf32>,
      %slice3A_55 = vector.extract_strided_slice %get3A_54 {offsets = [0], sizes = [1], strides = [1]} : vector<16xf32> to vector<1xf32>
      %squeeze3A_56 = vector.extract %slice3A_55[0] : f32 from vector<1xf32>
      %get3A_57 = arith.index_cast %scan3A_47 : i32 to index
      %get3A_58 = tpu.vector_load %arg14[%get3A_57] {strides = array<i32>} : memref<144xf32, #tpu.memory_space<vmem>>, vector<16xf32>,
      %slice3A_59 = vector.extract_strided_slice %get3A_58 {offsets = [0], sizes = [1], strides = [1]} : vector<16xf32> to vector<1xf32>
      %squeeze3A_60 = vector.extract %slice3A_59[0] : f32 from vector<1xf32>
      %get3A_61 = arith.index_cast %scan3A_47 : i32 to index
      %get3A_62 = tpu.vector_load %arg23[%get3A_61] {strides = array<i32>} : memref<144xf32, #tpu.memory_space<vmem>>, vector<16xf32>,
      %slice3A_63 = vector.extract_strided_slice %get3A_62 {offsets = [0], sizes = [1], strides = [1]} : vector<16xf32> to vector<1xf32>
      %squeeze3A_64 = vector.extract %slice3A_63[0] : f32 from vector<1xf32>
      %get3A_65 = arith.index_cast %scan3A_47 : i32 to index
      %get3A_66 = tpu.vector_load %arg24[%get3A_65] {strides = array<i32>} : memref<144xf32, #tpu.memory_space<vmem>>, vector<16xf32>,
      %slice3A_67 = vector.extract_strided_slice %get3A_66 {offsets = [0], sizes = [1], strides = [1]} : vector<16xf32> to vector<1xf32>
      %squeeze3A_68 = vector.extract %slice3A_67[0] : f32 from vector<1xf32>
      %get3A_69 = arith.index_cast %scan3A_47 : i32 to index
      %get3A_70 = tpu.vector_load %arg25[%get3A_69] {strides = array<i32>} : memref<144xf32, #tpu.memory_space<vmem>>, vector<16xf32>,
      %slice3A_71 = vector.extract_strided_slice %get3A_70 {offsets = [0], sizes = [1], strides = [1]} : vector<16xf32> to vector<1xf32>
      %squeeze3A_72 = vector.extract %slice3A_71[0] : f32 from vector<1xf32>
      %mul3A_73 = arith.mulf %squeeze3A_64, %squeeze3A_28 : f32
      %gt3A = arith.constant 5.010000e+00 : f32
      %gt3A_74 = arith.cmpf ogt, %mul3A_73, %gt3A : f32
      %not3A = arith.constant true
      %not3A_75 = arith.xori %gt3A_74, %not3A : i1
      %mul3A_76 = arith.mulf %squeeze3A_68, %squeeze3A_30 : f32
      %gt3A_77 = arith.constant 5.010000e+00 : f32
      %gt3A_78 = arith.cmpf ogt, %mul3A_76, %gt3A_77 : f32
      %not3A_79 = arith.constant true
      %not3A_80 = arith.xori %gt3A_78, %not3A_79 : i1
      %mul3A_81 = arith.mulf %squeeze3A_72, %squeeze3A_32 : f32
      %gt3A_82 = arith.constant 5.010000e+00 : f32
      %gt3A_83 = arith.cmpf ogt, %mul3A_81, %gt3A_82 : f32
      %not3A_84 = arith.constant true
      %not3A_85 = arith.xori %gt3A_83, %not3A_84 : i1
      %sub3A = arith.constant 1.000000e+00 : f32
      %sub3A_86 = arith.subf %sub3A, %squeeze3A_64 : f32
      %mul3A_87 = arith.mulf %sub3A_86, %squeeze3A_28 : f32
      %gt3A_88 = arith.constant 5.010000e+00 : f32
      %gt3A_89 = arith.cmpf ogt, %mul3A_87, %gt3A_88 : f32
      %not3A_90 = arith.constant true
      %not3A_91 = arith.xori %gt3A_89, %not3A_90 : i1
      %sub3A_92 = arith.constant 1.000000e+00 : f32
      %sub3A_93 = arith.subf %sub3A_92, %squeeze3A_68 : f32
      %mul3A_94 = arith.mulf %sub3A_93, %squeeze3A_30 : f32
      %gt3A_95 = arith.constant 5.010000e+00 : f32
      %gt3A_96 = arith.cmpf ogt, %mul3A_94, %gt3A_95 : f32
      %not3A_97 = arith.constant true
      %not3A_98 = arith.xori %gt3A_96, %not3A_97 : i1
      %sub3A_99 = arith.constant 1.000000e+00 : f32
      %sub3A_100 = arith.subf %sub3A_99, %squeeze3A_72 : f32
      %mul3A_101 = arith.mulf %sub3A_100, %squeeze3A_32 : f32
      %gt3A_102 = arith.constant 5.010000e+00 : f32
      %gt3A_103 = arith.cmpf ogt, %mul3A_101, %gt3A_102 : f32
      %not3A_104 = arith.constant true
      %not3A_105 = arith.xori %gt3A_103, %not3A_104 : i1
      %and3A = arith.andi %not3A_75, %not3A_80 : i1
      %and3A_106 = arith.andi %and3A, %not3A_85 : i1
      %swap3A = arith.constant 0 : i32
      %swap3A_107 = arith.constant 0 : i32
      %swap3A_108 = arith.index_cast %swap3A_107 : i32 to index
      %swap3A_109 = memref.load %arg33[%swap3A_108] : memref<32xi32, #tpu.memory_space<smem>>
      memref.store %swap3A, %arg33[%swap3A_108] : memref<32xi32, #tpu.memory_space<smem>>
      %convert_element_type3A = arith.extui %and3A_106 : i1 to i32
      %add3A_110 = arith.constant 0 : i32
      %add3A_111 = arith.addi %add3A_110, %convert_element_type3A : i32
      %and3A_112 = arith.andi %not3A_75, %not3A_80 : i1
      %swap3A_113 = arith.constant 1 : i32
      %swap3A_114 = arith.index_cast %add3A_111 : i32 to index
      %swap3A_115 = memref.load %arg33[%swap3A_114] : memref<32xi32, #tpu.memory_space<smem>>
      memref.store %swap3A_113, %arg33[%swap3A_114] : memref<32xi32, #tpu.memory_space<smem>>
      %convert_element_type3A_116 = arith.extui %and3A_112 : i1 to i32
      %add3A_117 = arith.addi %add3A_111, %convert_element_type3A_116 : i32
      %and3A_118 = arith.andi %not3A_75, %not3A_80 : i1
      %and3A_119 = arith.andi %and3A_118, %not3A_105 : i1
      %swap3A_120 = arith.constant 2 : i32
      %swap3A_121 = arith.index_cast %add3A_117 : i32 to index
      %swap3A_122 = memref.load %arg33[%swap3A_121] : memref<32xi32, #tpu.memory_space<smem>>
      memref.store %swap3A_120, %arg33[%swap3A_121] : memref<32xi32, #tpu.memory_space<smem>>
      %convert_element_type3A_123 = arith.extui %and3A_119 : i1 to i32
      %add3A_124 = arith.addi %add3A_117, %convert_element_type3A_123 : i32
      %and3A_125 = arith.andi %not3A_75, %not3A_85 : i1
      %swap3A_126 = arith.constant 3 : i32
      %swap3A_127 = arith.index_cast %add3A_124 : i32 to index
      %swap3A_128 = memref.load %arg33[%swap3A_127] : memref<32xi32, #tpu.memory_space<smem>>
      memref.store %swap3A_126, %arg33[%swap3A_127] : memref<32xi32, #tpu.memory_space<smem>>
      %convert_element_type3A_129 = arith.extui %and3A_125 : i1 to i32
      %add3A_130 = arith.addi %add3A_124, %convert_element_type3A_129 : i32
      %swap3A_131 = arith.constant 4 : i32
      %swap3A_132 = arith.index_cast %add3A_130 : i32 to index
      %swap3A_133 = memref.load %arg33[%swap3A_132] : memref<32xi32, #tpu.memory_space<smem>>
      memref.store %swap3A_131, %arg33[%swap3A_132] : memref<32xi32, #tpu.memory_space<smem>>
      %convert_element_type3A_134 = arith.extui %not3A_75 : i1 to i32
      %add3A_135 = arith.addi %add3A_130, %convert_element_type3A_134 : i32
      %and3A_136 = arith.andi %not3A_75, %not3A_105 : i1
      %swap3A_137 = arith.constant 5 : i32
      %swap3A_138 = arith.index_cast %add3A_135 : i32 to index
      %swap3A_139 = memref.load %arg33[%swap3A_138] : memref<32xi32, #tpu.memory_space<smem>>
      memref.store %swap3A_137, %arg33[%swap3A_138] : memref<32xi32, #tpu.memory_space<smem>>
      %convert_element_type3A_140 = arith.extui %and3A_136 : i1 to i32
      %add3A_141 = arith.addi %add3A_135, %convert_element_type3A_140 : i32
      %and3A_142 = arith.andi %not3A_75, %not3A_98 : i1
      %and3A_143 = arith.andi %and3A_142, %not3A_85 : i1
      %swap3A_144 = arith.constant 6 : i32
      %swap3A_145 = arith.index_cast %add3A_141 : i32 to index
      %swap3A_146 = memref.load %arg33[%swap3A_145] : memref<32xi32, #tpu.memory_space<smem>>
      memref.store %swap3A_144, %arg33[%swap3A_145] : memref<32xi32, #tpu.memory_space<smem>>
      %convert_element_type3A_147 = arith.extui %and3A_143 : i1 to i32
      %add3A_148 = arith.addi %add3A_141, %convert_element_type3A_147 : i32
      %and3A_149 = arith.andi %not3A_75, %not3A_98 : i1
      %swap3A_150 = arith.constant 7 : i32
      %swap3A_151 = arith.index_cast %add3A_148 : i32 to index
      %swap3A_152 = memref.load %arg33[%swap3A_151] : memref<32xi32, #tpu.memory_space<smem>>
      memref.store %swap3A_150, %arg33[%swap3A_151] : memref<32xi32, #tpu.memory_space<smem>>
      %convert_element_type3A_153 = arith.extui %and3A_149 : i1 to i32
      %add3A_154 = arith.addi %add3A_148, %convert_element_type3A_153 : i32
      %and3A_155 = arith.andi %not3A_75, %not3A_98 : i1
      %and3A_156 = arith.andi %and3A_155, %not3A_105 : i1
      %swap3A_157 = arith.constant 8 : i32
      %swap3A_158 = arith.index_cast %add3A_154 : i32 to index
      %swap3A_159 = memref.load %arg33[%swap3A_158] : memref<32xi32, #tpu.memory_space<smem>>
      memref.store %swap3A_157, %arg33[%swap3A_158] : memref<32xi32, #tpu.memory_space<smem>>
      %convert_element_type3A_160 = arith.extui %and3A_156 : i1 to i32
      %add3A_161 = arith.addi %add3A_154, %convert_element_type3A_160 : i32
      %and3A_162 = arith.andi %not3A_80, %not3A_85 : i1
      %swap3A_163 = arith.constant 9 : i32
      %swap3A_164 = arith.index_cast %add3A_161 : i32 to index
      %swap3A_165 = memref.load %arg33[%swap3A_164] : memref<32xi32, #tpu.memory_space<smem>>
      memref.store %swap3A_163, %arg33[%swap3A_164] : memref<32xi32, #tpu.memory_space<smem>>
      %convert_element_type3A_166 = arith.extui %and3A_162 : i1 to i32
      %add3A_167 = arith.addi %add3A_161, %convert_element_type3A_166 : i32
      %swap3A_168 = arith.constant 10 : i32
      %swap3A_169 = arith.index_cast %add3A_167 : i32 to index
      %swap3A_170 = memref.load %arg33[%swap3A_169] : memref<32xi32, #tpu.memory_space<smem>>
      memref.store %swap3A_168, %arg33[%swap3A_169] : memref<32xi32, #tpu.memory_space<smem>>
      %convert_element_type3A_171 = arith.extui %not3A_80 : i1 to i32
      %add3A_172 = arith.addi %add3A_167, %convert_element_type3A_171 : i32
      %and3A_173 = arith.andi %not3A_80, %not3A_105 : i1
      %swap3A_174 = arith.constant 11 : i32
      %swap3A_175 = arith.index_cast %add3A_172 : i32 to index
      %swap3A_176 = memref.load %arg33[%swap3A_175] : memref<32xi32, #tpu.memory_space<smem>>
      memref.store %swap3A_174, %arg33[%swap3A_175] : memref<32xi32, #tpu.memory_space<smem>>
      %convert_element_type3A_177 = arith.extui %and3A_173 : i1 to i32
      %add3A_178 = arith.addi %add3A_172, %convert_element_type3A_177 : i32
      %swap3A_179 = arith.constant 12 : i32
      %swap3A_180 = arith.index_cast %add3A_178 : i32 to index
      %swap3A_181 = memref.load %arg33[%swap3A_180] : memref<32xi32, #tpu.memory_space<smem>>
      memref.store %swap3A_179, %arg33[%swap3A_180] : memref<32xi32, #tpu.memory_space<smem>>
      %convert_element_type3A_182 = arith.extui %not3A_85 : i1 to i32
      %add3A_183 = arith.addi %add3A_178, %convert_element_type3A_182 : i32
      %swap3A_184 = arith.constant 13 : i32
      %swap3A_185 = arith.index_cast %add3A_183 : i32 to index
      %swap3A_186 = memref.load %arg33[%swap3A_185] : memref<32xi32, #tpu.memory_space<smem>>
      memref.store %swap3A_184, %arg33[%swap3A_185] : memref<32xi32, #tpu.memory_space<smem>>
      %add3A_187 = arith.constant 1 : i32
      %add3A_188 = arith.addi %add3A_183, %add3A_187 : i32
      %swap3A_189 = arith.constant 14 : i32
      %swap3A_190 = arith.index_cast %add3A_188 : i32 to index
      %swap3A_191 = memref.load %arg33[%swap3A_190] : memref<32xi32, #tpu.memory_space<smem>>
      memref.store %swap3A_189, %arg33[%swap3A_190] : memref<32xi32, #tpu.memory_space<smem>>
      %convert_element_type3A_192 = arith.extui %not3A_105 : i1 to i32
      %add3A_193 = arith.addi %add3A_188, %convert_element_type3A_192 : i32
      %and3A_194 = arith.andi %not3A_98, %not3A_85 : i1
      %swap3A_195 = arith.constant 15 : i32
      %swap3A_196 = arith.index_cast %add3A_193 : i32 to index
      %swap3A_197 = memref.load %arg33[%swap3A_196] : memref<32xi32, #tpu.memory_space<smem>>
      memref.store %swap3A_195, %arg33[%swap3A_196] : memref<32xi32, #tpu.memory_space<smem>>
      %convert_element_type3A_198 = arith.extui %and3A_194 : i1 to i32
      %add3A_199 = arith.addi %add3A_193, %convert_element_type3A_198 : i32
      %swap3A_200 = arith.constant 16 : i32
      %swap3A_201 = arith.index_cast %add3A_199 : i32 to index
      %swap3A_202 = memref.load %arg33[%swap3A_201] : memref<32xi32, #tpu.memory_space<smem>>
      memref.store %swap3A_200, %arg33[%swap3A_201] : memref<32xi32, #tpu.memory_space<smem>>
      %convert_element_type3A_203 = arith.extui %not3A_98 : i1 to i32
      %add3A_204 = arith.addi %add3A_199, %convert_element_type3A_203 : i32
      %and3A_205 = arith.andi %not3A_98, %not3A_105 : i1
      %swap3A_206 = arith.constant 17 : i32
      %swap3A_207 = arith.index_cast %add3A_204 : i32 to index
      %swap3A_208 = memref.load %arg33[%swap3A_207] : memref<32xi32, #tpu.memory_space<smem>>
      memref.store %swap3A_206, %arg33[%swap3A_207] : memref<32xi32, #tpu.memory_space<smem>>
      %convert_element_type3A_209 = arith.extui %and3A_205 : i1 to i32
      %add3A_210 = arith.addi %add3A_204, %convert_element_type3A_209 : i32
      %and3A_211 = arith.andi %not3A_91, %not3A_80 : i1
      %and3A_212 = arith.andi %and3A_211, %not3A_85 : i1
      %swap3A_213 = arith.constant 18 : i32
      %swap3A_214 = arith.index_cast %add3A_210 : i32 to index
      %swap3A_215 = memref.load %arg33[%swap3A_214] : memref<32xi32, #tpu.memory_space<smem>>
      memref.store %swap3A_213, %arg33[%swap3A_214] : memref<32xi32, #tpu.memory_space<smem>>
      %convert_element_type3A_216 = arith.extui %and3A_212 : i1 to i32
      %add3A_217 = arith.addi %add3A_210, %convert_element_type3A_216 : i32
      %and3A_218 = arith.andi %not3A_91, %not3A_80 : i1
      %swap3A_219 = arith.constant 19 : i32
      %swap3A_220 = arith.index_cast %add3A_217 : i32 to index
      %swap3A_221 = memref.load %arg33[%swap3A_220] : memref<32xi32, #tpu.memory_space<smem>>
      memref.store %swap3A_219, %arg33[%swap3A_220] : memref<32xi32, #tpu.memory_space<smem>>
      %convert_element_type3A_222 = arith.extui %and3A_218 : i1 to i32
      %add3A_223 = arith.addi %add3A_217, %convert_element_type3A_222 : i32
      %and3A_224 = arith.andi %not3A_91, %not3A_80 : i1
      %and3A_225 = arith.andi %and3A_224, %not3A_105 : i1
      %swap3A_226 = arith.constant 20 : i32
      %swap3A_227 = arith.index_cast %add3A_223 : i32 to index
      %swap3A_228 = memref.load %arg33[%swap3A_227] : memref<32xi32, #tpu.memory_space<smem>>
      memref.store %swap3A_226, %arg33[%swap3A_227] : memref<32xi32, #tpu.memory_space<smem>>
      %convert_element_type3A_229 = arith.extui %and3A_225 : i1 to i32
      %add3A_230 = arith.addi %add3A_223, %convert_element_type3A_229 : i32
      %and3A_231 = arith.andi %not3A_91, %not3A_85 : i1
      %swap3A_232 = arith.constant 21 : i32
      %swap3A_233 = arith.index_cast %add3A_230 : i32 to index
      %swap3A_234 = memref.load %arg33[%swap3A_233] : memref<32xi32, #tpu.memory_space<smem>>
      memref.store %swap3A_232, %arg33[%swap3A_233] : memref<32xi32, #tpu.memory_space<smem>>
      %convert_element_type3A_235 = arith.extui %and3A_231 : i1 to i32
      %add3A_236 = arith.addi %add3A_230, %convert_element_type3A_235 : i32
      %swap3A_237 = arith.constant 22 : i32
      %swap3A_238 = arith.index_cast %add3A_236 : i32 to index
      %swap3A_239 = memref.load %arg33[%swap3A_238] : memref<32xi32, #tpu.memory_space<smem>>
      memref.store %swap3A_237, %arg33[%swap3A_238] : memref<32xi32, #tpu.memory_space<smem>>
      %convert_element_type3A_240 = arith.extui %not3A_91 : i1 to i32
      %add3A_241 = arith.addi %add3A_236, %convert_element_type3A_240 : i32
      %and3A_242 = arith.andi %not3A_91, %not3A_105 : i1
      %swap3A_243 = arith.constant 23 : i32
      %swap3A_244 = arith.index_cast %add3A_241 : i32 to index
      %swap3A_245 = memref.load %arg33[%swap3A_244] : memref<32xi32, #tpu.memory_space<smem>>
      memref.store %swap3A_243, %arg33[%swap3A_244] : memref<32xi32, #tpu.memory_space<smem>>
      %convert_element_type3A_246 = arith.extui %and3A_242 : i1 to i32
      %add3A_247 = arith.addi %add3A_241, %convert_element_type3A_246 : i32
      %and3A_248 = arith.andi %not3A_91, %not3A_98 : i1
      %and3A_249 = arith.andi %and3A_248, %not3A_85 : i1
      %swap3A_250 = arith.constant 24 : i32
      %swap3A_251 = arith.index_cast %add3A_247 : i32 to index
      %swap3A_252 = memref.load %arg33[%swap3A_251] : memref<32xi32, #tpu.memory_space<smem>>
      memref.store %swap3A_250, %arg33[%swap3A_251] : memref<32xi32, #tpu.memory_space<smem>>
      %convert_element_type3A_253 = arith.extui %and3A_249 : i1 to i32
      %add3A_254 = arith.addi %add3A_247, %convert_element_type3A_253 : i32
      %and3A_255 = arith.andi %not3A_91, %not3A_98 : i1
      %swap3A_256 = arith.constant 25 : i32
      %swap3A_257 = arith.index_cast %add3A_254 : i32 to index
      %swap3A_258 = memref.load %arg33[%swap3A_257] : memref<32xi32, #tpu.memory_space<smem>>
      memref.store %swap3A_256, %arg33[%swap3A_257] : memref<32xi32, #tpu.memory_space<smem>>
      %convert_element_type3A_259 = arith.extui %and3A_255 : i1 to i32
      %add3A_260 = arith.addi %add3A_254, %convert_element_type3A_259 : i32
      %and3A_261 = arith.andi %not3A_91, %not3A_98 : i1
      %and3A_262 = arith.andi %and3A_261, %not3A_105 : i1
      %swap3A_263 = arith.constant 26 : i32
      %swap3A_264 = arith.index_cast %add3A_260 : i32 to index
      %swap3A_265 = memref.load %arg33[%swap3A_264] : memref<32xi32, #tpu.memory_space<smem>>
      memref.store %swap3A_263, %arg33[%swap3A_264] : memref<32xi32, #tpu.memory_space<smem>>
      %convert_element_type3A_266 = arith.extui %and3A_262 : i1 to i32
      %add3A_267 = arith.addi %add3A_260, %convert_element_type3A_266 : i32
      %mul3A_268 = arith.constant 8 : i32
      %mul3A_269 = arith.muli %add3A_267, %mul3A_268 : i32
      %broadcast_in_dim3A = arith.constant 0 : i32
      %broadcast_in_dim3A_270 = vector.broadcast %broadcast_in_dim3A : i32 to vector<16xi32>
      %parallel_loop3A = arith.constant 0 : i32
      %parallel_loop3A_271 = arith.constant 1 : i32
      %parallel_loop3A_272 = scf.for %parallel_loop3A_523 = %parallel_loop3A to %mul3A_269 step %parallel_loop3A_271 iter_args(%parallel_loop3A_524 = %broadcast_in_dim3A_270) -> (vector<16xi32>)  : i32 {
        %parallel_loop3A_525 = arith.constant 3 : i32
        %parallel_loop3A_526 = arith.shrsi %parallel_loop3A_523, %parallel_loop3A_525 : i32
        %parallel_loop3A_527 = arith.index_cast %parallel_loop3A_526 : i32 to index
        %parallel_loop3A_528 = memref.load %arg33[%parallel_loop3A_527] : memref<32xi32, #tpu.memory_space<smem>>
        %parallel_loop3A_529 = arith.constant 7 : i32
        %parallel_loop3A_530 = arith.andi %parallel_loop3A_523, %parallel_loop3A_529 : i32
        %parallel_loop3A_531 = arith.constant 128 : i32
        %parallel_loop3A_532 = arith.muli %parallel_loop3A_528, %parallel_loop3A_531 : i32
        %parallel_loop3A_533 = arith.constant 16 : i32
        %parallel_loop3A_534 = arith.muli %parallel_loop3A_530, %parallel_loop3A_533 : i32
        %parallel_loop3A_535 = arith.addi %parallel_loop3A_532, %parallel_loop3A_534 : i32
        %parallel_loop3A_536 = arith.index_cast %parallel_loop3A_535 : i32 to index
        %parallel_loop3A_537 = tpu.vector_load %arg19[%parallel_loop3A_536] {strides = array<i32>} : memref<3456xf32, #tpu.memory_space<vmem>>, vector<16xf32>,
        %parallel_loop3A_538 = vector.broadcast %squeeze3A_52 : f32 to vector<16xf32>
        %parallel_loop3A_539 = arith.subf %parallel_loop3A_538, %parallel_loop3A_537 : vector<16xf32>
        %parallel_loop3A_540 = arith.index_cast %parallel_loop3A_535 : i32 to index
        %parallel_loop3A_541 = tpu.vector_load %arg20[%parallel_loop3A_540] {strides = array<i32>} : memref<3456xf32, #tpu.memory_space<vmem>>, vector<16xf32>,
        %parallel_loop3A_542 = vector.broadcast %squeeze3A_56 : f32 to vector<16xf32>
        %parallel_loop3A_543 = arith.subf %parallel_loop3A_542, %parallel_loop3A_541 : vector<16xf32>
        %parallel_loop3A_544 = arith.index_cast %parallel_loop3A_535 : i32 to index
        %parallel_loop3A_545 = tpu.vector_load %arg21[%parallel_loop3A_544] {strides = array<i32>} : memref<3456xf32, #tpu.memory_space<vmem>>, vector<16xf32>,
        %parallel_loop3A_546 = vector.broadcast %squeeze3A_60 : f32 to vector<16xf32>
        %parallel_loop3A_547 = arith.subf %parallel_loop3A_546, %parallel_loop3A_545 : vector<16xf32>
        %parallel_loop3A_548 = arith.mulf %parallel_loop3A_539, %parallel_loop3A_539 : vector<16xf32>
        %parallel_loop3A_549 = arith.mulf %parallel_loop3A_543, %parallel_loop3A_543 : vector<16xf32>
        %parallel_loop3A_550 = arith.addf %parallel_loop3A_548, %parallel_loop3A_549 : vector<16xf32>
        %parallel_loop3A_551 = arith.mulf %parallel_loop3A_547, %parallel_loop3A_547 : vector<16xf32>
        %parallel_loop3A_552 = arith.addf %parallel_loop3A_550, %parallel_loop3A_551 : vector<16xf32>
        %parallel_loop3A_553 = arith.constant 9.99999974E-5 : f32
        %parallel_loop3A_554 = vector.broadcast %parallel_loop3A_553 : f32 to vector<16xf32>
        %parallel_loop3A_555 = arith.cmpf ogt, %parallel_loop3A_552, %parallel_loop3A_554 : vector<16xf32>
        %parallel_loop3A_556 = arith.constant 2.500000e+01 : f32
        %parallel_loop3A_557 = vector.broadcast %parallel_loop3A_556 : f32 to vector<16xf32>
        %parallel_loop3A_558 = arith.cmpf ole, %parallel_loop3A_552, %parallel_loop3A_557 : vector<16xf32>
        %parallel_loop3A_559 = arith.andi %parallel_loop3A_555, %parallel_loop3A_558 : vector<16xi1>
        %parallel_loop3A_560 = arith.extui %parallel_loop3A_559 : vector<16xi1> to vector<16xi32>
        %parallel_loop3A_561 = arith.constant true
        %parallel_loop3A_562 = vector.broadcast %parallel_loop3A_561 : i1 to vector<16xi1>
        %parallel_loop3A_563 = tpu.scan <sum>, %parallel_loop3A_560 masked %parallel_loop3A_562 : vector<16xi32>, vector<16xi1> -> vector<16xi32>
        %parallel_loop3A_564 = arith.addi %parallel_loop3A_524, %parallel_loop3A_563 : vector<16xi32>
        %parallel_loop3A_565 = arith.subi %parallel_loop3A_564, %parallel_loop3A_560 : vector<16xi32>
        %parallel_loop3A_566 = arith.constant 16 : i32
        %parallel_loop3A_567 = arith.muli %parallel_loop3A_530, %parallel_loop3A_566 : i32
        %parallel_loop3A_568 = arith.constant 27 : i32
        %parallel_loop3A_569 = arith.muli %parallel_loop3A_567, %parallel_loop3A_568 : i32
        %parallel_loop3A_570 = arith.addi %parallel_loop3A_569, %parallel_loop3A_528 : i32
        %parallel_loop3A_571 = vector.broadcast %parallel_loop3A_570 : i32 to vector<16xi32>
        %parallel_loop3A_572 = arith.addi %mul3A_3, %parallel_loop3A_571 : vector<16xi32>
        tpu.vector_store_idx %arg26[%parallel_loop3A_565], %parallel_loop3A_552 masked %parallel_loop3A_559 : memref<3472xf32, #tpu.memory_space<vmem>>[vector<16xi32>], vector<16xf32>, vector<16xi1>
        tpu.vector_store_idx %arg27[%parallel_loop3A_565], %parallel_loop3A_572 masked %parallel_loop3A_559 : memref<3472xi32, #tpu.memory_space<vmem>>[vector<16xi32>], vector<16xi32>, vector<16xi1>
        %parallel_loop3A_573 = tpu.all_reduce %parallel_loop3A_559 {dim = 0 : i64, kind = #tpu.reduction_kind<sum>} : vector<16xi1> -> vector<16xi32>
        %parallel_loop3A_574 = arith.addi %parallel_loop3A_524, %parallel_loop3A_573 : vector<16xi32>
        scf.yield %parallel_loop3A_574 : vector<16xi32>
      } {sc.loop_unroll_factor = 4 : i64, sc.parallel_access}
      %slice3A_273 = vector.extract_strided_slice %parallel_loop3A_272 {offsets = [0], sizes = [1], strides = [1]} : vector<16xi32> to vector<1xi32>
      %squeeze3A_274 = vector.extract %slice3A_273[0] : i32 from vector<1xi32>
      %broadcast_in_dim3A_275 = arith.constant 1.000000e+09 : f32
      %broadcast_in_dim3A_276 = vector.broadcast %broadcast_in_dim3A_275 : f32 to vector<16xf32>
      %swap3A_277 = arith.index_cast %squeeze3A_274 : i32 to index
      %swap3A_278 = tpu.vector_load %arg26[%swap3A_277] {strides = array<i32>} : memref<3472xf32, #tpu.memory_space<vmem>>, vector<16xf32>,
      tpu.vector_store %arg26[%swap3A_277], %broadcast_in_dim3A_276 {strides = array<i32>} : memref<3472xf32, #tpu.memory_space<vmem>>, vector<16xf32>,
      %broadcast_in_dim3A_279 = arith.constant 0 : i32
      %broadcast_in_dim3A_280 = vector.broadcast %broadcast_in_dim3A_279 : i32 to vector<16xi32>
      %swap3A_281 = arith.index_cast %squeeze3A_274 : i32 to index
      %swap3A_282 = tpu.vector_load %arg27[%swap3A_281] {strides = array<i32>} : memref<3472xi32, #tpu.memory_space<vmem>>, vector<16xi32>,
      tpu.vector_store %arg27[%swap3A_281], %broadcast_in_dim3A_280 {strides = array<i32>} : memref<3472xi32, #tpu.memory_space<vmem>>, vector<16xi32>,
      %broadcast_in_dim3A_283 = arith.constant 1.000000e+09 : f32
      %broadcast_in_dim3A_284 = vector.broadcast %broadcast_in_dim3A_283 : f32 to vector<16xf32>
      %broadcast_in_dim3A_285 = arith.constant 1.000000e+09 : f32
      %broadcast_in_dim3A_286 = vector.broadcast %broadcast_in_dim3A_285 : f32 to vector<16xf32>
      %broadcast_in_dim3A_287 = arith.constant 0 : i32
      %broadcast_in_dim3A_288 = vector.broadcast %broadcast_in_dim3A_287 : i32 to vector<16xi32>
      %broadcast_in_dim3A_289 = arith.constant 0 : i32
      %broadcast_in_dim3A_290 = vector.broadcast %broadcast_in_dim3A_289 : i32 to vector<16xi32>
      %add3A_291 = arith.constant 15 : i32
      %add3A_292 = arith.addi %squeeze3A_274, %add3A_291 : i32
      %jit3A = arith.constant 16 : i32
      %div3A = arith.divsi %add3A_292, %jit3A : i32
      %sign3A = arith.constant 0 : i32
      %sign3A_293 = arith.cmpi sgt, %add3A_292, %sign3A : i32
      %sign3A_294 = arith.extui %sign3A_293 : i1 to i32
      %sign3A_295 = arith.constant 0 : i32
      %sign3A_296 = arith.cmpi slt, %add3A_292, %sign3A_295 : i32
      %sign3A_297 = arith.extui %sign3A_296 : i1 to i32
      %sign3A_298 = arith.subi %sign3A_294, %sign3A_297 : i32
      %sign3A_299 = arith.constant 0 : i32
      %sign3A_300 = arith.cmpi sgt, %jit3A, %sign3A_299 : i32
      %sign3A_301 = arith.extui %sign3A_300 : i1 to i32
      %sign3A_302 = arith.constant 0 : i32
      %sign3A_303 = arith.cmpi slt, %jit3A, %sign3A_302 : i32
      %sign3A_304 = arith.extui %sign3A_303 : i1 to i32
      %sign3A_305 = arith.subi %sign3A_301, %sign3A_304 : i32
      %ne3A = arith.cmpi ne, %sign3A_298, %sign3A_305 : i32
      %rem3A = arith.remsi %add3A_292, %jit3A : i32
      %ne3A_306 = arith.constant 0 : i32
      %ne3A_307 = arith.cmpi ne, %rem3A, %ne3A_306 : i32
      %and3A_308 = arith.andi %ne3A, %ne3A_307 : i1
      %sub3A_309 = arith.constant 1 : i32
      %sub3A_310 = arith.subi %div3A, %sub3A_309 : i32
      %select_n3A = arith.select %and3A_308, %sub3A_310, %div3A : i32
      %while3A = arith.constant 0 : i32
      %while3A_311 = arith.subi %select_n3A, %while3A : i32
      %while3A_312 = arith.addi %while3A, %while3A_311 : i32
      %while3A_313 = arith.constant 1 : i32
      %while3A_314 = arith.divsi %while3A_311, %while3A_313 : i32
      %while3A_315 = arith.muli %while3A_314, %while3A_313 : i32
      %while3A_316 = arith.addi %while3A, %while3A_315 : i32
      %while3A_317 = arith.constant 1 : i32
      %while3A_318:4 = scf.for %while3A_523 = %while3A to %while3A_316 step %while3A_317 iter_args(%while3A_524 = %broadcast_in_dim3A_284, %while3A_525 = %broadcast_in_dim3A_288, %while3A_526 = %broadcast_in_dim3A_286, %while3A_527 = %broadcast_in_dim3A_290) -> (vector<16xf32>, vector<16xi32>, vector<16xf32>, vector<16xi32>)  : i32 {
        %mul3A_528 = arith.constant 16 : i32
        %mul3A_529 = arith.muli %while3A_523, %mul3A_528 : i32
        %get3A_530 = arith.index_cast %mul3A_529 : i32 to index
        %get3A_531 = tpu.vector_load %arg26[%get3A_530] {strides = array<i32>} : memref<3472xf32, #tpu.memory_space<vmem>>, vector<16xf32>,
        %get3A_532 = arith.index_cast %mul3A_529 : i32 to index
        %get3A_533 = tpu.vector_load %arg27[%get3A_532] {strides = array<i32>} : memref<3472xi32, #tpu.memory_space<vmem>>, vector<16xi32>,
        %masked_sort3A = arith.constant dense<true> : vector<16xi1>
        %masked_sort3A_534, %masked_sort3A_535, %masked_sort3A_536 = tpu.sort %get3A_531, %get3A_533 masked %masked_sort3A : (vector<16xf32>, vector<16xi32>, vector<16xi1>) -> (vector<16xi1>, vector<16xf32>, vector<16xi32>)
        %rev3A = arith.constant 15 : i32
        %rev3A_537 = vector.broadcast %rev3A : i32 to vector<16xi32>
        %rev3A_538 = tpu.iota {dimensions = array<i32: 0>} : vector<16xi32>
        %rev3A_539 = arith.subi %rev3A_537, %rev3A_538 : vector<16xi32>
        %rev3A_540 = tpu.dynamic_gather %masked_sort3A_535[%rev3A_539] in [0] : vector<16xf32>, vector<16xi32> -> vector<16xf32>
        %rev3A_541 = arith.constant 15 : i32
        %rev3A_542 = vector.broadcast %rev3A_541 : i32 to vector<16xi32>
        %rev3A_543 = tpu.iota {dimensions = array<i32: 0>} : vector<16xi32>
        %rev3A_544 = arith.subi %rev3A_542, %rev3A_543 : vector<16xi32>
        %rev3A_545 = tpu.dynamic_gather %masked_sort3A_536[%rev3A_544] in [0] : vector<16xi32>, vector<16xi32> -> vector<16xi32>
        %le3A = arith.cmpf ole, %while3A_526, %rev3A_540 : vector<16xf32>
        %select_n3A_546 = arith.select %le3A, %while3A_526, %rev3A_540 : vector<16xi1>, vector<16xf32>
        %select_n3A_547 = arith.select %le3A, %while3A_527, %rev3A_545 : vector<16xi1>, vector<16xi32>
        %masked_sort3A_548 = arith.constant dense<true> : vector<16xi1>
        %masked_sort3A_549, %masked_sort3A_550, %masked_sort3A_551 = tpu.sort %select_n3A_546, %select_n3A_547 masked %masked_sort3A_548 : (vector<16xf32>, vector<16xi32>, vector<16xi1>) -> (vector<16xi1>, vector<16xf32>, vector<16xi32>)
        %rev3A_552 = arith.constant 15 : i32
        %rev3A_553 = vector.broadcast %rev3A_552 : i32 to vector<16xi32>
        %rev3A_554 = tpu.iota {dimensions = array<i32: 0>} : vector<16xi32>
        %rev3A_555 = arith.subi %rev3A_553, %rev3A_554 : vector<16xi32>
        %rev3A_556 = tpu.dynamic_gather %masked_sort3A_550[%rev3A_555] in [0] : vector<16xf32>, vector<16xi32> -> vector<16xf32>
        %rev3A_557 = arith.constant 15 : i32
        %rev3A_558 = vector.broadcast %rev3A_557 : i32 to vector<16xi32>
        %rev3A_559 = tpu.iota {dimensions = array<i32: 0>} : vector<16xi32>
        %rev3A_560 = arith.subi %rev3A_558, %rev3A_559 : vector<16xi32>
        %rev3A_561 = tpu.dynamic_gather %masked_sort3A_551[%rev3A_560] in [0] : vector<16xi32>, vector<16xi32> -> vector<16xi32>
        %le3A_562 = arith.cmpf ole, %while3A_524, %rev3A_556 : vector<16xf32>
        %select_n3A_563 = arith.select %le3A_562, %while3A_524, %rev3A_556 : vector<16xi1>, vector<16xf32>
        %select_n3A_564 = arith.select %le3A_562, %while3A_525, %rev3A_561 : vector<16xi1>, vector<16xi32>
        %select_n3A_565 = arith.select %le3A_562, %rev3A_556, %while3A_524 : vector<16xi1>, vector<16xf32>
        %select_n3A_566 = arith.select %le3A_562, %rev3A_561, %while3A_525 : vector<16xi1>, vector<16xi32>
        %masked_sort3A_567 = arith.constant dense<true> : vector<16xi1>
        %masked_sort3A_568, %masked_sort3A_569, %masked_sort3A_570 = tpu.sort %select_n3A_563, %select_n3A_564 masked %masked_sort3A_567 : (vector<16xf32>, vector<16xi32>, vector<16xi1>) -> (vector<16xi1>, vector<16xf32>, vector<16xi32>)
        %masked_sort3A_571 = arith.constant dense<true> : vector<16xi1>
        %masked_sort3A_572, %masked_sort3A_573, %masked_sort3A_574 = tpu.sort %select_n3A_565, %select_n3A_566 masked %masked_sort3A_571 : (vector<16xf32>, vector<16xi32>, vector<16xi1>) -> (vector<16xi1>, vector<16xf32>, vector<16xi32>)
        scf.yield %masked_sort3A_569, %masked_sort3A_570, %masked_sort3A_573, %masked_sort3A_574 : vector<16xf32>, vector<16xi32>, vector<16xf32>, vector<16xi32>
      }
      %while3A_319 = arith.constant 1 : i32
      %while3A_320:4 = scf.for %while3A_523 = %while3A_316 to %while3A_312 step %while3A_319 iter_args(%while3A_524 = %while3A_318#0, %while3A_525 = %while3A_318#1, %while3A_526 = %while3A_318#2, %while3A_527 = %while3A_318#3) -> (vector<16xf32>, vector<16xi32>, vector<16xf32>, vector<16xi32>)  : i32 {
        %mul3A_528 = arith.constant 16 : i32
        %mul3A_529 = arith.muli %while3A_523, %mul3A_528 : i32
        %get3A_530 = arith.index_cast %mul3A_529 : i32 to index
        %get3A_531 = tpu.vector_load %arg26[%get3A_530] {strides = array<i32>} : memref<3472xf32, #tpu.memory_space<vmem>>, vector<16xf32>,
        %get3A_532 = arith.index_cast %mul3A_529 : i32 to index
        %get3A_533 = tpu.vector_load %arg27[%get3A_532] {strides = array<i32>} : memref<3472xi32, #tpu.memory_space<vmem>>, vector<16xi32>,
        %masked_sort3A = arith.constant dense<true> : vector<16xi1>
        %masked_sort3A_534, %masked_sort3A_535, %masked_sort3A_536 = tpu.sort %get3A_531, %get3A_533 masked %masked_sort3A : (vector<16xf32>, vector<16xi32>, vector<16xi1>) -> (vector<16xi1>, vector<16xf32>, vector<16xi32>)
        %rev3A = arith.constant 15 : i32
        %rev3A_537 = vector.broadcast %rev3A : i32 to vector<16xi32>
        %rev3A_538 = tpu.iota {dimensions = array<i32: 0>} : vector<16xi32>
        %rev3A_539 = arith.subi %rev3A_537, %rev3A_538 : vector<16xi32>
        %rev3A_540 = tpu.dynamic_gather %masked_sort3A_535[%rev3A_539] in [0] : vector<16xf32>, vector<16xi32> -> vector<16xf32>
        %rev3A_541 = arith.constant 15 : i32
        %rev3A_542 = vector.broadcast %rev3A_541 : i32 to vector<16xi32>
        %rev3A_543 = tpu.iota {dimensions = array<i32: 0>} : vector<16xi32>
        %rev3A_544 = arith.subi %rev3A_542, %rev3A_543 : vector<16xi32>
        %rev3A_545 = tpu.dynamic_gather %masked_sort3A_536[%rev3A_544] in [0] : vector<16xi32>, vector<16xi32> -> vector<16xi32>
        %le3A = arith.cmpf ole, %while3A_526, %rev3A_540 : vector<16xf32>
        %select_n3A_546 = arith.select %le3A, %while3A_526, %rev3A_540 : vector<16xi1>, vector<16xf32>
        %select_n3A_547 = arith.select %le3A, %while3A_527, %rev3A_545 : vector<16xi1>, vector<16xi32>
        %masked_sort3A_548 = arith.constant dense<true> : vector<16xi1>
        %masked_sort3A_549, %masked_sort3A_550, %masked_sort3A_551 = tpu.sort %select_n3A_546, %select_n3A_547 masked %masked_sort3A_548 : (vector<16xf32>, vector<16xi32>, vector<16xi1>) -> (vector<16xi1>, vector<16xf32>, vector<16xi32>)
        %rev3A_552 = arith.constant 15 : i32
        %rev3A_553 = vector.broadcast %rev3A_552 : i32 to vector<16xi32>
        %rev3A_554 = tpu.iota {dimensions = array<i32: 0>} : vector<16xi32>
        %rev3A_555 = arith.subi %rev3A_553, %rev3A_554 : vector<16xi32>
        %rev3A_556 = tpu.dynamic_gather %masked_sort3A_550[%rev3A_555] in [0] : vector<16xf32>, vector<16xi32> -> vector<16xf32>
        %rev3A_557 = arith.constant 15 : i32
        %rev3A_558 = vector.broadcast %rev3A_557 : i32 to vector<16xi32>
        %rev3A_559 = tpu.iota {dimensions = array<i32: 0>} : vector<16xi32>
        %rev3A_560 = arith.subi %rev3A_558, %rev3A_559 : vector<16xi32>
        %rev3A_561 = tpu.dynamic_gather %masked_sort3A_551[%rev3A_560] in [0] : vector<16xi32>, vector<16xi32> -> vector<16xi32>
        %le3A_562 = arith.cmpf ole, %while3A_524, %rev3A_556 : vector<16xf32>
        %select_n3A_563 = arith.select %le3A_562, %while3A_524, %rev3A_556 : vector<16xi1>, vector<16xf32>
        %select_n3A_564 = arith.select %le3A_562, %while3A_525, %rev3A_561 : vector<16xi1>, vector<16xi32>
        %select_n3A_565 = arith.select %le3A_562, %rev3A_556, %while3A_524 : vector<16xi1>, vector<16xf32>
        %select_n3A_566 = arith.select %le3A_562, %rev3A_561, %while3A_525 : vector<16xi1>, vector<16xi32>
        %masked_sort3A_567 = arith.constant dense<true> : vector<16xi1>
        %masked_sort3A_568, %masked_sort3A_569, %masked_sort3A_570 = tpu.sort %select_n3A_563, %select_n3A_564 masked %masked_sort3A_567 : (vector<16xf32>, vector<16xi32>, vector<16xi1>) -> (vector<16xi1>, vector<16xf32>, vector<16xi32>)
        %masked_sort3A_571 = arith.constant dense<true> : vector<16xi1>
        %masked_sort3A_572, %masked_sort3A_573, %masked_sort3A_574 = tpu.sort %select_n3A_565, %select_n3A_566 masked %masked_sort3A_571 : (vector<16xf32>, vector<16xi32>, vector<16xi1>) -> (vector<16xi1>, vector<16xf32>, vector<16xi32>)
        scf.yield %masked_sort3A_569, %masked_sort3A_570, %masked_sort3A_573, %masked_sort3A_574 : vector<16xf32>, vector<16xi32>, vector<16xf32>, vector<16xi32>
      }
      %lt3A = arith.constant 32 : i32
      %lt3A_321 = arith.cmpi slt, %squeeze3A_274, %lt3A : i32
      %jit3A_322 = arith.constant 216 : i32
      %jit3A_323 = arith.constant 0 : i32
      %select_n3A_324 = arith.select %lt3A_321, %jit3A_322, %jit3A_323 : i32
      %while3A_325 = arith.constant 0 : i32
      %while3A_326 = arith.constant 0 : i32
      %while3A_327 = arith.subi %select_n3A_324, %while3A_325 : i32
      %while3A_328 = arith.addi %while3A_325, %while3A_327 : i32
      %while3A_329 = arith.constant 1 : i32
      %while3A_330 = arith.divsi %while3A_327, %while3A_329 : i32
      %while3A_331 = arith.muli %while3A_330, %while3A_329 : i32
      %while3A_332 = arith.addi %while3A_325, %while3A_331 : i32
      %while3A_333 = arith.constant 1 : i32
      %while3A_334 = scf.for %while3A_523 = %while3A_325 to %while3A_332 step %while3A_333 iter_args(%while3A_524 = %while3A_326) -> (i32)  : i32 {
        %mul3A_525 = arith.constant 16 : i32
        %mul3A_526 = arith.muli %while3A_523, %mul3A_525 : i32
        %get3A_527 = arith.index_cast %mul3A_526 : i32 to index
        %get3A_528 = tpu.vector_load %arg19[%get3A_527] {strides = array<i32>} : memref<3456xf32, #tpu.memory_space<vmem>>, vector<16xf32>,
        %sub3A_529 = vector.broadcast %squeeze3A_52 : f32 to vector<16xf32>
        %sub3A_530 = arith.subf %sub3A_529, %get3A_528 : vector<16xf32>
        %get3A_531 = arith.index_cast %mul3A_526 : i32 to index
        %get3A_532 = tpu.vector_load %arg20[%get3A_531] {strides = array<i32>} : memref<3456xf32, #tpu.memory_space<vmem>>, vector<16xf32>,
        %sub3A_533 = vector.broadcast %squeeze3A_56 : f32 to vector<16xf32>
        %sub3A_534 = arith.subf %sub3A_533, %get3A_532 : vector<16xf32>
        %get3A_535 = arith.index_cast %mul3A_526 : i32 to index
        %get3A_536 = tpu.vector_load %arg21[%get3A_535] {strides = array<i32>} : memref<3456xf32, #tpu.memory_space<vmem>>, vector<16xf32>,
        %sub3A_537 = vector.broadcast %squeeze3A_60 : f32 to vector<16xf32>
        %sub3A_538 = arith.subf %sub3A_537, %get3A_536 : vector<16xf32>
        %mul3A_539 = arith.mulf %sub3A_530, %sub3A_530 : vector<16xf32>
        %mul3A_540 = arith.mulf %sub3A_534, %sub3A_534 : vector<16xf32>
        %add3A_541 = arith.addf %mul3A_539, %mul3A_540 : vector<16xf32>
        %mul3A_542 = arith.mulf %sub3A_538, %sub3A_538 : vector<16xf32>
        %add3A_543 = arith.addf %add3A_541, %mul3A_542 : vector<16xf32>
        %le3A = arith.constant 9.99999974E-5 : f32
        %le3A_544 = vector.broadcast %le3A : f32 to vector<16xf32>
        %le3A_545 = arith.cmpf ole, %add3A_543, %le3A_544 : vector<16xf32>
        %gt3A_546 = arith.constant 2.500000e+01 : f32
        %gt3A_547 = vector.broadcast %gt3A_546 : f32 to vector<16xf32>
        %gt3A_548 = arith.cmpf ogt, %add3A_543, %gt3A_547 : vector<16xf32>
        %or3A = arith.ori %le3A_545, %gt3A_548 : vector<16xi1>
        %get3A_549 = arith.index_cast %mul3A_526 : i32 to index
        %get3A_550 = tpu.vector_load %arg22[%get3A_549] {strides = array<i32>} : memref<3456xi32, #tpu.memory_space<vmem>>, vector<16xi32>,
        %convert_element_type3A_551 = arith.sitofp %get3A_550 : vector<16xi32> to vector<16xf32>
        %add3A_552 = arith.constant 1.000000e+05 : f32
        %add3A_553 = vector.broadcast %add3A_552 : f32 to vector<16xf32>
        %add3A_554 = arith.addf %add3A_553, %convert_element_type3A_551 : vector<16xf32>
        %swap3A_555 = arith.index_cast %while3A_524 : i32 to index
        %swap3A_556 = tpu.vector_load %arg28[%swap3A_555] masked %or3A {strides = array<i32>} : memref<3472xf32, #tpu.memory_space<vmem>>, vector<16xf32>, vector<16xi1>
        tpu.vector_store %arg28[%swap3A_555], %add3A_554 masked %or3A {strides = array<i32>} : memref<3472xf32, #tpu.memory_space<vmem>>, vector<16xf32>, vector<16xi1>
        %swap3A_557 = arith.index_cast %while3A_524 : i32 to index
        %swap3A_558 = tpu.vector_load %arg29[%swap3A_557] masked %or3A {strides = array<i32>} : memref<3472xi32, #tpu.memory_space<vmem>>, vector<16xi32>, vector<16xi1>
        tpu.vector_store %arg29[%swap3A_557], %get3A_550 masked %or3A {strides = array<i32>} : memref<3472xi32, #tpu.memory_space<vmem>>, vector<16xi32>, vector<16xi1>
        %convert_element_type3A_559 = arith.extui %or3A : vector<16xi1> to vector<16xi32>
        %reduce_sum3A = arith.constant true
        %reduce_sum3A_560 = vector.broadcast %reduce_sum3A : i1 to vector<16xi1>
        %reduce_sum3A_561 = tpu.scan <sum>, %convert_element_type3A_559 masked %reduce_sum3A_560 : vector<16xi32>, vector<16xi1> -> vector<16xi32>
        %reduce_sum3A_562 = vector.extract %reduce_sum3A_561[15] : i32 from vector<16xi32>
        %add3A_563 = arith.addi %while3A_524, %reduce_sum3A_562 : i32
        scf.yield %add3A_563 : i32
      }
      %while3A_335 = arith.constant 1 : i32
      %while3A_336 = scf.for %while3A_523 = %while3A_332 to %while3A_328 step %while3A_335 iter_args(%while3A_524 = %while3A_334) -> (i32)  : i32 {
        %mul3A_525 = arith.constant 16 : i32
        %mul3A_526 = arith.muli %while3A_523, %mul3A_525 : i32
        %get3A_527 = arith.index_cast %mul3A_526 : i32 to index
        %get3A_528 = tpu.vector_load %arg19[%get3A_527] {strides = array<i32>} : memref<3456xf32, #tpu.memory_space<vmem>>, vector<16xf32>,
        %sub3A_529 = vector.broadcast %squeeze3A_52 : f32 to vector<16xf32>
        %sub3A_530 = arith.subf %sub3A_529, %get3A_528 : vector<16xf32>
        %get3A_531 = arith.index_cast %mul3A_526 : i32 to index
        %get3A_532 = tpu.vector_load %arg20[%get3A_531] {strides = array<i32>} : memref<3456xf32, #tpu.memory_space<vmem>>, vector<16xf32>,
        %sub3A_533 = vector.broadcast %squeeze3A_56 : f32 to vector<16xf32>
        %sub3A_534 = arith.subf %sub3A_533, %get3A_532 : vector<16xf32>
        %get3A_535 = arith.index_cast %mul3A_526 : i32 to index
        %get3A_536 = tpu.vector_load %arg21[%get3A_535] {strides = array<i32>} : memref<3456xf32, #tpu.memory_space<vmem>>, vector<16xf32>,
        %sub3A_537 = vector.broadcast %squeeze3A_60 : f32 to vector<16xf32>
        %sub3A_538 = arith.subf %sub3A_537, %get3A_536 : vector<16xf32>
        %mul3A_539 = arith.mulf %sub3A_530, %sub3A_530 : vector<16xf32>
        %mul3A_540 = arith.mulf %sub3A_534, %sub3A_534 : vector<16xf32>
        %add3A_541 = arith.addf %mul3A_539, %mul3A_540 : vector<16xf32>
        %mul3A_542 = arith.mulf %sub3A_538, %sub3A_538 : vector<16xf32>
        %add3A_543 = arith.addf %add3A_541, %mul3A_542 : vector<16xf32>
        %le3A = arith.constant 9.99999974E-5 : f32
        %le3A_544 = vector.broadcast %le3A : f32 to vector<16xf32>
        %le3A_545 = arith.cmpf ole, %add3A_543, %le3A_544 : vector<16xf32>
        %gt3A_546 = arith.constant 2.500000e+01 : f32
        %gt3A_547 = vector.broadcast %gt3A_546 : f32 to vector<16xf32>
        %gt3A_548 = arith.cmpf ogt, %add3A_543, %gt3A_547 : vector<16xf32>
        %or3A = arith.ori %le3A_545, %gt3A_548 : vector<16xi1>
        %get3A_549 = arith.index_cast %mul3A_526 : i32 to index
        %get3A_550 = tpu.vector_load %arg22[%get3A_549] {strides = array<i32>} : memref<3456xi32, #tpu.memory_space<vmem>>, vector<16xi32>,
        %convert_element_type3A_551 = arith.sitofp %get3A_550 : vector<16xi32> to vector<16xf32>
        %add3A_552 = arith.constant 1.000000e+05 : f32
        %add3A_553 = vector.broadcast %add3A_552 : f32 to vector<16xf32>
        %add3A_554 = arith.addf %add3A_553, %convert_element_type3A_551 : vector<16xf32>
        %swap3A_555 = arith.index_cast %while3A_524 : i32 to index
        %swap3A_556 = tpu.vector_load %arg28[%swap3A_555] masked %or3A {strides = array<i32>} : memref<3472xf32, #tpu.memory_space<vmem>>, vector<16xf32>, vector<16xi1>
        tpu.vector_store %arg28[%swap3A_555], %add3A_554 masked %or3A {strides = array<i32>} : memref<3472xf32, #tpu.memory_space<vmem>>, vector<16xf32>, vector<16xi1>
        %swap3A_557 = arith.index_cast %while3A_524 : i32 to index
        %swap3A_558 = tpu.vector_load %arg29[%swap3A_557] masked %or3A {strides = array<i32>} : memref<3472xi32, #tpu.memory_space<vmem>>, vector<16xi32>, vector<16xi1>
        tpu.vector_store %arg29[%swap3A_557], %get3A_550 masked %or3A {strides = array<i32>} : memref<3472xi32, #tpu.memory_space<vmem>>, vector<16xi32>, vector<16xi1>
        %convert_element_type3A_559 = arith.extui %or3A : vector<16xi1> to vector<16xi32>
        %reduce_sum3A = arith.constant true
        %reduce_sum3A_560 = vector.broadcast %reduce_sum3A : i1 to vector<16xi1>
        %reduce_sum3A_561 = tpu.scan <sum>, %convert_element_type3A_559 masked %reduce_sum3A_560 : vector<16xi32>, vector<16xi1> -> vector<16xi32>
        %reduce_sum3A_562 = vector.extract %reduce_sum3A_561[15] : i32 from vector<16xi32>
        %add3A_563 = arith.addi %while3A_524, %reduce_sum3A_562 : i32
        scf.yield %add3A_563 : i32
      }
      %broadcast_in_dim3A_337 = arith.constant 1.000000e+09 : f32
      %broadcast_in_dim3A_338 = vector.broadcast %broadcast_in_dim3A_337 : f32 to vector<16xf32>
      %swap3A_339 = arith.index_cast %while3A_336 : i32 to index
      %swap3A_340 = tpu.vector_load %arg28[%swap3A_339] {strides = array<i32>} : memref<3472xf32, #tpu.memory_space<vmem>>, vector<16xf32>,
      tpu.vector_store %arg28[%swap3A_339], %broadcast_in_dim3A_338 {strides = array<i32>} : memref<3472xf32, #tpu.memory_space<vmem>>, vector<16xf32>,
      %broadcast_in_dim3A_341 = arith.constant 0 : i32
      %broadcast_in_dim3A_342 = vector.broadcast %broadcast_in_dim3A_341 : i32 to vector<16xi32>
      %swap3A_343 = arith.index_cast %while3A_336 : i32 to index
      %swap3A_344 = tpu.vector_load %arg29[%swap3A_343] {strides = array<i32>} : memref<3472xi32, #tpu.memory_space<vmem>>, vector<16xi32>,
      tpu.vector_store %arg29[%swap3A_343], %broadcast_in_dim3A_342 {strides = array<i32>} : memref<3472xi32, #tpu.memory_space<vmem>>, vector<16xi32>,
      %lt3A_345 = arith.constant 32 : i32
      %lt3A_346 = arith.cmpi slt, %squeeze3A_274, %lt3A_345 : i32
      %add3A_347 = arith.constant 15 : i32
      %add3A_348 = arith.addi %while3A_336, %add3A_347 : i32
      %jit3A_349 = arith.constant 16 : i32
      %div3A_350 = arith.divsi %add3A_348, %jit3A_349 : i32
      %sign3A_351 = arith.constant 0 : i32
      %sign3A_352 = arith.cmpi sgt, %add3A_348, %sign3A_351 : i32
      %sign3A_353 = arith.extui %sign3A_352 : i1 to i32
      %sign3A_354 = arith.constant 0 : i32
      %sign3A_355 = arith.cmpi slt, %add3A_348, %sign3A_354 : i32
      %sign3A_356 = arith.extui %sign3A_355 : i1 to i32
      %sign3A_357 = arith.subi %sign3A_353, %sign3A_356 : i32
      %sign3A_358 = arith.constant 0 : i32
      %sign3A_359 = arith.cmpi sgt, %jit3A_349, %sign3A_358 : i32
      %sign3A_360 = arith.extui %sign3A_359 : i1 to i32
      %sign3A_361 = arith.constant 0 : i32
      %sign3A_362 = arith.cmpi slt, %jit3A_349, %sign3A_361 : i32
      %sign3A_363 = arith.extui %sign3A_362 : i1 to i32
      %sign3A_364 = arith.subi %sign3A_360, %sign3A_363 : i32
      %ne3A_365 = arith.cmpi ne, %sign3A_357, %sign3A_364 : i32
      %rem3A_366 = arith.remsi %add3A_348, %jit3A_349 : i32
      %ne3A_367 = arith.constant 0 : i32
      %ne3A_368 = arith.cmpi ne, %rem3A_366, %ne3A_367 : i32
      %and3A_369 = arith.andi %ne3A_365, %ne3A_368 : i1
      %sub3A_370 = arith.constant 1 : i32
      %sub3A_371 = arith.subi %div3A_350, %sub3A_370 : i32
      %select_n3A_372 = arith.select %and3A_369, %sub3A_371, %div3A_350 : i32
      %jit3A_373 = arith.constant 0 : i32
      %select_n3A_374 = arith.select %lt3A_346, %select_n3A_372, %jit3A_373 : i32
      %while3A_375 = arith.constant 0 : i32
      %while3A_376 = arith.subi %select_n3A_374, %while3A_375 : i32
      %while3A_377 = arith.addi %while3A_375, %while3A_376 : i32
      %while3A_378 = arith.constant 1 : i32
      %while3A_379 = arith.divsi %while3A_376, %while3A_378 : i32
      %while3A_380 = arith.muli %while3A_379, %while3A_378 : i32
      %while3A_381 = arith.addi %while3A_375, %while3A_380 : i32
      %while3A_382 = arith.constant 1 : i32
      %while3A_383:4 = scf.for %while3A_523 = %while3A_375 to %while3A_381 step %while3A_382 iter_args(%while3A_524 = %while3A_320#0, %while3A_525 = %while3A_320#1, %while3A_526 = %while3A_320#2, %while3A_527 = %while3A_320#3) -> (vector<16xf32>, vector<16xi32>, vector<16xf32>, vector<16xi32>)  : i32 {
        %mul3A_528 = arith.constant 16 : i32
        %mul3A_529 = arith.muli %while3A_523, %mul3A_528 : i32
        %get3A_530 = arith.index_cast %mul3A_529 : i32 to index
        %get3A_531 = tpu.vector_load %arg28[%get3A_530] {strides = array<i32>} : memref<3472xf32, #tpu.memory_space<vmem>>, vector<16xf32>,
        %get3A_532 = arith.index_cast %mul3A_529 : i32 to index
        %get3A_533 = tpu.vector_load %arg29[%get3A_532] {strides = array<i32>} : memref<3472xi32, #tpu.memory_space<vmem>>, vector<16xi32>,
        %masked_sort3A = arith.constant dense<true> : vector<16xi1>
        %masked_sort3A_534, %masked_sort3A_535, %masked_sort3A_536 = tpu.sort %get3A_531, %get3A_533 masked %masked_sort3A : (vector<16xf32>, vector<16xi32>, vector<16xi1>) -> (vector<16xi1>, vector<16xf32>, vector<16xi32>)
        %rev3A = arith.constant 15 : i32
        %rev3A_537 = vector.broadcast %rev3A : i32 to vector<16xi32>
        %rev3A_538 = tpu.iota {dimensions = array<i32: 0>} : vector<16xi32>
        %rev3A_539 = arith.subi %rev3A_537, %rev3A_538 : vector<16xi32>
        %rev3A_540 = tpu.dynamic_gather %masked_sort3A_535[%rev3A_539] in [0] : vector<16xf32>, vector<16xi32> -> vector<16xf32>
        %rev3A_541 = arith.constant 15 : i32
        %rev3A_542 = vector.broadcast %rev3A_541 : i32 to vector<16xi32>
        %rev3A_543 = tpu.iota {dimensions = array<i32: 0>} : vector<16xi32>
        %rev3A_544 = arith.subi %rev3A_542, %rev3A_543 : vector<16xi32>
        %rev3A_545 = tpu.dynamic_gather %masked_sort3A_536[%rev3A_544] in [0] : vector<16xi32>, vector<16xi32> -> vector<16xi32>
        %le3A = arith.cmpf ole, %while3A_526, %rev3A_540 : vector<16xf32>
        %select_n3A_546 = arith.select %le3A, %while3A_526, %rev3A_540 : vector<16xi1>, vector<16xf32>
        %select_n3A_547 = arith.select %le3A, %while3A_527, %rev3A_545 : vector<16xi1>, vector<16xi32>
        %masked_sort3A_548 = arith.constant dense<true> : vector<16xi1>
        %masked_sort3A_549, %masked_sort3A_550, %masked_sort3A_551 = tpu.sort %select_n3A_546, %select_n3A_547 masked %masked_sort3A_548 : (vector<16xf32>, vector<16xi32>, vector<16xi1>) -> (vector<16xi1>, vector<16xf32>, vector<16xi32>)
        %rev3A_552 = arith.constant 15 : i32
        %rev3A_553 = vector.broadcast %rev3A_552 : i32 to vector<16xi32>
        %rev3A_554 = tpu.iota {dimensions = array<i32: 0>} : vector<16xi32>
        %rev3A_555 = arith.subi %rev3A_553, %rev3A_554 : vector<16xi32>
        %rev3A_556 = tpu.dynamic_gather %masked_sort3A_550[%rev3A_555] in [0] : vector<16xf32>, vector<16xi32> -> vector<16xf32>
        %rev3A_557 = arith.constant 15 : i32
        %rev3A_558 = vector.broadcast %rev3A_557 : i32 to vector<16xi32>
        %rev3A_559 = tpu.iota {dimensions = array<i32: 0>} : vector<16xi32>
        %rev3A_560 = arith.subi %rev3A_558, %rev3A_559 : vector<16xi32>
        %rev3A_561 = tpu.dynamic_gather %masked_sort3A_551[%rev3A_560] in [0] : vector<16xi32>, vector<16xi32> -> vector<16xi32>
        %le3A_562 = arith.cmpf ole, %while3A_524, %rev3A_556 : vector<16xf32>
        %select_n3A_563 = arith.select %le3A_562, %while3A_524, %rev3A_556 : vector<16xi1>, vector<16xf32>
        %select_n3A_564 = arith.select %le3A_562, %while3A_525, %rev3A_561 : vector<16xi1>, vector<16xi32>
        %select_n3A_565 = arith.select %le3A_562, %rev3A_556, %while3A_524 : vector<16xi1>, vector<16xf32>
        %select_n3A_566 = arith.select %le3A_562, %rev3A_561, %while3A_525 : vector<16xi1>, vector<16xi32>
        %masked_sort3A_567 = arith.constant dense<true> : vector<16xi1>
        %masked_sort3A_568, %masked_sort3A_569, %masked_sort3A_570 = tpu.sort %select_n3A_563, %select_n3A_564 masked %masked_sort3A_567 : (vector<16xf32>, vector<16xi32>, vector<16xi1>) -> (vector<16xi1>, vector<16xf32>, vector<16xi32>)
        %masked_sort3A_571 = arith.constant dense<true> : vector<16xi1>
        %masked_sort3A_572, %masked_sort3A_573, %masked_sort3A_574 = tpu.sort %select_n3A_565, %select_n3A_566 masked %masked_sort3A_571 : (vector<16xf32>, vector<16xi32>, vector<16xi1>) -> (vector<16xi1>, vector<16xf32>, vector<16xi32>)
        scf.yield %masked_sort3A_569, %masked_sort3A_570, %masked_sort3A_573, %masked_sort3A_574 : vector<16xf32>, vector<16xi32>, vector<16xf32>, vector<16xi32>
      }
      %while3A_384 = arith.constant 1 : i32
      %while3A_385:4 = scf.for %while3A_523 = %while3A_381 to %while3A_377 step %while3A_384 iter_args(%while3A_524 = %while3A_383#0, %while3A_525 = %while3A_383#1, %while3A_526 = %while3A_383#2, %while3A_527 = %while3A_383#3) -> (vector<16xf32>, vector<16xi32>, vector<16xf32>, vector<16xi32>)  : i32 {
        %mul3A_528 = arith.constant 16 : i32
        %mul3A_529 = arith.muli %while3A_523, %mul3A_528 : i32
        %get3A_530 = arith.index_cast %mul3A_529 : i32 to index
        %get3A_531 = tpu.vector_load %arg28[%get3A_530] {strides = array<i32>} : memref<3472xf32, #tpu.memory_space<vmem>>, vector<16xf32>,
        %get3A_532 = arith.index_cast %mul3A_529 : i32 to index
        %get3A_533 = tpu.vector_load %arg29[%get3A_532] {strides = array<i32>} : memref<3472xi32, #tpu.memory_space<vmem>>, vector<16xi32>,
        %masked_sort3A = arith.constant dense<true> : vector<16xi1>
        %masked_sort3A_534, %masked_sort3A_535, %masked_sort3A_536 = tpu.sort %get3A_531, %get3A_533 masked %masked_sort3A : (vector<16xf32>, vector<16xi32>, vector<16xi1>) -> (vector<16xi1>, vector<16xf32>, vector<16xi32>)
        %rev3A = arith.constant 15 : i32
        %rev3A_537 = vector.broadcast %rev3A : i32 to vector<16xi32>
        %rev3A_538 = tpu.iota {dimensions = array<i32: 0>} : vector<16xi32>
        %rev3A_539 = arith.subi %rev3A_537, %rev3A_538 : vector<16xi32>
        %rev3A_540 = tpu.dynamic_gather %masked_sort3A_535[%rev3A_539] in [0] : vector<16xf32>, vector<16xi32> -> vector<16xf32>
        %rev3A_541 = arith.constant 15 : i32
        %rev3A_542 = vector.broadcast %rev3A_541 : i32 to vector<16xi32>
        %rev3A_543 = tpu.iota {dimensions = array<i32: 0>} : vector<16xi32>
        %rev3A_544 = arith.subi %rev3A_542, %rev3A_543 : vector<16xi32>
        %rev3A_545 = tpu.dynamic_gather %masked_sort3A_536[%rev3A_544] in [0] : vector<16xi32>, vector<16xi32> -> vector<16xi32>
        %le3A = arith.cmpf ole, %while3A_526, %rev3A_540 : vector<16xf32>
        %select_n3A_546 = arith.select %le3A, %while3A_526, %rev3A_540 : vector<16xi1>, vector<16xf32>
        %select_n3A_547 = arith.select %le3A, %while3A_527, %rev3A_545 : vector<16xi1>, vector<16xi32>
        %masked_sort3A_548 = arith.constant dense<true> : vector<16xi1>
        %masked_sort3A_549, %masked_sort3A_550, %masked_sort3A_551 = tpu.sort %select_n3A_546, %select_n3A_547 masked %masked_sort3A_548 : (vector<16xf32>, vector<16xi32>, vector<16xi1>) -> (vector<16xi1>, vector<16xf32>, vector<16xi32>)
        %rev3A_552 = arith.constant 15 : i32
        %rev3A_553 = vector.broadcast %rev3A_552 : i32 to vector<16xi32>
        %rev3A_554 = tpu.iota {dimensions = array<i32: 0>} : vector<16xi32>
        %rev3A_555 = arith.subi %rev3A_553, %rev3A_554 : vector<16xi32>
        %rev3A_556 = tpu.dynamic_gather %masked_sort3A_550[%rev3A_555] in [0] : vector<16xf32>, vector<16xi32> -> vector<16xf32>
        %rev3A_557 = arith.constant 15 : i32
        %rev3A_558 = vector.broadcast %rev3A_557 : i32 to vector<16xi32>
        %rev3A_559 = tpu.iota {dimensions = array<i32: 0>} : vector<16xi32>
        %rev3A_560 = arith.subi %rev3A_558, %rev3A_559 : vector<16xi32>
        %rev3A_561 = tpu.dynamic_gather %masked_sort3A_551[%rev3A_560] in [0] : vector<16xi32>, vector<16xi32> -> vector<16xi32>
        %le3A_562 = arith.cmpf ole, %while3A_524, %rev3A_556 : vector<16xf32>
        %select_n3A_563 = arith.select %le3A_562, %while3A_524, %rev3A_556 : vector<16xi1>, vector<16xf32>
        %select_n3A_564 = arith.select %le3A_562, %while3A_525, %rev3A_561 : vector<16xi1>, vector<16xi32>
        %select_n3A_565 = arith.select %le3A_562, %rev3A_556, %while3A_524 : vector<16xi1>, vector<16xf32>
        %select_n3A_566 = arith.select %le3A_562, %rev3A_561, %while3A_525 : vector<16xi1>, vector<16xi32>
        %masked_sort3A_567 = arith.constant dense<true> : vector<16xi1>
        %masked_sort3A_568, %masked_sort3A_569, %masked_sort3A_570 = tpu.sort %select_n3A_563, %select_n3A_564 masked %masked_sort3A_567 : (vector<16xf32>, vector<16xi32>, vector<16xi1>) -> (vector<16xi1>, vector<16xf32>, vector<16xi32>)
        %masked_sort3A_571 = arith.constant dense<true> : vector<16xi1>
        %masked_sort3A_572, %masked_sort3A_573, %masked_sort3A_574 = tpu.sort %select_n3A_565, %select_n3A_566 masked %masked_sort3A_571 : (vector<16xf32>, vector<16xi32>, vector<16xi1>) -> (vector<16xi1>, vector<16xf32>, vector<16xi32>)
        scf.yield %masked_sort3A_569, %masked_sort3A_570, %masked_sort3A_573, %masked_sort3A_574 : vector<16xf32>, vector<16xi32>, vector<16xf32>, vector<16xi32>
      }
      %mul3A_386 = arith.constant 32 : i32
      %mul3A_387 = arith.muli %scan3A_47, %mul3A_386 : i32
      %lt3A_388 = arith.constant 1.000000e+05 : f32
      %lt3A_389 = vector.broadcast %lt3A_388 : f32 to vector<16xf32>
      %lt3A_390 = arith.cmpf olt, %while3A_385#0, %lt3A_389 : vector<16xf32>
      %bitcast_convert_type3A = tpu.bitcast %while3A_385#0 : vector<16xf32> -> vector<16xi32>
      %shift_right_arithmetic3A = arith.constant 1 : i32
      %shift_right_arithmetic3A_391 = vector.broadcast %shift_right_arithmetic3A : i32 to vector<16xi32>
      %shift_right_arithmetic3A_392 = arith.shrsi %bitcast_convert_type3A, %shift_right_arithmetic3A_391 : vector<16xi32>
      %add3A_393 = arith.constant 532487669 : i32
      %add3A_394 = vector.broadcast %add3A_393 : i32 to vector<16xi32>
      %add3A_395 = arith.addi %shift_right_arithmetic3A_392, %add3A_394 : vector<16xi32>
      %bitcast_convert_type3A_396 = tpu.bitcast %add3A_395 : vector<16xi32> -> vector<16xf32>
      %div3A_397 = arith.divf %while3A_385#0, %bitcast_convert_type3A_396 : vector<16xf32>
      %add3A_398 = arith.addf %bitcast_convert_type3A_396, %div3A_397 : vector<16xf32>
      %mul3A_399 = arith.constant 5.000000e-01 : f32
      %mul3A_400 = vector.broadcast %mul3A_399 : f32 to vector<16xf32>
      %mul3A_401 = arith.mulf %mul3A_400, %add3A_398 : vector<16xf32>
      %div3A_402 = arith.divf %while3A_385#0, %mul3A_401 : vector<16xf32>
      %add3A_403 = arith.addf %mul3A_401, %div3A_402 : vector<16xf32>
      %mul3A_404 = arith.constant 5.000000e-01 : f32
      %mul3A_405 = vector.broadcast %mul3A_404 : f32 to vector<16xf32>
      %mul3A_406 = arith.mulf %mul3A_405, %add3A_403 : vector<16xf32>
      %jit3A_407 = arith.constant 0.000000e+00 : f32
      %broadcast_in_dim3A_408 = vector.broadcast %jit3A_407 : f32 to vector<16xf32>
      %select_n3A_409 = arith.select %lt3A_390, %mul3A_406, %broadcast_in_dim3A_408 : vector<16xi1>, vector<16xf32>
      %add3A_410 = arith.constant 0 : i32
      %add3A_411 = arith.addi %mul3A_387, %add3A_410 : i32
      %swap3A_412 = arith.index_cast %add3A_411 : i32 to index
      %swap3A_413 = tpu.vector_load %arg30[%swap3A_412] {strides = array<i32>} : memref<4096xf32, #tpu.memory_space<vmem>>, vector<16xf32>,
      tpu.vector_store %arg30[%swap3A_412], %select_n3A_409 {strides = array<i32>} : memref<4096xf32, #tpu.memory_space<vmem>>, vector<16xf32>,
      %jit3A_414 = arith.constant 27 : i32
      %div3A_415 = vector.broadcast %jit3A_414 : i32 to vector<16xi32>
      %div3A_416 = arith.divsi %while3A_385#1, %div3A_415 : vector<16xi32>
      %sign3A_417 = arith.constant 0 : i32
      %sign3A_418 = vector.broadcast %sign3A_417 : i32 to vector<16xi32>
      %sign3A_419 = arith.cmpi sgt, %while3A_385#1, %sign3A_418 : vector<16xi32>
      %sign3A_420 = arith.extui %sign3A_419 : vector<16xi1> to vector<16xi32>
      %sign3A_421 = arith.constant 0 : i32
      %sign3A_422 = vector.broadcast %sign3A_421 : i32 to vector<16xi32>
      %sign3A_423 = arith.cmpi slt, %while3A_385#1, %sign3A_422 : vector<16xi32>
      %sign3A_424 = arith.extui %sign3A_423 : vector<16xi1> to vector<16xi32>
      %sign3A_425 = arith.subi %sign3A_420, %sign3A_424 : vector<16xi32>
      %sign3A_426 = arith.constant 0 : i32
      %sign3A_427 = arith.cmpi sgt, %jit3A_414, %sign3A_426 : i32
      %sign3A_428 = arith.extui %sign3A_427 : i1 to i32
      %sign3A_429 = arith.constant 0 : i32
      %sign3A_430 = arith.cmpi slt, %jit3A_414, %sign3A_429 : i32
      %sign3A_431 = arith.extui %sign3A_430 : i1 to i32
      %sign3A_432 = arith.subi %sign3A_428, %sign3A_431 : i32
      %ne3A_433 = vector.broadcast %sign3A_432 : i32 to vector<16xi32>
      %ne3A_434 = arith.cmpi ne, %sign3A_425, %ne3A_433 : vector<16xi32>
      %rem3A_435 = vector.broadcast %jit3A_414 : i32 to vector<16xi32>
      %rem3A_436 = arith.remsi %while3A_385#1, %rem3A_435 : vector<16xi32>
      %ne3A_437 = arith.constant 0 : i32
      %ne3A_438 = vector.broadcast %ne3A_437 : i32 to vector<16xi32>
      %ne3A_439 = arith.cmpi ne, %rem3A_436, %ne3A_438 : vector<16xi32>
      %and3A_440 = arith.andi %ne3A_434, %ne3A_439 : vector<16xi1>
      %sub3A_441 = arith.constant 1 : i32
      %sub3A_442 = vector.broadcast %sub3A_441 : i32 to vector<16xi32>
      %sub3A_443 = arith.subi %div3A_416, %sub3A_442 : vector<16xi32>
      %select_n3A_444 = arith.select %and3A_440, %sub3A_443, %div3A_416 : vector<16xi1>, vector<16xi32>
      %add3A_445 = arith.constant 0 : i32
      %add3A_446 = arith.addi %mul3A_387, %add3A_445 : i32
      %swap3A_447 = arith.index_cast %add3A_446 : i32 to index
      %swap3A_448 = tpu.vector_load %arg31[%swap3A_447] {strides = array<i32>} : memref<4096xi32, #tpu.memory_space<vmem>>, vector<16xi32>,
      tpu.vector_store %arg31[%swap3A_447], %select_n3A_444 {strides = array<i32>} : memref<4096xi32, #tpu.memory_space<vmem>>, vector<16xi32>,
      %convert_element_type3A_449 = arith.extui %lt3A_390 : vector<16xi1> to vector<16xi32>
      %add3A_450 = arith.constant 0 : i32
      %add3A_451 = arith.addi %mul3A_387, %add3A_450 : i32
      %swap3A_452 = arith.index_cast %add3A_451 : i32 to index
      %swap3A_453 = tpu.vector_load %arg32[%swap3A_452] {strides = array<i32>} : memref<4096xi32, #tpu.memory_space<vmem>>, vector<16xi32>,
      tpu.vector_store %arg32[%swap3A_452], %convert_element_type3A_449 {strides = array<i32>} : memref<4096xi32, #tpu.memory_space<vmem>>, vector<16xi32>,
      %lt3A_454 = arith.constant 1.000000e+05 : f32
      %lt3A_455 = vector.broadcast %lt3A_454 : f32 to vector<16xf32>
      %lt3A_456 = arith.cmpf olt, %while3A_385#2, %lt3A_455 : vector<16xf32>
      %bitcast_convert_type3A_457 = tpu.bitcast %while3A_385#2 : vector<16xf32> -> vector<16xi32>
      %shift_right_arithmetic3A_458 = arith.constant 1 : i32
      %shift_right_arithmetic3A_459 = vector.broadcast %shift_right_arithmetic3A_458 : i32 to vector<16xi32>
      %shift_right_arithmetic3A_460 = arith.shrsi %bitcast_convert_type3A_457, %shift_right_arithmetic3A_459 : vector<16xi32>
      %add3A_461 = arith.constant 532487669 : i32
      %add3A_462 = vector.broadcast %add3A_461 : i32 to vector<16xi32>
      %add3A_463 = arith.addi %shift_right_arithmetic3A_460, %add3A_462 : vector<16xi32>
      %bitcast_convert_type3A_464 = tpu.bitcast %add3A_463 : vector<16xi32> -> vector<16xf32>
      %div3A_465 = arith.divf %while3A_385#2, %bitcast_convert_type3A_464 : vector<16xf32>
      %add3A_466 = arith.addf %bitcast_convert_type3A_464, %div3A_465 : vector<16xf32>
      %mul3A_467 = arith.constant 5.000000e-01 : f32
      %mul3A_468 = vector.broadcast %mul3A_467 : f32 to vector<16xf32>
      %mul3A_469 = arith.mulf %mul3A_468, %add3A_466 : vector<16xf32>
      %div3A_470 = arith.divf %while3A_385#2, %mul3A_469 : vector<16xf32>
      %add3A_471 = arith.addf %mul3A_469, %div3A_470 : vector<16xf32>
      %mul3A_472 = arith.constant 5.000000e-01 : f32
      %mul3A_473 = vector.broadcast %mul3A_472 : f32 to vector<16xf32>
      %mul3A_474 = arith.mulf %mul3A_473, %add3A_471 : vector<16xf32>
      %jit3A_475 = arith.constant 0.000000e+00 : f32
      %broadcast_in_dim3A_476 = vector.broadcast %jit3A_475 : f32 to vector<16xf32>
      %select_n3A_477 = arith.select %lt3A_456, %mul3A_474, %broadcast_in_dim3A_476 : vector<16xi1>, vector<16xf32>
      %add3A_478 = arith.constant 16 : i32
      %add3A_479 = arith.addi %mul3A_387, %add3A_478 : i32
      %swap3A_480 = arith.index_cast %add3A_479 : i32 to index
      %swap3A_481 = tpu.vector_load %arg30[%swap3A_480] {strides = array<i32>} : memref<4096xf32, #tpu.memory_space<vmem>>, vector<16xf32>,
      tpu.vector_store %arg30[%swap3A_480], %select_n3A_477 {strides = array<i32>} : memref<4096xf32, #tpu.memory_space<vmem>>, vector<16xf32>,
      %jit3A_482 = arith.constant 27 : i32
      %div3A_483 = vector.broadcast %jit3A_482 : i32 to vector<16xi32>
      %div3A_484 = arith.divsi %while3A_385#3, %div3A_483 : vector<16xi32>
      %sign3A_485 = arith.constant 0 : i32
      %sign3A_486 = vector.broadcast %sign3A_485 : i32 to vector<16xi32>
      %sign3A_487 = arith.cmpi sgt, %while3A_385#3, %sign3A_486 : vector<16xi32>
      %sign3A_488 = arith.extui %sign3A_487 : vector<16xi1> to vector<16xi32>
      %sign3A_489 = arith.constant 0 : i32
      %sign3A_490 = vector.broadcast %sign3A_489 : i32 to vector<16xi32>
      %sign3A_491 = arith.cmpi slt, %while3A_385#3, %sign3A_490 : vector<16xi32>
      %sign3A_492 = arith.extui %sign3A_491 : vector<16xi1> to vector<16xi32>
      %sign3A_493 = arith.subi %sign3A_488, %sign3A_492 : vector<16xi32>
      %sign3A_494 = arith.constant 0 : i32
      %sign3A_495 = arith.cmpi sgt, %jit3A_482, %sign3A_494 : i32
      %sign3A_496 = arith.extui %sign3A_495 : i1 to i32
      %sign3A_497 = arith.constant 0 : i32
      %sign3A_498 = arith.cmpi slt, %jit3A_482, %sign3A_497 : i32
      %sign3A_499 = arith.extui %sign3A_498 : i1 to i32
      %sign3A_500 = arith.subi %sign3A_496, %sign3A_499 : i32
      %ne3A_501 = vector.broadcast %sign3A_500 : i32 to vector<16xi32>
      %ne3A_502 = arith.cmpi ne, %sign3A_493, %ne3A_501 : vector<16xi32>
      %rem3A_503 = vector.broadcast %jit3A_482 : i32 to vector<16xi32>
      %rem3A_504 = arith.remsi %while3A_385#3, %rem3A_503 : vector<16xi32>
      %ne3A_505 = arith.constant 0 : i32
      %ne3A_506 = vector.broadcast %ne3A_505 : i32 to vector<16xi32>
      %ne3A_507 = arith.cmpi ne, %rem3A_504, %ne3A_506 : vector<16xi32>
      %and3A_508 = arith.andi %ne3A_502, %ne3A_507 : vector<16xi1>
      %sub3A_509 = arith.constant 1 : i32
      %sub3A_510 = vector.broadcast %sub3A_509 : i32 to vector<16xi32>
      %sub3A_511 = arith.subi %div3A_484, %sub3A_510 : vector<16xi32>
      %select_n3A_512 = arith.select %and3A_508, %sub3A_511, %div3A_484 : vector<16xi1>, vector<16xi32>
      %add3A_513 = arith.constant 16 : i32
      %add3A_514 = arith.addi %mul3A_387, %add3A_513 : i32
      %swap3A_515 = arith.index_cast %add3A_514 : i32 to index
      %swap3A_516 = tpu.vector_load %arg31[%swap3A_515] {strides = array<i32>} : memref<4096xi32, #tpu.memory_space<vmem>>, vector<16xi32>,
      tpu.vector_store %arg31[%swap3A_515], %select_n3A_512 {strides = array<i32>} : memref<4096xi32, #tpu.memory_space<vmem>>, vector<16xi32>,
      %convert_element_type3A_517 = arith.extui %lt3A_456 : vector<16xi1> to vector<16xi32>
      %add3A_518 = arith.constant 16 : i32
      %add3A_519 = arith.addi %mul3A_387, %add3A_518 : i32
      %swap3A_520 = arith.index_cast %add3A_519 : i32 to index
      %swap3A_521 = tpu.vector_load %arg32[%swap3A_520] {strides = array<i32>} : memref<4096xi32, #tpu.memory_space<vmem>>, vector<16xi32>,
      tpu.vector_store %arg32[%swap3A_520], %convert_element_type3A_517 {strides = array<i32>} : memref<4096xi32, #tpu.memory_space<vmem>>, vector<16xi32>,
      %scan3A_522 = arith.constant 0 : i32
      scf.yield %scan3A_522 : i32
    }
    %scan3A_46 = arith.constant 128 : i32
    "tpu.region"() ({
      %run_scoped3A = tpu.sem_alloc : memref<!tpu.dma_semaphore, #tpu.memory_space<semaphore_mem>>
      %dma_start3A = arith.constant 0 : i32
      %dma_start3A_47 = tpu.memref_slice %arg9[%add3A, %dma_start3A] : memref<32x4096xf32, #tpu.memory_space<hbm>> -> memref<1x4096xf32, #tpu.memory_space<hbm>>
      %dma_start3A_48 = tpu.memref_squeeze %dma_start3A_47 : memref<1x4096xf32, #tpu.memory_space<hbm>> -> memref<4096xf32, #tpu.memory_space<hbm>>
      %dma_start3A_49 = arith.constant 0 : i32
      %dma_start3A_50 = tpu.memref_slice %arg9[%add3A, %dma_start3A_49] : memref<32x4096xf32, #tpu.memory_space<hbm>> -> memref<1x4096xf32, #tpu.memory_space<hbm>>
      %dma_start3A_51 = tpu.memref_squeeze %dma_start3A_50 : memref<1x4096xf32, #tpu.memory_space<hbm>> -> memref<4096xf32, #tpu.memory_space<hbm>>
      tpu.enqueue_dma source(%arg30 : memref<4096xf32, #tpu.memory_space<vmem>>) target(%dma_start3A_51 : memref<4096xf32, #tpu.memory_space<hbm>>) target_semaphore(%run_scoped3A : memref<!tpu.dma_semaphore, #tpu.memory_space<semaphore_mem>>)
      %dma_wait3A = arith.constant 0 : i32
      %dma_wait3A_52 = tpu.memref_slice %arg9[%add3A, %dma_wait3A] : memref<32x4096xf32, #tpu.memory_space<hbm>> -> memref<1x4096xf32, #tpu.memory_space<hbm>>
      %dma_wait3A_53 = tpu.memref_squeeze %dma_wait3A_52 : memref<1x4096xf32, #tpu.memory_space<hbm>> -> memref<4096xf32, #tpu.memory_space<hbm>>
      %dma_wait3A_54 = arith.constant 0 : i32
      %dma_wait3A_55 = tpu.memref_slice %arg9[%add3A, %dma_wait3A_54] : memref<32x4096xf32, #tpu.memory_space<hbm>> -> memref<1x4096xf32, #tpu.memory_space<hbm>>
      %dma_wait3A_56 = tpu.memref_squeeze %dma_wait3A_55 : memref<1x4096xf32, #tpu.memory_space<hbm>> -> memref<4096xf32, #tpu.memory_space<hbm>>
      tpu.wait_dma2 semaphore(%run_scoped3A : memref<!tpu.dma_semaphore, #tpu.memory_space<semaphore_mem>>) src(%arg30 : memref<4096xf32, #tpu.memory_space<vmem>>) dst(%dma_wait3A_56 : memref<4096xf32, #tpu.memory_space<hbm>>)
      tpu.yield
    }) : () -> ()
    "tpu.region"() ({
      %run_scoped3A = tpu.sem_alloc : memref<!tpu.dma_semaphore, #tpu.memory_space<semaphore_mem>>
      %dma_start3A = arith.constant 0 : i32
      %dma_start3A_47 = tpu.memref_slice %arg10[%add3A, %dma_start3A] : memref<32x4096xi32, #tpu.memory_space<hbm>> -> memref<1x4096xi32, #tpu.memory_space<hbm>>
      %dma_start3A_48 = tpu.memref_squeeze %dma_start3A_47 : memref<1x4096xi32, #tpu.memory_space<hbm>> -> memref<4096xi32, #tpu.memory_space<hbm>>
      %dma_start3A_49 = arith.constant 0 : i32
      %dma_start3A_50 = tpu.memref_slice %arg10[%add3A, %dma_start3A_49] : memref<32x4096xi32, #tpu.memory_space<hbm>> -> memref<1x4096xi32, #tpu.memory_space<hbm>>
      %dma_start3A_51 = tpu.memref_squeeze %dma_start3A_50 : memref<1x4096xi32, #tpu.memory_space<hbm>> -> memref<4096xi32, #tpu.memory_space<hbm>>
      tpu.enqueue_dma source(%arg31 : memref<4096xi32, #tpu.memory_space<vmem>>) target(%dma_start3A_51 : memref<4096xi32, #tpu.memory_space<hbm>>) target_semaphore(%run_scoped3A : memref<!tpu.dma_semaphore, #tpu.memory_space<semaphore_mem>>)
      %dma_wait3A = arith.constant 0 : i32
      %dma_wait3A_52 = tpu.memref_slice %arg10[%add3A, %dma_wait3A] : memref<32x4096xi32, #tpu.memory_space<hbm>> -> memref<1x4096xi32, #tpu.memory_space<hbm>>
      %dma_wait3A_53 = tpu.memref_squeeze %dma_wait3A_52 : memref<1x4096xi32, #tpu.memory_space<hbm>> -> memref<4096xi32, #tpu.memory_space<hbm>>
      %dma_wait3A_54 = arith.constant 0 : i32
      %dma_wait3A_55 = tpu.memref_slice %arg10[%add3A, %dma_wait3A_54] : memref<32x4096xi32, #tpu.memory_space<hbm>> -> memref<1x4096xi32, #tpu.memory_space<hbm>>
      %dma_wait3A_56 = tpu.memref_squeeze %dma_wait3A_55 : memref<1x4096xi32, #tpu.memory_space<hbm>> -> memref<4096xi32, #tpu.memory_space<hbm>>
      tpu.wait_dma2 semaphore(%run_scoped3A : memref<!tpu.dma_semaphore, #tpu.memory_space<semaphore_mem>>) src(%arg31 : memref<4096xi32, #tpu.memory_space<vmem>>) dst(%dma_wait3A_56 : memref<4096xi32, #tpu.memory_space<hbm>>)
      tpu.yield
    }) : () -> ()
    "tpu.region"() ({
      %run_scoped3A = tpu.sem_alloc : memref<!tpu.dma_semaphore, #tpu.memory_space<semaphore_mem>>
      %dma_start3A = arith.constant 0 : i32
      %dma_start3A_47 = tpu.memref_slice %arg11[%add3A, %dma_start3A] : memref<32x4096xi32, #tpu.memory_space<hbm>> -> memref<1x4096xi32, #tpu.memory_space<hbm>>
      %dma_start3A_48 = tpu.memref_squeeze %dma_start3A_47 : memref<1x4096xi32, #tpu.memory_space<hbm>> -> memref<4096xi32, #tpu.memory_space<hbm>>
      %dma_start3A_49 = arith.constant 0 : i32
      %dma_start3A_50 = tpu.memref_slice %arg11[%add3A, %dma_start3A_49] : memref<32x4096xi32, #tpu.memory_space<hbm>> -> memref<1x4096xi32, #tpu.memory_space<hbm>>
      %dma_start3A_51 = tpu.memref_squeeze %dma_start3A_50 : memref<1x4096xi32, #tpu.memory_space<hbm>> -> memref<4096xi32, #tpu.memory_space<hbm>>
      tpu.enqueue_dma source(%arg32 : memref<4096xi32, #tpu.memory_space<vmem>>) target(%dma_start3A_51 : memref<4096xi32, #tpu.memory_space<hbm>>) target_semaphore(%run_scoped3A : memref<!tpu.dma_semaphore, #tpu.memory_space<semaphore_mem>>)
      %dma_wait3A = arith.constant 0 : i32
      %dma_wait3A_52 = tpu.memref_slice %arg11[%add3A, %dma_wait3A] : memref<32x4096xi32, #tpu.memory_space<hbm>> -> memref<1x4096xi32, #tpu.memory_space<hbm>>
      %dma_wait3A_53 = tpu.memref_squeeze %dma_wait3A_52 : memref<1x4096xi32, #tpu.memory_space<hbm>> -> memref<4096xi32, #tpu.memory_space<hbm>>
      %dma_wait3A_54 = arith.constant 0 : i32
      %dma_wait3A_55 = tpu.memref_slice %arg11[%add3A, %dma_wait3A_54] : memref<32x4096xi32, #tpu.memory_space<hbm>> -> memref<1x4096xi32, #tpu.memory_space<hbm>>
      %dma_wait3A_56 = tpu.memref_squeeze %dma_wait3A_55 : memref<1x4096xi32, #tpu.memory_space<hbm>> -> memref<4096xi32, #tpu.memory_space<hbm>>
      tpu.wait_dma2 semaphore(%run_scoped3A : memref<!tpu.dma_semaphore, #tpu.memory_space<semaphore_mem>>) src(%arg32 : memref<4096xi32, #tpu.memory_space<vmem>>) dst(%dma_wait3A_56 : memref<4096xi32, #tpu.memory_space<hbm>>)
      tpu.yield
    }) : () -> ()
    return
  }
}

</mosaic_0001>

<sc_bundles>
// kernel: kernel.3.cloned.1.call-start
scs
__scs_entry_jumppad:
0x0: {  	(pc) =	sbr.rel $0x88, $3  }
0x1: {  	(tag) =	ssettag $0x0;
	lr =	simm.s32 $0x1  }
0x2: {  	[smem:$0x3F9F] =	sst lr;
	_ =	strace $0xD0000000  }
0x3: {  	_ = 	snop  }
0x4: {  	_ = 	snop  }
0x5: {  	_ = 	snop  }
0x6: {  	_ = 	snop  }
0x7: {  	_ = 	snop  }
__scs_overlays_trampoline_lowered:
0x8: {  	[smem:$0x3FAE] =	sst s0  }
0x9: {  	[smem:$0x3FAF] =	sst s1  }
0xa: {  	[smem:$0x3FB0] =	sst s2  }
0xb: {  	[smem:$0x3FB1] =	sst s3  }
0xc: {  	[smem:$0x3FB2] =	sst s4  }
0xd: {  	[smem:$0x3FB3] =	sst s5  }
0xe: {  	[smem:$0x3FB4] =	sst s6  }
0xf: {  	[smem:$0x3FB5] =	sst s7  }
0x10: {  	[smem:$0x3FB6] =	sst s8  }
0x11: {  	[smem:$0x3FB7] =	sst s9;
	s0 =	simm.s32 @!p0 $0x0  }
0x12: {  	s1 =	sld [smem:$0x3F9D];
	s0 =	simm.s32 @p0 $0x1  }
0x13: {  	[smem:$0x3FB8] =	sst s0;
	s0 =	simm.s32 @!p1 $0x0  }
0x14: {  	s2 =	sld [smem:$0x3F9C];
	s0 =	simm.s32 @p1 $0x1  }
0x15: {  	[smem:$0x3FB9] =	sst s0;
	s0 =	simm.s32 @!p2 $0x0  }
0x16: {  	s3 =	sld [smem:$0x3FDB];
	s0 =	simm.s32 @p2 $0x1  }
0x17: {  	s4 =	simm.s32 $0x1BF5;
	[smem:$0x3FBB] =	sst s0  }
0x18: {  	s0 =	sld [smem:$0x3F9E];
	_ =	swait.ge [sflag:s4], $0x0  }
0x19: {  	s7 =	sld [smem:$0x3F9F]  }
0x1a: {  	s8 =	sadd.s32 $0xFFFFE003, lr  }
0x1b: {  	s9 =	sadd.s32 $0xFFFFFEF7, lr;
	s5 =	simm.s32 $0xFFFFFFFF;
	p2 =	slt.u32 s8, $0xFFFFF086  }
0x1c: {  	p1 =	slt.u32 s9, $0xF7A;
	s5 =	simm.s32 @!p2 $0x0  }
0x1d: {  	s5 =	simm.s32 @p1 $0x1;
	p0 =	seq.s32 s7, s2  }
0x1e: {  	s7 =	smul.u32 @!p0 $0xF7A, s2;
	p2 =	seq.s32 @!p0 s5, $0x0  }
0x1f: {  	s9 =	smul.u32 $0xF7A, s1;
	s8 =	simm.s32 @!p0 $0x1BF5;
	p2 =	por !p2, p0  }
0x20: {  	[sflag:s8] =	ssyncset.s32 @!p0 $0xFFFFF086;
	s6 =	sadd.s32 @!p0 s3, s7;
	s7 =	simm.s32 @!p0 $0x108  }
0x21: {  	s3 =	sadd.s32 s3, s9;
	s6 =	sadd.s32 @!p0 $0x88, s6;
	s7 =	simm.s32 @p2 $0x1082  }
0x22: {  	[simem:s7], [sflag:s8] =	dma.local @!p0 [hbm:s6], $0xF7A  }
0x23: {  	s9 =	sor.u32 $0xD0000000, s2;
	s6 =	simm.s32 $0x108;
	_ =	swait.ge @!p0 [sflag:s8], $0x0  }
0x24: {  	s3 =	sadd.s32 $0x88, s3;
	s6 =	simm.s32 @!p1 $0x1082;
	[sflag:s4] =	ssyncset.s32 $0xFFFFF086  }
0x25: {  	[simem:s6], [sflag:s4] =	dma.local [hbm:s3], $0xF7A  }
0x26: {  	[smem:$0x3F9F] =	sst s1;
	(tag) =	ssettag s2;
	_ =	strace s9  }
0x27: {  	s1 =	sld [smem:$0x3FAF]  }
0x28: {  	s2 =	sld [smem:$0x3FB0]  }
0x29: {  	s4 =	sld [smem:$0x3FB2]  }
0x2a: {  	p0 =	seq.s32 s5, $0x0;
	s5 =	sld [smem:$0x3FB3]  }
0x2b: {  	s6 =	sld [smem:$0x3FB4]  }
0x2c: {  	s7 =	sld [smem:$0x3FB5]  }
0x2d: {  	s3 =	simm.s32 $0x108;
	s8 =	sld [smem:$0x3FB6]  }
0x2e: {  	s3 =	simm.s32 @!p0 $0x1082;
	s9 =	sld [smem:$0x3FB7]  }
0x2f: {  	lr =	sadd.s32 s0, s3;
	s0 =	sld [smem:$0x3FAE]  }
0x30: {  	s3 =	sld [smem:$0x3FB1]  }
0x31: {  	[smem:$0x3FBA] =	sst s10  }
0x32: {  	s10 =	sld [smem:$0x3FB8];
	_ =	sdelay $0x3  }
0x33: {  	p0 =	seq.s32 s10, $0x1;
	s10 =	sld [smem:$0x3FBA];
	_ =	sdelay $0x3  }
0x34: {  	[smem:$0x3FBA] =	sst s10  }
0x35: {  	s10 =	sld [smem:$0x3FB9];
	_ =	sdelay $0x3  }
0x36: {  	p1 =	seq.s32 s10, $0x1;
	s10 =	sld [smem:$0x3FBA];
	_ =	sdelay $0x3  }
0x37: {  	[smem:$0x3FBA] =	sst s10  }
0x38: {  	s10 =	sld [smem:$0x3FBB]  }
0x39: {  	_ = 	snop;
	(pc) =	sbr.ind lr, $3  }
0x3a: {  	_ = 	snop  }
0x3b: {  	_ = 	snop  }
0x3c: {  	p2 =	seq.s32 s10, $0x1;
	s10 =	sld [smem:$0x3FBA]  }
0x3d: {  	_ =	shalt  }
0x3e: {  	_ =	shalt  }
0x3f: {  	_ =	shalt  }
0x40: {  	_ =	shalt  }
0x41: {  	_ =	shalt  }
0x42: {  	_ =	shalt  }
0x43: {  	_ =	shalt  }
0x44: {  	_ =	shalt  }
0x45: {  	_ =	shalt  }
0x46: {  	_ =	shalt  }
0x47: {  	_ =	shalt  }
0x48: {  	_ =	shalt  }
0x49: {  	_ =	shalt  }
0x4a: {  	_ =	shalt  }
0x4b: {  	_ =	shalt  }
0x4c: {  	_ =	shalt  }
0x4d: {  	_ =	shalt  }
0x4e: {  	_ =	shalt  }
0x4f: {  	_ =	shalt  }
0x50: {  	_ =	shalt  }
0x51: {  	_ =	shalt  }
0x52: {  	_ =	shalt  }
0x53: {  	_ =	shalt  }
0x54: {  	_ =	shalt  }
0x55: {  	_ =	shalt  }
0x56: {  	_ =	shalt  }
0x57: {  	_ =	shalt  }
0x58: {  	_ =	shalt  }
0x59: {  	_ =	shalt  }
0x5a: {  	_ =	shalt  }
0x5b: {  	_ =	shalt  }
0x5c: {  	_ =	shalt  }
0x5d: {  	_ =	shalt  }
0x5e: {  	_ =	shalt  }
0x5f: {  	_ =	shalt  }
0x60: {  	_ =	shalt  }
0x61: {  	_ =	shalt  }
0x62: {  	_ =	shalt  }
0x63: {  	_ =	shalt  }
0x64: {  	_ =	shalt  }
0x65: {  	_ =	shalt  }
0x66: {  	_ =	shalt  }
0x67: {  	_ =	shalt  }
0x68: {  	_ =	shalt  }
0x69: {  	_ =	shalt  }
0x6a: {  	_ =	shalt  }
0x6b: {  	_ =	shalt  }
0x6c: {  	_ =	shalt  }
0x6d: {  	_ =	shalt  }
0x6e: {  	_ =	shalt  }
0x6f: {  	_ =	shalt  }
0x70: {  	_ =	shalt  }
0x71: {  	_ =	shalt  }
0x72: {  	_ =	shalt  }
0x73: {  	_ =	shalt  }
0x74: {  	_ =	shalt  }
0x75: {  	_ =	shalt  }
0x76: {  	_ =	shalt  }
0x77: {  	_ =	shalt  }
0x78: {  	_ =	shalt  }
0x79: {  	_ =	shalt  }
0x7a: {  	_ =	shalt  }
0x7b: {  	_ =	shalt  }
0x7c: {  	_ =	shalt  }
0x7d: {  	_ =	shalt  }
0x7e: {  	_ =	shalt  }
0x7f: {  	_ =	shalt  }
0x80: {  	_ =	shalt  }
0x81: {  	_ =	shalt  }
0x82: {  	_ =	shalt  }
0x83: {  	_ =	shalt  }
0x84: {  	_ =	shalt  }
0x85: {  	_ =	shalt  }
0x86: {  	_ =	shalt  }
0x87: {  	_ =	shalt  }
.Lfunc_end0:
.L_simem_size_0:
called_computation_lowered:
.L_overlay_start_0:
0x88: {  	s2 =	sld [smem:$0x3FD9]  }
0x89: {  	s3 =	sld [smem:$0x3FFE];
	_ =	sdelay $0x1  }
0x8a: {  	s1 =	srdreg.scid  }
0x8b: {  	s0 =	sand.u32 $0x1, s1  }
0x8c: {  	s14 =	sshll.u32 s0, $0xA;
	s2 =	sadd.s32 s3, s2  }
0x8d: {  	s2 =	sadd.s32 s2, s14  }
0x8e: {  	[smem:$0x3FC6] =	sst s2  }
0x8f: {  	_ = 	snop  }
0x90: {  	s2 =	sld [smem:$0x3FD0];
	_ =	sdelay $0x2  }
0x91: {  	s15 =	simm.s32 $0xA;
	s4 =	simm.s32 $0x10  }
0x92: {  	[smem:s4], [sflag:s15] =	dma.local [hbm:s2], $0x1  }
0x93: {  	_ =	swait.eq [sflag:s15], $0x1  }
0x94: {  	s16 =	sld [smem:$0x10];
	[sflag:s15] =	ssyncset.done $0x0  }
0x95: {  	s17 =	sld [smem:$0x11];
	[sflag:s15] =	ssyncadd.s32 $0xFFFFFFFF  }
0x96: {  	s18 =	sld [smem:$0x12];
	(tm) =	ssettm $0x1  }
0x97: {  	s5 =	sld [smem:$0x3FFB];
	_ =	sdelay $0x3  }
0x98: {  	_ =	strace s5  }
0x99: {  	s5 =	sld [smem:$0x3FFC];
	_ =	sdelay $0x3  }
0x9a: {  	_ =	strace s5  }
0x9b: {  	s5 =	sld [smem:$0x3FFD];
	_ =	sdelay $0x3  }
0x9c: {  	_ =	strace s5  }
0x9d: {  	_ =	strace $0x8FFFFFFF  }
0x9e: {  	s19 =	sld [smem:$0x3FDB];
	_ =	sdelay $0x1  }
0x9f: {  	s6 =	simm.s32 $_scs_section_size  }
0xa0: {  	s7 =	simm.s32 $_size__tile_overlayer_lowered;
	s8 =	simm.s32 $_tile_overlayer_lowered  }
0xa1: {  	s22 =	simm.s32 $0x1BFF;
	s21 =	sshll.u32 s8, $0x1;
	s5 =	sadd.s32 s6, s19  }
0xa2: {  	s9 =	simm.s32 $0x0;
	s20 =	sshll.u32 s7, $0x1;
	s7 =	sadd.s32 s21, s5  }
0xa3: {  	[timem:s9], [sflag:s22] =	dma.local [hbm:s7], s20  }
0xa4: {  	_ =	swait.ge [sflag:s22], s20  }
0xa5: {  	s6 =	ssub.s32 $0x0, s20;
	[sflag:s22] =	ssyncset.done $0x0  }
0xa6: {  	[sflag:s22] =	ssyncadd.s32 s6;
	_ =	sdelay $0x1  }
0xa7: {  	s23 =	simm.s32 $0x1B8B  }
0xa8: {  	_ =	swait.ge [sflag:s23], $0x1  }
0xa9: {  	[sflag:s23] =	ssyncset.done $0x0  }
0xaa: {  	s25 =	simm.s32 $0x1B8E;
	s24 =	sld [smem:$0x3FFE];
	[sflag:s23] =	ssyncadd.s32 $0xFFFFFFFF  }
0xab: {  	s26 =	simm.s32 $execute0_lowered;
	[smem:$0x3FD2] =	sst s25  }
0xac: {  	s7 =	sshll.u32 s26, $0x1;
	_ =	strace $0x80000046;
	[dreg:$0x1] =	wrdreg $0xFFFFFFFF  }
0xad: {  	s28 =	simm.s32 $_size_execute0_lowered;
	s5 =	sadd.s32 s5, s7;
	[dreg:$0x0] =	wrdreg $0x0  }
0xae: {  	s7 =	sshll.u32 s28, $0x1;
	[dreg:$0x2] =	wrdreg s5  }
0xaf: {  	[dreg:$0x3] =	wrdreg s7  }
0xb0: {  	[dreg:$0x4] =	wrdreg $0xC0  }
0xb1: {  	_ =	task [dreg:s9], $0x5FFFF  }
0xb2: {  	[dreg:$0x1] =	wrdreg $0xFFFFFFFF  }
0xb3: {  	[dreg:$0x0] =	wrdreg $0x60  }
0xb4: {  	[dreg:$0x2] =	wrdreg s24  }
0xb5: {  	[dreg:$0x3] =	wrdreg s18  }
0xb6: {  	[dreg:$0x4] =	wrdreg s17  }
0xb7: {  	[dreg:$0x5] =	wrdreg s16  }
0xb8: {  	[dreg:$0x6] =	wrdreg $0x9  }
0xb9: {  	_ =	task.clear_ibuf [dreg:s9], $0x7FFFF;
	_ =	strace $0x90000046  }
0xba: {  	s29 =	simm.s32 $0x9;
	_ =	strace $0x80000048  }
0xbb: {  	_ =	swait.ge [sflag:s29], $0x1  }
0xbc: {  	[sflag:s29] =	ssyncadd.s32 $0xFFFFFFFF  }
0xbd: {  	_ =	strace $0x90000048  }
0xbe: {  	_ =	sfence  }
0xbf: {  	s30 =	sld [smem:$0x0];
	_ =	sdelay $0x2  }
0xc0: {  	s31 =	sshll.u32 s1, $0xD;
	s1 =	sshrl.u32 s1, $0x2  }
0xc1: {  	s3 =	sand.u32 $0x4000, s31;
	s1 =	sadd.s32 s1, s30  }
0xc2: {  	s0 =	sor.u32 s3, s0;
	s1 =	sshll.u32 s1, $0x11  }
0xc3: {  	s0 =	sor.u32 s1, s0  }
0xc4: {  	s0 =	sadd.s32 $0x8F2B, s0  }
0xc5: {  	[sflag:s0] =	ssyncadd.remote.s32 $0x1  }
0xc6: {  	_ =	sfence.sel $0xFFFF  }
0xc7: {  	[dreg:$0x0] =	wrdreg $0xFFFFFFFF;
	(pc) =	sbr.abs _section_cstart, $3  }
0xc8: {  	[dreg:$0x1] =	wrdreg $0xFFFFFFFF  }
0xc9: {  	_ =	task.clear_ibuf [dreg:s9], $0x2FFFF;
	_ =	strace $0x9FFFFFFF  }
0xca: {  	(tm) =	ssettm $0x7FFFFFFF  }
0xcb: {  	_ =	shalt  }
tec
execute0_lowered:
.L_overlay_start_1:
0x0: {  	(tag) =	ssettag $0x1  }
0x1: {  	s0 =	rddreg [dreg:$0x0]  }
0x2: {  	s1 =	rddreg [dreg:$0x1];
	s2 =	srdreg.scid  }
0x3: {  	s3 =	rddreg [dreg:$0x2];
	s7 =	simm.s32 $0x0;
	s2 =	sand.u32 $0x1, s2  }
0x4: {  	s6 =	stileid.u32;
	[smem:$0x7FF] =	sst s7;
	s5 =	sshll.u32 s2, $0x4  }
0x5: {  	s4 =	rddreg [dreg:$0x3];
	_ =	strace $0x80000047;
	s5 =	sor.u32 s6, s5  }
0x6: {  	s2 =	ssub.s32 $0x2, s2;
	s6 =	sshll.u32 s6, $0x7;
	s5 =	sshrl.u32 s5, $0x3  }
0x7: {  	s8 =	sshrl.u32 s2, $0x1;
	s6 =	sand.u32 $0x380, s6;
	s20 =	sshll.u32 s5, $0xA  }
0x8: {  	s2 =	ssub.s32 s2, s8;
	s5 =	sshll.u32 s5, $0xF;
	s7 =	sor.u32 s6, s20  }
0x9: {  	s31 =	smax.u32 s2, $0x1;
	s5 =	sor.u32 s6, s5;
	s21 =	sshrl.u32 s7, $0x3  }
0xa: {  	[dreg:$0xf] =	wrdreg s31;
	s5 =	sshrl.u32 s5, $0x3;
	s1 =	sadd.s32 s1, s21  }
0xb: {  	s29 =	sadd.s32 s3, s5;
	[dreg:$0xa] =	wrdreg s1  }
0xc: {  	s7 =	sadd.s32 s21, s0;
	s30 =	sadd.s32 s4, s5;
	[dreg:$0xc] =	wrdreg s29  }
0xd: {  	s22 =	sadd.s32 $0x1A00, s7;
	[dreg:$0xe] =	wrdreg s30  }
0xe: {  	s23 =	sadd.s32 $0x1C00, s7;
	[dreg:$0x5] =	wrdreg s22  }
0xf: {  	s13 =	simm.s32 $0x1;
	s24 =	sadd.s32 $0x1E00, s7;
	[dreg:$0x6] =	wrdreg s23  }
.Ltmp0:
0x10: {  	v2 =	vimm.s32 $0xECA86420;
	s25 =	sadd.s32 $0x1800, s7;
	[dreg:$0x7] =	wrdreg s24;
	(pc) =	sbr.rel .LBB2_1-.Ltmp0, $4  }
0x11: {  	v0 =	vlaneseq.u32;
	v3 =	vimm.f32 $1.000000000e+09;
	vm0 =	vcmask $0xB08;
	s11 =	simm.s32 $0x4000;
	s26 =	sadd.s32 $0x1600, s7;
	[dreg:$0x8] =	wrdreg s25  }
0x12: {  	vm1 =	vcmask $0x1310;
	vm2 =	vcmask $0x1B18;
	v4 =	vunpack.c.l.s4.s8 v2;
	s0 =	sadd.s32 s5, s0;
	s28 =	sadd.s32 $0x2000, s7;
	[dreg:$0x9] =	wrdreg s26  }
0x13: {  	vm5 =	vcmask $0x2B28;
	vm6 =	vcmask $0x3330;
	vm7 =	vcmask $0x3B38;
	s12 =	simm.s32 $0x4E00;
	s0 =	sadd.s32 $0x2200, s0;
	[dreg:$0xb] =	wrdreg s28  }
0x14: {  	v1 =	vmul.u32 $0x1B, v0;
	v2 =	vimm.s32 $0x0;
	v4 =	vunpack.c.0.s8.s32 v4;
	s3 =	simm.s32 $0x400;
	s1 =	simm.s32 $0x0;
	[dreg:$0xd] =	wrdreg s0  }
.LBB2_31:
0x15: {  	s0 =	rddreg [dreg:$0xc]  }
0x16: {  	s3 =	simm.s32 $0x400;
	s1 =	simm.s32 $0x80;
	s2 =	simm.s32 $0x7800  }
0x17: {  	[hbm4b:s0+s1] =	stream.strided.scatter [tilespmem:s2], [sflag:$0x1], $0x1000, s3, s1, $0x38;
	[tilespmem:$0xA800] =	vst v63  }
0x18: {  	_ =	swait.ge [sflag:s13], $0x1000  }
0x19: {  	[sflag:s13] =	ssyncset.done $0x0  }
0x1a: {  	s26 =	simm.s32 $0x8800;
	s25 =	rddreg [dreg:$0xd];
	[sflag:s13] =	ssyncadd.s32 $0xFFFFF000  }
0x1b: {  	[hbm4b:s25+s1] =	stream.strided.scatter [tilespmem:s26], [sflag:$0x1], $0x1000, s3, s1, $0x38;
	[tilespmem:$0xA800] =	vst v63  }
0x1c: {  	_ =	swait.ge [sflag:s13], $0x1000  }
0x1d: {  	[sflag:s13] =	ssyncset.done $0x0  }
0x1e: {  	s29 =	simm.s32 $0x9800;
	s28 =	rddreg [dreg:$0xe];
	[sflag:s13] =	ssyncadd.s32 $0xFFFFF000  }
0x1f: {  	[hbm4b:s28+s1] =	stream.strided.scatter [tilespmem:s29], [sflag:$0x1], $0x1000, s3, s1, $0x38;
	[tilespmem:$0xA800] =	vst v63  }
0x20: {  	_ =	swait.ge [sflag:s13], $0x1000  }
0x21: {  	s30 =	rddreg [dreg:$0x10]  }
0x22: {  	s31 =	rddreg [dreg:$0xf];
	s1 =	sadd.s32 $0x1, s30  }
0x23: {  	p0 =	sne.s32 s1, s31  }
.Ltmp1:
0x24: {  	_ = 	snop;
	(pc) =	sbr.rel @!p0 .LBB2_32-.Ltmp1, $3  }
0x25: {  	_ =	sdelay $0x1  }
0x26: {  	[sflag:s13] =	ssyncset.done $0x0  }
0x27: {  	[sflag:s13] =	ssyncadd.s32 $0xFFFFF000  }
.LBB2_1:
0x28: {  	[dreg:$0x10] =	wrdreg s1  }
0x29: {  	s14 =	simm.s32 $0x0;
	s0 =	rddreg [dreg:$0x5]  }
0x2a: {  	[tilespmem:s14], [sflag:$0x1] =	stream.linear.gather [hbm4b:s0+s14], $0x80, $0x38;
	[tilespmem:$0xA800] =	vst v63  }
0x2b: {  	_ =	swait.ge [sflag:s13], $0x80  }
0x2c: {  	[sflag:s13] =	ssyncset.done $0x0  }
0x2d: {  	s2 =	simm.s32 $0x100;
	s15 =	rddreg [dreg:$0x6];
	[sflag:s13] =	ssyncadd.s32 $0xFFFFFF80  }
0x2e: {  	[tilespmem:s2], [sflag:$0x1] =	stream.linear.gather [hbm4b:s15+s14], $0x80, $0x38;
	[tilespmem:$0xA800] =	vst v63  }
0x2f: {  	_ =	swait.ge [sflag:s13], $0x80  }
0x30: {  	[sflag:s13] =	ssyncset.done $0x0  }
0x31: {  	s17 =	simm.s32 $0x200;
	s16 =	rddreg [dreg:$0x7];
	[sflag:s13] =	ssyncadd.s32 $0xFFFFFF80  }
0x32: {  	[tilespmem:s17], [sflag:$0x1] =	stream.linear.gather [hbm4b:s16+s14], $0x80, $0x38;
	[tilespmem:$0xA800] =	vst v63  }
0x33: {  	_ =	swait.ge [sflag:s13], $0x80  }
0x34: {  	[sflag:s13] =	ssyncset.done $0x0  }
0x35: {  	s19 =	simm.s32 $0x300;
	s18 =	rddreg [dreg:$0x8];
	[sflag:s13] =	ssyncadd.s32 $0xFFFFFF80  }
0x36: {  	[tilespmem:s19], [sflag:$0x1] =	stream.linear.gather [hbm4b:s18+s14], $0x80, $0x38;
	[tilespmem:$0xA800] =	vst v63  }
0x37: {  	_ =	swait.ge [sflag:s13], $0x80  }
0x38: {  	[sflag:s13] =	ssyncset.done $0x0  }
0x39: {  	s20 =	rddreg [dreg:$0x9];
	[sflag:s13] =	ssyncadd.s32 $0xFFFFFF80  }
0x3a: {  	[tilespmem:s3], [sflag:$0x1] =	stream.linear.gather [hbm4b:s20+s14], $0x80, $0x38;
	[tilespmem:$0xA800] =	vst v63  }
0x3b: {  	_ =	swait.ge [sflag:s13], $0x80  }
0x3c: {  	[sflag:s13] =	ssyncset.done $0x0  }
0x3d: {  	s22 =	simm.s32 $0x500;
	s21 =	rddreg [dreg:$0xa];
	[sflag:s13] =	ssyncadd.s32 $0xFFFFFF80  }
0x3e: {  	[tilespmem:s22], [sflag:$0x1] =	stream.linear.gather [hbm4b:s21+s14], $0x80, $0x38;
	[tilespmem:$0xA800] =	vst v63  }
0x3f: {  	_ =	swait.ge [sflag:s13], $0x80  }
0x40: {  	[sflag:s13] =	ssyncset.done $0x0  }
0x41: {  	s24 =	simm.s32 $0x600;
	s23 =	rddreg [dreg:$0xb];
	[sflag:s13] =	ssyncadd.s32 $0xFFFFFF80  }
0x42: {  	[tilespmem:s24], [sflag:$0x1] =	stream.linear.gather [hbm4b:s23+s14], $0x80, $0x38;
	[tilespmem:$0xA800] =	vst v63  }
0x43: {  	_ =	swait.ge [sflag:s13], $0x80  }
0x44: {  	[sflag:s13] =	ssyncset.done $0x0  }
0x45: {  	s25 =	simm.s32 $0x0;
	s1 =	sand.u32 $0x7, s14;
	[sflag:s13] =	ssyncadd.s32 $0xFFFFFF80  }
0x46: {  	s26 =	sshll.u32 s1, $0x4;
	v5 =	vld.msk [tilespmem:s25+$0x300 ss:$0x0], $0xffff  }
0x47: {  	v6 =	vld [tilespmem:s26+$0x0];
	_ =	sdelay $0x4  }
0x48: {  	v5 =	vadd.f32 v6, v5  }
0x49: {  	s28 =	simm.s32 $0x700;
	v7 =	vld.msk [tilespmem:s25+$0x400 ss:$0x0], $0xffff  }
0x4a: {  	v6 =	vld.msk [tilespmem:s25+$0x500 ss:$0x0], $0xffff;
	[tilespmem:s28+$0x0] =	vst v5  }
0x4b: {  	v5 =	vld [tilespmem:s26+$0x100];
	_ =	sdelay $0x4  }
0x4c: {  	v5 =	vadd.f32 v5, v7  }
0x4d: {  	s29 =	simm.s32 $0x1480  }
0x4e: {  	[tilespmem:s29+$0x0] =	vst v5  }
0x4f: {  	v5 =	vld [tilespmem:s26+$0x200];
	_ =	sdelay $0x3  }
0x50: {  	s30 =	simm.s32 $0x2200;
	s1 =	smul.u32 $0x1B0, s1  }
0x51: {  	s5 =	simm.s32 $0x2F80;
	s6 =	simm.s32 $0x1;
	s7 =	simm.s32 $0x2;
	v5 =	vadd.f32 v5, v6  }
0x52: {  	s4 =	simm.s32 $0x710;
	s0 =	simm.s32 $0x0;
	s31 =	sadd.s32 $0x0, s1  }
0x53: {  	s1 =	simm.s32 $0x2F90;
	s2 =	simm.s32 $0x2210;
	s3 =	simm.s32 $0x1490;
	[tilespmem:s30+$0x0] =	vst v5;
	v5 =	vadd.s32 s31, v1  }
.LBB2_2:
0x54: {  	s8 =	sshrl.u32 s7, $0x3;
	s9 =	sand.u32 $0x7, s6  }
0x55: {  	[tilespmem:s5+$0x0] =	vst v5;
	s6 =	smov.u32 s7;
	s10 =	sadd.s32 $0x1, s7;
	s5 =	smov.u32 s1  }
0x56: {  	p0 =	sne.s32 s7, $0xD7;
	s7 =	sshll.u32 s9, $0x4;
	v5 =	vld.msk [tilespmem:s0+$0x300 ss:$0x0], $0xffff;
	s9 =	smul.u32 $0x1B0, s9  }
0x57: {  	v6 =	vld [tilespmem:s7+$0x0]  }
0x58: {  	s9 =	sadd.s32 s0, s9;
	_ =	sdelay $0x3  }
0x59: {  	v5 =	vadd.f32 v6, v5;
	v6 =	vld.msk [tilespmem:s0+$0x500 ss:$0x0], $0xffff  }
0x5a: {  	v7 =	vld.msk [tilespmem:s0+$0x400 ss:$0x0], $0xffff;
	s0 =	smov.u32 s8  }
0x5b: {  	[tilespmem:s4+$0x0] =	vst v5  }
0x5c: {  	v5 =	vld [tilespmem:s7+$0x100];
	_ =	sdelay $0x4  }
0x5d: {  	v5 =	vadd.f32 v5, v7;
	_ =	sdelay $0x1  }
0x5e: {  	[tilespmem:s3+$0x0] =	vst v5  }
0x5f: {  	v5 =	vld [tilespmem:s7+$0x200];
	_ =	sdelay $0x2  }
.Ltmp2:
0x60: {  	(pc) =	sbr.rel @p0 .LBB2_2-.Ltmp2, $4  }
0x61: {  	_ = 	snop  }
0x62: {  	v5 =	vadd.f32 v5, v6  }
0x63: {  	s1 =	sadd.s32 $0x10, s1;
	s4 =	sadd.s32 $0x10, s4  }
0x64: {  	s3 =	sadd.s32 $0x10, s3;
	s7 =	smov.u32 s10;
	[tilespmem:s2+$0x0] =	vst v5;
	v5 =	vadd.s32 s9, v1;
	s2 =	sadd.s32 $0x10, s2  }
0x65: {  	s6 =	sand.u32 $0x7, s6;
	[tilespmem:s5+$0x0] =	vst v5  }
0x66: {  	s25 =	sshll.u32 s6, $0x4;
	v5 =	vld.msk [tilespmem:s0+$0x300 ss:$0x0], $0xffff  }
0x67: {  	v6 =	vld [tilespmem:s25+$0x0];
	_ =	sdelay $0x4  }
0x68: {  	v5 =	vadd.f32 v6, v5  }
0x69: {  	v7 =	vld.msk [tilespmem:s0+$0x400 ss:$0x0], $0xffff  }
0x6a: {  	v6 =	vld.msk [tilespmem:s0+$0x500 ss:$0x0], $0xffff;
	[tilespmem:s4+$0x0] =	vst v5  }
0x6b: {  	v5 =	vld [tilespmem:s25+$0x100];
	_ =	sdelay $0x4  }
0x6c: {  	v5 =	vadd.f32 v5, v7;
	_ =	sdelay $0x1  }
0x6d: {  	[tilespmem:s3+$0x0] =	vst v5  }
0x6e: {  	v5 =	vld [tilespmem:s25+$0x200];
	_ =	sdelay $0x3  }
0x6f: {  	s26 =	smul.u32 $0x1B0, s6  }
0x70: {  	v5 =	vadd.f32 v5, v6  }
0x71: {  	s28 =	sadd.s32 s0, s26  }
0x72: {  	[tilespmem:s2+$0x0] =	vst v5;
	v5 =	vadd.s32 s28, v1  }
0x73: {  	[tilespmem:s1+$0x0] =	vst v5  }
0x74: {  	v14 =	vld [tilespmem:$0x600];
	_ =	sdelay $0x2  }
0x75: {  	v15 =	vld [tilespmem:$0x0]  }
0x76: {  	v16 =	vld [tilespmem:$0x100]  }
0x77: {  	v12 =	vbroadcast v14, $0x0;
	v9 =	vbroadcast v14, $0x3  }
0x78: {  	v17 =	vld [tilespmem:$0x200];
	v10 =	vbroadcast v14, $0x6;
	v7 =	vbroadcast v14, $0x1  }
0x79: {  	v18 =	vld [tilespmem:$0x10];
	v8 =	vbroadcast v14, $0x4;
	v5 =	vbroadcast v14, $0x7  }
0x7a: {  	v20 =	vld [tilespmem:$0x110];
	v6 =	vbroadcast v14, $0x2;
	v13 =	vbroadcast v14, $0x5  }
0x7b: {  	v23 =	vld [tilespmem:$0x210];
	v11 =	vmul.f32 v15, v12;
	v19 =	vmul.f32 v16, v9  }
0x7c: {  	v21 =	vmul.f32 v15, v7;
	v22 =	vmul.f32 v16, v8  }
0x7d: {  	v47 =	vld [tilespmem:$0x20];
	v24 =	vmul.f32 v17, v10;
	v46 =	vmul.f32 v17, v5  }
0x7e: {  	v26 =	vld [tilespmem:$0x120];
	v15 =	vmul.f32 v15, v6;
	v16 =	vmul.f32 v16, v13  }
0x7f: {  	v28 =	vld [tilespmem:$0x220];
	v48 =	vmul.f32 v18, v12;
	v25 =	vmul.f32 v20, v9  }
0x80: {  	v54 =	vld [tilespmem:$0x30];
	v50 =	vmul.f32 v23, v10;
	v51 =	vmul.f32 v18, v7  }
0x81: {  	v30 =	vld [tilespmem:$0x130];
	v27 =	vmul.f32 v20, v8;
	v52 =	vmul.f32 v23, v5  }
0x82: {  	v32 =	vld [tilespmem:$0x230];
	v18 =	vmul.f32 v18, v6;
	v20 =	vmul.f32 v20, v13  }
0x83: {  	v55 =	vmul.f32 v47, v12;
	v29 =	vmul.f32 v26, v9  }
0x84: {  	v56 =	vmul.f32 v47, v7;
	v31 =	vmul.f32 v26, v8  }
0x85: {  	v58 =	vmul.f32 v28, v10;
	v59 =	vmul.f32 v28, v5  }
0x86: {  	v33 =	vld [tilespmem:$0x240];
	(v2sf) =	vpush v14, $0x9;
	v26 =	vmul.f32 v26, v13;
	v61 =	vmul.f32 v54, v12  }
0x87: {  	(v2sf) =	vpush v14, $0xA;
	v62 =	vmul.f32 v30, v9;
	v39 =	vmul.f32 v32, v10  }
0x88: {  	v63 =	vld [tilespmem:$0x140];
	v40 =	vmul.f32 v54, v7;
	v34 =	vmul.f32 v30, v8;
	(v2sf) =	vpush v14, $0xB  }
0x89: {  	v60 =	vld [tilespmem:$0x40];
	v41 =	vmul.f32 v30, v13;
	v19 =	vadd.f32 v19, v11;
	v21 =	vadd.f32 v22, v21  }
0x8a: {  	v43 =	vmul.f32 v32, v5;
	v15 =	vadd.f32 v16, v15;
	v22 =	vadd.f32 v25, v48  }
0x8b: {  	v35 =	vmul.f32 v33, v10;
	v25 =	vadd.f32 v27, v51;
	v18 =	vadd.f32 v20, v18  }
0x8c: {  	v11 =	vbroadcast v14, $0x8;
	v57 =	vadd.f32 v29, v55;
	v20 =	vadd.f32 v31, v56  }
0x8d: {  	v42 =	vadd.f32 v34, v40;
	v48 =	vmul.f32 v63, v9;
	v51 =	vmul.f32 v63, v8  }
0x8e: {  	v27 =	vmul.f32 v60, v6;
	v55 =	vmul.f32 v33, v5;
	v19 =	vadd.f32 v24, v19  }
0x8f: {  	v44 =	vld [tilespmem:$0x50];
	v21 =	vadd.f32 v46, v21;
	v49 =	vmul.f32 v17, v11;
	v17 =	vadd.f32 v50, v22  }
0x90: {  	v36 =	vld [tilespmem:$0x250];
	v53 =	vmul.f32 v23, v11;
	v16 =	vadd.f32 v52, v25;
	v25 =	vadd.f32 v58, v57  }
0x91: {  	v24 =	vmul.f32 v47, v6;
	v20 =	vadd.f32 v59, v20;
	v38 =	vmul.f32 v28, v11  }
0x92: {  	v22 =	vadd.f32 v62, v61;
	v23 =	vmul.f32 v54, v6;
	v45 =	vmul.f32 v32, v11  }
0x93: {  	v46 =	vmul.f32 v60, v12;
	v28 =	vadd.f32 v43, v42;
	v50 =	vmul.f32 v60, v7  }
0x94: {  	v40 =	vld [tilespmem:$0x260];
	v56 =	vmul.f32 v33, v11;
	v58 =	vmul.f32 v44, v12;
	v15 =	vadd.f32 v49, v15;
	[tilespmem:$0x3D00] =	vst v19  }
0x95: {  	v47 =	vld [tilespmem:$0x150];
	v42 =	vmul.f32 v36, v5;
	v18 =	vadd.f32 v53, v18;
	v24 =	vadd.f32 v26, v24;
	[tilespmem:$0x3E00] =	vst v21  }
0x96: {  	v61 =	vld [tilespmem:$0x60];
	v22 =	vadd.f32 v39, v22;
	v52 =	vadd.f32 v48, v46;
	v53 =	vmul.f32 v63, v13;
	[tilespmem:$0x3D10] =	vst v17  }
0x97: {  	v33 =	vld [tilespmem:$0x160];
	v54 =	vadd.f32 v51, v50;
	[tilespmem:$0x3E10] =	vst v16;
	v63 =	vmul.f32 v36, v10;
	v24 =	vadd.f32 v38, v24  }
0x98: {  	[tilespmem:$0x3D20] =	vst v25;
	v60 =	vadd.f32 v35, v52;
	v35 =	vmul.f32 v44, v7;
	v38 =	vmul.f32 v44, v6  }
0x99: {  	v43 =	vld [tilespmem:$0x70];
	[tilespmem:$0x3E20] =	vst v20;
	v57 =	vadd.f32 v53, v27;
	v44 =	vmul.f32 v36, v11;
	v53 =	vmul.f32 v40, v10  }
0x9a: {  	[tilespmem:$0x3F00] =	vst v15;
	v15 =	vadd.f32 v55, v54;
	v54 =	vmul.f32 v40, v5;
	v59 =	vmul.f32 v47, v9  }
0x9b: {  	v23 =	vadd.f32 v41, v23;
	[tilespmem:$0x3E30] =	vst v28;
	v37 =	vmul.f32 v47, v8;
	v39 =	vmul.f32 v47, v13  }
0x9c: {  	[tilespmem:$0x3F10] =	vst v18;
	v46 =	vmul.f32 v61, v12;
	v47 =	vmul.f32 v33, v9  }
0x9d: {  	v48 =	vld [tilespmem:$0x270];
	v49 =	vadd.f32 v45, v23;
	[tilespmem:$0x3D30] =	vst v22;
	v50 =	vmul.f32 v61, v7;
	v51 =	vmul.f32 v33, v8  }
0x9e: {  	v45 =	vld [tilespmem:$0x170];
	v12 =	vmul.f32 v43, v12;
	v7 =	vmul.f32 v43, v7;
	[tilespmem:$0x3F20] =	vst v24  }
0x9f: {  	v17 =	vadd.f32 v56, v57;
	[tilespmem:$0x3F30] =	vst v49;
	v56 =	vmul.f32 v61, v6;
	v62 =	vadd.f32 v59, v58  }
0xa0: {  	[tilespmem:$0x3D40] =	vst v60;
	v57 =	vmul.f32 v33, v13;
	v41 =	vadd.f32 v37, v35;
	v20 =	vadd.f32 v39, v38  }
0xa1: {  	[tilespmem:$0x3E40] =	vst v15;
	v6 =	vmul.f32 v43, v6;
	v52 =	vadd.f32 v47, v46;
	v18 =	vadd.f32 v63, v62  }
0xa2: {  	v55 =	vadd.f32 v51, v50;
	v58 =	vmul.f32 v40, v11;
	[tilespmem:$0x3F40] =	vst v17;
	v24 =	vadd.f32 v42, v41  }
0xa3: {  	v10 =	vmul.f32 v48, v10;
	v49 =	vadd.f32 v44, v20;
	v9 =	vmul.f32 v45, v9;
	[tilespmem:$0x3D50] =	vst v18  }
0xa4: {  	v59 =	vadd.f32 v57, v56;
	v16 =	vadd.f32 v53, v52;
	v8 =	vmul.f32 v45, v8;
	[tilespmem:$0x3E50] =	vst v24  }
0xa5: {  	v15 =	vadd.f32 v54, v55;
	v60 =	vmul.f32 v45, v13;
	[tilespmem:$0x3F50] =	vst v49;
	v9 =	vadd.f32 v9, v12  }
0xa6: {  	v5 =	vmul.f32 v48, v5;
	v61 =	vadd.f32 v58, v59;
	[tilespmem:$0x3D60] =	vst v16;
	v7 =	vadd.f32 v8, v7  }
.Ltmp3:
0xa7: {  	v63 =	vmul.f32 v48, v11;
	[tilespmem:$0x3E60] =	vst v15;
	v6 =	vadd.f32 v60, v6;
	v62 =	vadd.f32 v10, v9;
	(pc) =	sbr.rel .LBB2_4-.Ltmp3, $4  }
0xa8: {  	s29 =	spop (v2sf);
	[tilespmem:$0x3F60] =	vst v61;
	v5 =	vadd.f32 v5, v7  }
0xa9: {  	[dreg:$0x11] =	wrdreg s29;
	s30 =	spop (v2sf);
	v6 =	vadd.f32 v63, v6;
	[tilespmem:$0x3D70] =	vst v62  }
0xaa: {  	[dreg:$0x12] =	wrdreg s30;
	s31 =	spop (v2sf);
	[tilespmem:$0x3E70] =	vst v5  }
0xab: {  	s9 =	simm.s32 $0x0;
	s10 =	simm.s32 $0x0;
	[dreg:$0x13] =	wrdreg s31;
	[tilespmem:$0x3F70] =	vst v6  }
.LBB2_33:
0xac: {  	v7 =	vpsel p0, v9, v9  }
0xad: {  	v8 =	vpsel p0, v8, v8;
	v5 =	vpsel p0, v11, v11;
	v6 =	vpsel p0, v10, v10  }
.LBB2_30:
0xae: {  	(v2sf) =	vpush v8, $0xD;
	_ =	sdelay $0x1  }
0xaf: {  	(v2sf) =	vpush v8, $0xC;
	_ =	sdelay $0x1  }
0xb0: {  	(v2sf) =	vpush v8, $0xE;
	_ =	sdelay $0x1  }
0xb1: {  	(v2sf) =	vpush v8, $0xF;
	_ =	sdelay $0x1  }
0xb2: {  	(v2sf) =	vpush v8, $0x9;
	_ =	sdelay $0x1  }
0xb3: {  	(v2sf) =	vpush v8, $0x8;
	_ =	sdelay $0x1  }
0xb4: {  	(v2sf) =	vpush v8, $0xA;
	_ =	sdelay $0x1  }
0xb5: {  	(v2sf) =	vpush v8, $0xB  }
0xb6: {  	s1 =	spop (v2sf)  }
0xb7: {  	(v2sf) =	vpush v8, $0x0;
	s17 =	smulhi.u32 $0x4BDA12F7, s1;
	s1 =	sshra.s32 s1, $0x1F  }
0xb8: {  	s2 =	spop (v2sf);
	s0 =	smul.u32 $0x4BDA12F7, s1  }
0xb9: {  	(v2sf) =	vpush v8, $0x1;
	s1 =	smulhi.u32 $0x4BDA12F7, s2;
	s2 =	sshra.s32 s2, $0x1F  }
0xba: {  	s5 =	spop (v2sf);
	s4 =	smul.u32 $0x4BDA12F7, s2  }
0xbb: {  	(v2sf) =	vpush v8, $0x2;
	s19 =	smulhi.u32 $0x4BDA12F7, s5;
	s2 =	sshra.s32 s5, $0x1F  }
0xbc: {  	s6 =	spop (v2sf);
	s15 =	smul.u32 $0x4BDA12F7, s2  }
0xbd: {  	(v2sf) =	vpush v8, $0x3;
	s16 =	smulhi.u32 $0x4BDA12F7, s6;
	s2 =	sshra.s32 s6, $0x1F  }
0xbe: {  	s6 =	spop (v2sf);
	s2 =	smul.u32 $0x4BDA12F7, s2  }
0xbf: {  	(v2sf) =	vpush v8, $0x4;
	s24 =	smulhi.u32 $0x4BDA12F7, s6;
	s6 =	sshra.s32 s6, $0x1F  }
0xc0: {  	s7 =	spop (v2sf);
	s13 =	smul.u32 $0x4BDA12F7, s6  }
0xc1: {  	(v2sf) =	vpush v8, $0x5;
	s25 =	smulhi.u32 $0x4BDA12F7, s7;
	s6 =	sshra.s32 s7, $0x1F  }
0xc2: {  	s8 =	spop (v2sf);
	(v2sf) =	vpush v8, $0x6;
	s5 =	smul.u32 $0x4BDA12F7, s6  }
0xc3: {  	s3 =	smulhi.u32 $0x4BDA12F7, s8;
	s6 =	sshra.s32 s8, $0x1F  }
0xc4: {  	s9 =	spop (v2sf);
	s18 =	smul.u32 $0x4BDA12F7, s6  }
0xc5: {  	s10 =	smulhi.u32 $0x4BDA12F7, s9;
	s6 =	sshra.s32 s9, $0x1F;
	[dreg:$0x19] =	wrdreg s3  }
0xc6: {  	(v2sf) =	vpush v8, $0x7;
	s3 =	smul.u32 $0x4BDA12F7, s6;
	s14 =	spop (v2sf)  }
0xc7: {  	s7 =	smulhi.u32 $0x4BDA12F7, s14;
	s6 =	sshra.s32 s14, $0x1F  }
0xc8: {  	s20 =	spop (v2sf);
	s21 =	smul.u32 $0x4BDA12F7, s6  }
0xc9: {  	s14 =	smulhi.u32 $0x4BDA12F7, s20;
	s6 =	sshra.s32 s20, $0x1F  }
0xca: {  	(v2sf) =	vpush v6, $0xD;
	s22 =	spop (v2sf);
	s9 =	smul.u32 $0x4BDA12F7, s6  }
0xcb: {  	[dreg:$0x1a] =	wrdreg s10;
	s23 =	smulhi.u32 $0x4BDA12F7, s22;
	s6 =	sshra.s32 s22, $0x1F  }
0xcc: {  	(v2sf) =	vpush v6, $0xC;
	s26 =	spop (v2sf);
	s10 =	smul.u32 $0x4BDA12F7, s6  }
0xcd: {  	(v2sf) =	vpush v6, $0xE;
	[dreg:$0x1b] =	wrdreg s7;
	s28 =	smulhi.u32 $0x4BDA12F7, s26;
	s6 =	sshra.s32 s26, $0x1F  }
0xce: {  	s29 =	spop (v2sf);
	s7 =	smul.u32 $0x4BDA12F7, s6  }
0xcf: {  	[dreg:$0x1c] =	wrdreg s23;
	s8 =	smulhi.u32 $0x4BDA12F7, s29  }
0xd0: {  	(v2sf) =	vpush v6, $0xF;
	s30 =	spop (v2sf);
	[dreg:$0x1d] =	wrdreg s28  }
0xd1: {  	s6 =	sshra.s32 s29, $0x1F;
	s20 =	smulhi.u32 $0x4BDA12F7, s30;
	s31 =	spop (v2sf)  }
0xd2: {  	(v2sf) =	vpush v6, $0x9;
	s28 =	sadd.s32 s0, s17;
	[dreg:$0x1e] =	wrdreg s8;
	s22 =	smulhi.u32 $0x4BDA12F7, s31  }
0xd3: {  	s8 =	smul.u32 $0x4BDA12F7, s6;
	s6 =	sshra.s32 s30, $0x1F;
	[smem:$0x7F5] =	sst s20  }
0xd4: {  	(v2sf) =	vpush v6, $0x8;
	s20 =	smul.u32 $0x4BDA12F7, s6;
	s6 =	sshra.s32 s31, $0x1F;
	[smem:$0x7F6] =	sst s22  }
0xd5: {  	s17 =	sadd.s32 s13, s24;
	s29 =	smul.u32 $0x4BDA12F7, s6;
	s22 =	spop (v2sf)  }
0xd6: {  	s24 =	sadd.s32 s5, s25;
	s6 =	rddreg [dreg:$0x19];
	s23 =	smulhi.u32 $0x4BDA12F7, s22  }
0xd7: {  	s0 =	sshra.s32 s22, $0x1F;
	s25 =	sadd.s32 s18, s6;
	s18 =	rddreg [dreg:$0x1a]  }
0xd8: {  	s26 =	sadd.s32 s4, s1;
	(v2sf) =	vpush v6, $0xA;
	s6 =	rddreg [dreg:$0x1d];
	s31 =	smul.u32 $0x4BDA12F7, s0  }
0xd9: {  	s14 =	sadd.s32 s9, s14;
	[smem:$0x7F7] =	sst s23;
	s30 =	spop (v2sf)  }
0xda: {  	(v2sf) =	vpush v6, $0xB;
	s23 =	sadd.s32 s2, s16;
	s2 =	smulhi.u32 $0x4BDA12F7, s30;
	s0 =	sshra.s32 s30, $0x1F  }
0xdb: {  	s22 =	sadd.s32 s15, s19;
	s4 =	spop (v2sf);
	s30 =	smul.u32 $0x4BDA12F7, s0  }
0xdc: {  	s5 =	smulhi.u32 $0x4BDA12F7, s4;
	s13 =	sshra.s32 s4, $0x1F;
	s15 =	spop (v2sf)  }
0xdd: {  	s18 =	sadd.s32 s3, s18;
	s4 =	rddreg [dreg:$0x1c];
	s19 =	smul.u32 $0x4BDA12F7, s13  }
0xde: {  	s7 =	sadd.s32 s7, s6;
	[smem:$0x7F8] =	sst s2;
	s16 =	smulhi.u32 $0x4BDA12F7, s15  }
0xdf: {  	s0 =	sshra.s32 s15, $0x1F;
	s2 =	rddreg [dreg:$0x1b];
	s3 =	spop (v2sf)  }
0xe0: {  	s9 =	sadd.s32 s10, s4;
	[smem:$0x7F9] =	sst s5;
	s13 =	smul.u32 $0x4BDA12F7, s0  }
0xe1: {  	s15 =	smulhi.u32 $0x4BDA12F7, s3;
	s0 =	sshra.s32 s3, $0x1F;
	s5 =	spop (v2sf)  }
0xe2: {  	(v2sf) =	vpush v6, $0x0;
	s21 =	sadd.s32 s21, s2;
	s2 =	rddreg [dreg:$0x1e];
	s10 =	smul.u32 $0x4BDA12F7, s0  }
0xe3: {  	s6 =	smulhi.u32 $0x4BDA12F7, s5;
	s0 =	sshra.s32 s5, $0x1F;
	s3 =	spop (v2sf)  }
0xe4: {  	s8 =	sadd.s32 s8, s2;
	s2 =	sld [smem:$0x7F5];
	s5 =	smul.u32 $0x4BDA12F7, s0  }
0xe5: {  	s4 =	smulhi.u32 $0x4BDA12F7, s3;
	s0 =	sshra.s32 s3, $0x1F;
	s3 =	sld [smem:$0x7F6]  }
0xe6: {  	_ = 	snop  }
0xe7: {  	s1 =	spop (v2sf)  }
0xe8: {  	v9 =	vshra.s32 v7, $0x1;
	s20 =	sadd.s32 s20, s2;
	s2 =	smulhi.u32 $0x4BDA12F7, s1;
	s29 =	sadd.s32 s29, s3  }
0xe9: {  	v9 =	vadd.s32 $0x1FBD1DF5, v9;
	s3 =	smul.u32 $0x4BDA12F7, s0;
	s0 =	sshra.s32 s1, $0x1F;
	s1 =	spop (v2sf)  }
0xea: {  	(erf) = vrcp.f32 v9;
	[dreg:$0x18] =	wrdreg s1  }
0xeb: {  	s1 =	sld [smem:$0x7F7]  }
0xec: {  	s16 =	sadd.s32 s13, s16;
	s13 =	sshra.s32 s17, $0x3;
	s10 =	sadd.s32 s10, s15  }
0xed: {  	s15 =	sshrl.u32 s28, $0x1F;
	s5 =	sadd.s32 s5, s6;
	s6 =	sshra.s32 s24, $0x3  }
0xee: {  	v16 =	vmov s6;
	s3 =	sadd.s32 s3, s4;
	s1 =	sadd.s32 s31, s1;
	s31 =	sld [smem:$0x7F8]  }
0xef: {  	(v2sf) =	vpush v6, $0x1;
	v16 =	vsel vm0, s13, v16;
	s13 =	sshrl.u32 s5, $0x1F;
	s4 =	sshra.s32 s26, $0x3;
	[dreg:$0x16] =	wrdreg s3  }
0xf0: {  	s3 =	sshra.s32 s22, $0x3;
	[dreg:$0x1f] =	wrdreg s1;
	s1 =	smul.u32 $0x4BDA12F7, s0  }
0xf1: {  	s0 =	spop (v2sf);
	s30 =	sadd.s32 s30, s31;
	s31 =	sld [smem:$0x7F9]  }
0xf2: {  	s1 =	sadd.s32 s1, s2;
	[dreg:$0x17] =	wrdreg s30;
	s30 =	smulhi.u32 $0x4BDA12F7, s0  }
0xf3: {  	v12 =	vpop (erf);
	(v2sf) =	vpush v6, $0x2;
	s0 =	sshra.s32 s0, $0x1F;
	[dreg:$0x15] =	wrdreg s1;
	s1 =	sshra.s32 s28, $0x3  }
0xf4: {  	v12 =	vmul.f32 v12, v7;
	(v2sf) =	vpush v6, $0x3;
	s28 =	sshrl.u32 s26, $0x1F;
	s26 =	sshrl.u32 s22, $0x1F;
	s22 =	sshrl.u32 s23, $0x1F  }
0xf5: {  	vm3 =	vcmask $0x300;
	(v2sf) =	vpush v6, $0x4;
	s0 =	smul.u32 $0x4BDA12F7, s0;
	v10 =	vmov s28;
	s28 =	sshra.s32 s14, $0x3;
	s31 =	sadd.s32 s19, s31  }
0xf6: {  	vm9 =	vcmask $0x704;
	v9 =	vadd.f32 v9, v12;
	(v2sf) =	vpush v6, $0x5;
	s19 =	sshra.s32 s23, $0x3;
	s23 =	sshrl.u32 s17, $0x1F;
	s17 =	sshra.s32 s25, $0x3  }
0xf7: {  	vm10 =	vcmask $0xF0C;
	(v2sf) =	vpush v6, $0x6;
	v10 =	vsel vm0, s15, v10;
	s15 =	sshra.s32 s18, $0x3;
	s2 =	sadd.s32 s0, s30;
	s30 =	sshrl.u32 s24, $0x1F  }
0xf8: {  	vm4 =	vcmask $0x2320;
	v9 =	vmul.f32 $5.000000000e-01, v9;
	(v2sf) =	vpush v6, $0x7;
	s24 =	sshrl.u32 s25, $0x1F;
	s0 =	sshrl.u32 s18, $0x1F;
	s18 =	sshrl.u32 s21, $0x1F  }
0xf9: {  	v15 =	vmov s4;
	v10 =	vsel vm1, s26, v10;
	s25 =	sshra.s32 s21, $0x3;
	s21 =	sshra.s32 s21, $0x1F;
	v11 =	vmov s30;
	s30 =	rddreg [dreg:$0x1f]  }
0xfa: {  	v15 =	vsel vm0, s1, v15;
	v10 =	vsel vm2, s22, v10;
	s22 =	sshrl.u32 s14, $0x1F;
	s14 =	sshra.s32 s14, $0x1F;
	v14 =	vmov s18;
	s26 =	sshra.s32 s30, $0x1F  }
0xfb: {  	s18 =	sshrl.u32 s7, $0x1F;
	v11 =	vsel vm0, s23, v11;
	s23 =	sshrl.u32 s9, $0x1F;
	v45 =	vnsel vm3, $0x0, v14;
	s1 =	sshra.s32 s30, $0x3;
	v13 =	vmov s26  }
0xfc: {  	s26 =	sshra.s32 s9, $0x3;
	v11 =	vsel vm1, s24, v11;
	s9 =	sshra.s32 s9, $0x1F;
	s24 =	sshra.s32 s7, $0x3;
	v12 =	vsel vm0, s22, v45;
	v13 =	vsel vm3, s25, v13  }
0xfd: {  	(erf) = vrcp.f32 v9;
	s7 =	sshra.s32 s7, $0x1F;
	s22 =	sshra.s32 s20, $0x3;
	s25 =	sshra.s32 s8, $0x3;
	v12 =	vsel vm1, s23, v12;
	v13 =	vsel vm9, s21, v13  }
0xfe: {  	v11 =	vsel vm2, s0, v11;
	s0 =	sshra.s32 s8, $0x1F;
	s21 =	sshrl.u32 s8, $0x1F;
	v12 =	vsel vm2, s18, v12;
	s18 =	spop (v2sf);
	v13 =	vsel vm0, s28, v13  }
0xff: {  	s8 =	sshrl.u32 s20, $0x1F;
	s28 =	rddreg [dreg:$0x18];
	v12 =	vsel vm4, s21, v12;
	s21 =	smulhi.u32 $0x4BDA12F7, s18;
	v13 =	vsel vm10, s14, v13  }
0x100: {  	v46 =	vshra.s32 v5, $0x1;
	vm11 =	vcmask $0x1714;
	s18 =	sshra.s32 s18, $0x1F;
	s14 =	sshra.s32 s20, $0x1F;
	s20 =	smulhi.u32 $0x4BDA12F7, s28;
	v13 =	vsel vm1, s26, v13  }
0x101: {  	vm12 =	vcmask $0x1F1C;
	v14 =	vadd.s32 $0x1FBD1DF5, v46;
	s23 =	sshra.s32 s28, $0x1F;
	s28 =	sshra.s32 s29, $0x3;
	s26 =	sshrl.u32 s29, $0x1F;
	v13 =	vsel vm11, s9, v13  }
0x102: {  	(erf) = vrcp.f32 v14;
	v12 =	vsel vm5, s8, v12;
	s23 =	smul.u32 $0x4BDA12F7, s23;
	s9 =	sshra.s32 s29, $0x1F;
	s29 =	spop (v2sf);
	v13 =	vsel vm2, s24, v13  }
0x103: {  	v12 =	vsel vm6, s26, v12;
	s26 =	smov.u32 s10;
	s24 =	spop (v2sf);
	v13 =	vsel vm12, s7, v13;
	s7 =	smul.u32 $0x4BDA12F7, s18  }
0x104: {  	vm13 =	vcmask $0x2724;
	s8 =	spop (v2sf);
	s18 =	sshrl.u32 s30, $0x1F;
	s30 =	sshrl.u32 s31, $0x1F;
	v13 =	vsel vm4, s25, v13  }
0x105: {  	vm14 =	vcmask $0x2F2C;
	vm15 =	vcmask $0x3734;
	s4 =	spop (v2sf);
	s25 =	smulhi.u32 $0x4BDA12F7, s29;
	v13 =	vsel vm13, s0, v13;
	s0 =	sshra.s32 s29, $0x1F  }
0x106: {  	v21 =	vmul.u32 $0x2, v0;
	v19 =	vpop (erf);
	v15 =	vsel vm1, s3, v15;
	s3 =	spop (v2sf);
	v13 =	vsel vm5, s22, v13;
	s22 =	sshrl.u32 s10, $0x1F;
	s6 =	smul.u32 $0x4BDA12F7, s0  }
0x107: {  	vm8 =	vmmov $0xff;
	v57 =	vsub.s32 $0x0, v8;
	v51 =	vmul.f32 v19, v7;
	s10 =	spop (v2sf);
	s0 =	sadd.s32 s23, s20;
	s23 =	smulhi.u32 $0x4BDA12F7, s8  }
0x108: {  	v15 =	vsel vm2, s19, v15;
	v16 =	vsel vm1, s17, v16;
	s29 =	rddreg [dreg:$0x17];
	s8 =	sshra.s32 s8, $0x1F;
	v13 =	vsel vm14, s14, v13;
	s14 =	smulhi.u32 $0x4BDA12F7, s10  }
0x109: {  	v16 =	vsel vm2, s15, v16;
	s15 =	sshrl.u32 s2, $0x1F;
	v12 =	vsel vm7, s18, v12;
	v17 =	vmov s30;
	s18 =	sshrl.u32 s29, $0x1F;
	s8 =	smul.u32 $0x4BDA12F7, s8  }
0x10a: {  	v18 =	vmov s15;
	v15 =	vcombine.low v16, v15;
	s7 =	sadd.s32 s7, s21;
	v17 =	vsel vm0, s18, v17;
	s30 =	sshra.s32 s10, $0x1F;
	s18 =	smulhi.u32 $0x4BDA12F7, s4  }
0x10b: {  	s19 =	sshrl.u32 s16, $0x1F;
	v18 =	vnsel vm3, $0x0, v18;
	v10 =	vcombine.low v11, v10;
	v47 =	vpop (erf);
	s21 =	sshrl.u32 s7, $0x1F;
	v13 =	vsel vm6, s28, v13;
	s17 =	smul.u32 $0x4BDA12F7, s30  }
0x10c: {  	v11 =	vmul.f32 v47, v5;
	s20 =	sshra.s32 s24, $0x1F;
	v18 =	vsel vm0, s21, v18;
	s4 =	sshra.s32 s4, $0x1F;
	s21 =	smulhi.u32 $0x4BDA12F7, s3;
	v13 =	vsel vm15, s9, v13  }
0x10d: {  	v10 =	vperm.xlane v10, v4;
	v12 =	vperm.xlane v12, v21;
	s3 =	sshra.s32 s3, $0x1F;
	s28 =	rddreg [dreg:$0x16];
	v13 =	vsel vm7, s1, v13;
	s1 =	sadd.s32 s17, s14  }
0x10e: {  	v9 =	vadd.f32 v51, v9;
	v11 =	vadd.f32 v14, v11;
	v17 =	vsel vm1, s19, v17;
	s19 =	smulhi.u32 $0x4BDA12F7, s24;
	s6 =	sadd.s32 s6, s25;
	s24 =	sshra.s32 s1, $0x1F  }
0x10f: {  	v15 =	vperm.xlane v15, v4;
	v10 =	vsel vm8, v12, v10;
	s25 =	sshra.s32 s2, $0x3;
	s2 =	sshra.s32 s2, $0x1F;
	s4 =	smul.u32 $0x4BDA12F7, s4;
	v48 =	vmov s24  }
0x110: {  	s10 =	sshrl.u32 s28, $0x1F;
	v17 =	vsel vm2, s22, v17;
	s22 =	smul.u32 $0x4BDA12F7, s20;
	s15 =	sshrl.u32 s6, $0x1F;
	v11 =	vmul.f32 $5.000000000e-01, v11;
	v49 =	vsel vm3, s25, v48  }
0x111: {  	s3 =	smul.u32 $0x4BDA12F7, s3;
	v20 =	vmov s10;
	s10 =	rddreg [dreg:$0x15];
	s17 =	sshra.s32 s7, $0x3;
	v50 =	vsel vm1, s15, v18;
	v14 =	vsel vm9, s2, v49  }
0x112: {  	s7 =	sshra.s32 s7, $0x1F;
	v20 =	vsel vm0, s13, v20;
	s9 =	sadd.s32 s22, s19;
	s30 =	sshrl.u32 s10, $0x1F;
	v13 =	vperm.xlane v13, v21;
	v14 =	vsel vm0, s17, v14  }
0x113: {  	s8 =	sadd.s32 s8, s23;
	s20 =	sshra.s32 s6, $0x3;
	(erf) = vrcp.f32 v11;
	s19 =	sshrl.u32 s9, $0x1F;
	v53 =	vsel vm1, s30, v20;
	v14 =	vsel vm10, s7, v14  }
0x114: {  	s6 =	sshra.s32 s6, $0x1F;
	s3 =	sadd.s32 s3, s21;
	s24 =	sshrl.u32 s8, $0x1F;
	v13 =	vsel vm8, v13, v15;
	v12 =	vsel vm2, s19, v50;
	v14 =	vsel vm1, s20, v14  }
0x115: {  	s23 =	sshra.s32 s9, $0x3;
	v10 =	vadd.s32 v10, v13;
	s2 =	sadd.s32 s4, s18;
	v12 =	vsel vm4, s24, v12;
	s18 =	sshra.s32 s28, $0x3;
	v14 =	vsel vm11, s6, v14  }
0x116: {  	s25 =	sshra.s32 s9, $0x1F;
	s30 =	sshrl.u32 s2, $0x1F;
	s17 =	sshra.s32 s31, $0x3;
	v55 =	vmov s18;
	v56 =	vmul.u32 $0xFFFFFFE5, v10;
	v52 =	vsel vm2, s23, v14  }
0x117: {  	s14 =	sshrl.u32 s3, $0x1F;
	s9 =	sshra.s32 s8, $0x3;
	v12 =	vsel vm5, s30, v12;
	v54 =	vmov s17;
	v13 =	vsel vm12, s25, v52  }
0x118: {  	s15 =	sshra.s32 s8, $0x1F;
	s22 =	sshrl.u32 s0, $0x1F;
	v12 =	vsel vm6, s14, v12;
	s20 =	sshra.s32 s29, $0x3;
	vm3 =	vne.s32 v56, v57;
	v13 =	vsel vm4, s9, v13  }
0x119: {  	s21 =	sshra.s32 s5, $0x3;
	s19 =	sshra.s32 s2, $0x3;
	v16 =	vsel vm0, s20, v54;
	v14 =	vsel vm2, s22, v53;
	v13 =	vsel vm13, s15, v13  }
0x11a: {  	s2 =	sshra.s32 s2, $0x1F;
	s22 =	sshra.s32 s16, $0x3;
	s23 =	sshra.s32 s10, $0x3;
	v14 =	vcombine.low v14, v17;
	v17 =	vsel vm0, s21, v55;
	v13 =	vsel vm5, s19, v13  }
0x11b: {  	s0 =	sshra.s32 s0, $0x3;
	s24 =	sshra.s32 s3, $0x3;
	v16 =	vsel vm1, s22, v16;
	s25 =	sshra.s32 s26, $0x3;
	v17 =	vsel vm1, s23, v17;
	v13 =	vsel vm14, s2, v13  }
0x11c: {  	s28 =	sshrl.u32 s1, $0x1F;
	s26 =	sshra.s32 s3, $0x1F;
	v16 =	vsel vm2, s25, v16;
	v17 =	vsel vm2, s0, v17;
	v13 =	vsel vm6, s24, v13  }
0x11d: {  	s29 =	sshra.s32 s1, $0x3;
	v12 =	vsel vm7, s28, v12;
	v16 =	vcombine.low v17, v16;
	v13 =	vsel vm15, s26, v13  }
0x11e: {  	v12 =	vperm.xlane v12, v21;
	v14 =	vperm.xlane v14, v4;
	v13 =	vsel vm7, s29, v13  }
0x11f: {  	v58 =	vpop (erf);
	vm4 =	vlt.s32 v8, $0x1;
	v16 =	vperm.xlane v16, v4;
	v13 =	vperm.xlane v13, v21  }
0x120: {  	v60 =	vmul.f32 v58, v5;
	vm3 =	vmand vm4, vm3;
	vm4 =	vlt.f32 v7, $1.000000000e+05  }
0x121: {  	v7 =	vmul.f32 $5.000000000e-01, v9;
	v12 =	vsel vm8, v12, v14;
	v13 =	vsel vm8, v13, v16  }
0x122: {  	v63 =	vsub.s32 $0x0, v6;
	s30 =	rddreg [dreg:$0x14];
	v11 =	vadd.f32 v60, v11;
	v59 =	vadd.s32 v12, v13  }
0x123: {  	s31 =	sshll.u32 s30, $0x5;
	s10 =	sadd.s32 $0x1, s30;
	v61 =	vsel vm3, $0xFFFFFFFF, v2;
	v7 =	vnsel vm4, $0x0, v7;
	v62 =	vmul.u32 $0xFFFFFFE5, v59  }
0x124: {  	p0 =	sne.s32 s10, $0x80;
	vm3 =	vlt.s32 v6, $0x1;
	v6 =	vsel vm4, $0x1, v2;
	[tilespmem:s31+$0x7800] =	vst v7;
	v7 =	vmul.f32 $5.000000000e-01, v11  }
.Ltmp4:
0x125: {  	v9 =	vadd.s32 v61, v10;
	vm4 =	vlt.f32 v5, $1.000000000e+05;
	[tilespmem:s31+$0x9800] =	vst v6;
	vm8 =	vne.s32 v62, v63;
	(pc) =	sbr.rel @!p0 .LBB2_31-.Ltmp4, $4  }
0x126: {  	[tilespmem:s31+$0x8800] =	vst v9;
	v6 =	vnsel vm4, $0x0, v7;
	vm3 =	vmand vm3, vm8  }
0x127: {  	[tilespmem:s31+$0x7810] =	vst v6;
	v6 =	vsel vm4, $0x1, v2;
	v5 =	vsel vm3, $0xFFFFFFFF, v2  }
0x128: {  	[tilespmem:s31+$0x9810] =	vst v6;
	v5 =	vadd.s32 v5, v59  }
0x129: {  	s13 =	simm.s32 $0x1;
	s9 =	simm.s32 $0x0;
	[tilespmem:s31+$0x8810] =	vst v5  }
.LBB2_4:
0x12a: {  	v5 =	vld [tilespmem:s10+$0x3D00]  }
0x12b: {  	v6 =	vld [tilespmem:s10+$0x3E00]  }
0x12c: {  	v7 =	vld [tilespmem:s10+$0x3F00];
	_ =	sdelay $0x2  }
0x12d: {  	(v2sf) =	vpush v5, $0x0  }
0x12e: {  	(v2sf) =	vpush v6, $0x0  }
0x12f: {  	(v2sf) =	vpush v7, $0x0;
	_ =	sdelay $0x7  }
0x130: {  	s8 =	rddreg [dreg:$0x11]  }
0x131: {  	s5 =	rddreg [dreg:$0x12]  }
0x132: {  	s6 =	rddreg [dreg:$0x13]  }
0x133: {  	[smem:$0x0] =	sst s9;
	s26 =	simm.s32 $0x2;
	s28 =	simm.s32 $0x3  }
0x134: {  	s30 =	simm.s32 $0x4;
	s14 =	simm.s32 $0x6;
	s16 =	simm.s32 $0x7  }
0x135: {  	s17 =	simm.s32 $0x8;
	s18 =	simm.s32 $0x9;
	s0 =	spop (v2sf)  }
0x136: {  	s19 =	simm.s32 $0xA;
	s1 =	spop (v2sf);
	s2 =	smul.f32 s0, s8  }
0x137: {  	s21 =	simm.s32 $0xB;
	s0 =	ssub.f32 $1.000000000e+00, s0;
	s3 =	spop (v2sf)  }
0x138: {  	s22 =	simm.s32 $0xC;
	s4 =	smul.f32 s1, s5;
	s1 =	ssub.f32 $1.000000000e+00, s1  }
0x139: {  	s23 =	simm.s32 $0xD;
	p6 =	sgt.f32 s2, $5.010000230e+00;
	s24 =	smul.f32 s3, s6  }
0x13a: {  	s3 =	ssub.f32 $1.000000000e+00, s3;
	s2 =	simm.s32 $0x1;
	p5 =	sgt.f32 s4, $5.010000230e+00  }
0x13b: {  	s0 =	smul.f32 s0, s8;
	s8 =	simm.s32 $0x15;
	p3 =	sgt.f32 s24, $5.010000230e+00  }
0x13c: {  	s1 =	smul.f32 s1, s5;
	s4 =	simm.s32 $0x1;
	p1 =	por p6, p5  }
0x13d: {  	s25 =	smul.f32 s3, s6;
	p0 =	por !p3, !p3;
	p4 =	por !p1, !p1  }
0x13e: {  	s5 =	simm.s32 $0x1;
	s3 =	simm.s32 @!p0 $0x0;
	p2 =	por !p4, !p0  }
0x13f: {  	p1 =	sgt.f32 s25, $5.010000230e+00;
	s3 =	simm.s32 @p0 $0x1;
	p0 =	por !p2, !p2  }
0x140: {  	[smem:$0x7FA] =	sst s3;
	s3 =	simm.s32 @!p3 $0x0;
	s2 =	simm.s32 @!p0 $0x0  }
0x141: {  	p0 =	por !p1, !p1;
	s3 =	simm.s32 @p3 $0x1;
	s7 =	sld [smem:$0x7FA]  }
0x142: {  	s6 =	simm.s32 $0x1;
	[smem:$0x7FC] =	sst s3;
	s3 =	simm.s32 @!p0 $0x0  }
0x143: {  	s24 =	simm.s32 $0xE;
	[smem:s2] =	sst s13;
	s3 =	simm.s32 @p0 $0x1  }
0x144: {  	s25 =	simm.s32 $0xF;
	[smem:$0x7FB] =	sst s3;
	s3 =	simm.s32 @!p1 $0x0  }
0x145: {  	p2 =	por p1, p1;
	s31 =	sld [smem:$0x7FC];
	s3 =	simm.s32 @p1 $0x1  }
0x146: {  	p2 =	por p6, p2;
	[smem:$0x7FD] =	sst s3;
	s3 =	simm.s32 $0x1  }
0x147: {  	s13 =	simm.s32 $0x5;
	s29 =	sld [smem:$0x7FB];
	s3 =	simm.s32 @!p4 $0x0  }
0x148: {  	p4 =	por !p4, !p0;
	p0 =	por p6, p3;
	s15 =	sld [smem:$0x7FD]  }
0x149: {  	p1 =	por !p4, !p4;
	p0 =	por !p0, !p0;
	p4 =	sgt.f32 s1, $5.010000230e+00  }
0x14a: {  	s1 =	simm.s32 $0x1;
	s2 =	sadd.s32 s3, s2;
	s3 =	simm.s32 $0x1  }
0x14b: {  	s4 =	simm.s32 @!p1 $0x0;
	s5 =	simm.s32 @!p0 $0x0;
	p0 =	por !p6, !p6  }
0x14c: {  	p1 =	por !p2, !p2;
	p2 =	seq.s32 s7, $0x1;
	s7 =	simm.s32 $0x1  }
0x14d: {  	[smem:s2] =	sst s26;
	s26 =	simm.s32 $0x10;
	p6 =	por p6, p4  }
0x14e: {  	s1 =	simm.s32 @!p0 $0x0;
	s6 =	simm.s32 @!p1 $0x0;
	s2 =	sadd.s32 s4, s2  }
0x14f: {  	s4 =	simm.s32 $0x1;
	p6 =	por !p6, !p6;
	[smem:s2] =	sst s28  }
0x150: {  	s2 =	sadd.s32 s5, s2;
	s5 =	simm.s32 $0x1;
	s28 =	simm.s32 $0x11  }
0x151: {  	p3 =	por !p2, !p6;
	s3 =	simm.s32 @!p6 $0x0;
	[smem:s2] =	sst s30  }
0x152: {  	s1 =	sadd.s32 s1, s2;
	s2 =	simm.s32 $0x1;
	s30 =	simm.s32 $0x12  }
0x153: {  	p0 =	por !p3, !p3;
	p3 =	seq.s32 s29, $0x1;
	[smem:s1] =	sst s13  }
0x154: {  	s1 =	sadd.s32 s6, s1;
	s6 =	simm.s32 $0x1;
	s29 =	sld [smem:$0x7FC]  }
0x155: {  	s13 =	simm.s32 $0x16;
	s7 =	simm.s32 @!p0 $0x0;
	p1 =	por !p6, !p3  }
0x156: {  	[smem:s1] =	sst s14;
	s14 =	simm.s32 $0x17;
	p0 =	por !p1, !p1  }
0x157: {  	p1 =	seq.s32 s31, $0x1;
	s1 =	sadd.s32 s7, s1;
	s31 =	simm.s32 $0x13  }
0x158: {  	s7 =	sld [smem:$0x7FD];
	s4 =	simm.s32 @!p0 $0x0;
	p6 =	por p5, p1  }
0x159: {  	[smem:s1] =	sst s16;
	p1 =	por p4, p1;
	s1 =	sadd.s32 s3, s1  }
0x15a: {  	s3 =	simm.s32 $0x1;
	p0 =	por !p6, !p6;
	[smem:s1] =	sst s17  }
0x15b: {  	s1 =	sadd.s32 s4, s1;
	s4 =	simm.s32 $0x1;
	s17 =	simm.s32 $0x19  }
0x15c: {  	s2 =	simm.s32 @!p0 $0x0;
	p0 =	por !p5, !p5;
	[smem:s1] =	sst s18  }
0x15d: {  	s5 =	simm.s32 @!p0 $0x0;
	p0 =	seq.s32 s15, $0x1;
	s1 =	sadd.s32 s2, s1  }
0x15e: {  	s2 =	simm.s32 $0x1;
	s15 =	simm.s32 $0x18;
	p6 =	por p5, p0  }
0x15f: {  	[smem:s1] =	sst s19;
	s20 =	sadd.s32 s5, s1;
	s1 =	simm.s32 $0x1  }
0x160: {  	p0 =	por p4, p0;
	s2 =	simm.s32 @!p3 $0x0;
	p6 =	por !p6, !p6  }
0x161: {  	[smem:s20] =	sst s21;
	s6 =	simm.s32 @!p6 $0x0;
	p6 =	por !p1, !p1  }
0x162: {  	s1 =	simm.s32 @!p2 $0x0;
	s3 =	simm.s32 @!p6 $0x0;
	p6 =	por !p4, !p4  }
0x163: {  	s4 =	simm.s32 @!p6 $0x0;
	p6 =	sgt.f32 s0, $5.010000230e+00;
	s0 =	sadd.s32 s6, s20  }
0x164: {  	p0 =	por !p0, !p0;
	s6 =	simm.s32 $0x14;
	[smem:s0] =	sst s22  }
0x165: {  	s0 =	sadd.s32 s1, s0;
	s1 =	simm.s32 $0x1;
	p5 =	por p6, p5  }
0x166: {  	s1 =	simm.s32 @!p0 $0x0;
	[smem:s0] =	sst s23;
	p5 =	por !p5, !p5  }
0x167: {  	[smem:s0+$0x1] =	sst s24;
	s0 =	sadd.s32 $0x1, s0;
	p0 =	por !p5, !p2  }
0x168: {  	s0 =	sadd.s32 s2, s0;
	s2 =	simm.s32 $0x1;
	p1 =	por !p5, !p3  }
0x169: {  	p0 =	por !p0, !p0;
	[smem:s0] =	sst s25;
	s0 =	sadd.s32 s3, s0  }
0x16a: {  	s3 =	simm.s32 $0x1;
	s2 =	simm.s32 @!p0 $0x0;
	[smem:s0] =	sst s26  }
0x16b: {  	s0 =	sadd.s32 s4, s0;
	s3 =	simm.s32 @!p5 $0x0;
	p0 =	por !p1, !p1  }
0x16c: {  	p5 =	seq.s32 s29, $0x1;
	s4 =	simm.s32 $0x1;
	[smem:s0] =	sst s28  }
0x16d: {  	s0 =	sadd.s32 s1, s0;
	p1 =	por p6, p5;
	s1 =	simm.s32 $0x1  }
0x16e: {  	p1 =	por !p1, !p1;
	s1 =	simm.s32 @!p0 $0x0;
	p0 =	por !p6, !p6  }
0x16f: {  	[smem:s0] =	sst s30;
	s0 =	sadd.s32 s2, s0;
	s2 =	simm.s32 $0x1  }
0x170: {  	p4 =	por p6, p4;
	s4 =	simm.s32 @!p1 $0x0;
	s2 =	simm.s32 @!p0 $0x0  }
0x171: {  	[smem:s0] =	sst s31;
	s0 =	sadd.s32 s3, s0;
	p1 =	seq.s32 s7, $0x1  }
0x172: {  	s3 =	simm.s32 $0x1;
	[smem:s0] =	sst s6;
	s0 =	sadd.s32 s1, s0  }
0x173: {  	p0 =	por p6, p1;
	s1 =	simm.s32 $0x1;
	p1 =	por !p4, !p4  }
0x174: {  	[smem:s0] =	sst s8;
	s0 =	sadd.s32 s4, s0;
	p0 =	por !p0, !p0  }
0x175: {  	p5 =	por !p2, !p1;
	s4 =	simm.s32 $0x1;
	s1 =	simm.s32 @!p0 $0x0  }
0x176: {  	[smem:s0] =	sst s13;
	p0 =	por !p5, !p5;
	s0 =	sadd.s32 s2, s0  }
0x177: {  	s3 =	simm.s32 @!p0 $0x0;
	[smem:s0] =	sst s14;
	s0 =	sadd.s32 s1, s0  }
0x178: {  	s4 =	simm.s32 @!p1 $0x0;
	s1 =	sadd.s32 s3, s0;
	[smem:s0] =	sst s15  }
0x179: {  	v5 =	vld.msk [tilespmem:s10+$0x0 ss:$0x0], $0xffff;
	s19 =	simm.s32 $0x1A;
	s16 =	sadd.s32 s4, s1;
	[smem:s1] =	sst s17  }
0x17a: {  	v6 =	vld.msk [tilespmem:s10+$0x100 ss:$0x0], $0xffff;
	[smem:s16] =	sst s19  }
0x17b: {  	v7 =	vld.msk [tilespmem:s10+$0x200 ss:$0x0], $0xffff;
	s20 =	sand.u32 $0x4, s9;
	s0 =	sld [smem:$0x0]  }
0x17c: {  	s21 =	sshll.u32 s20, $0x4;
	p6 =	por !p1, !p3  }
0x17d: {  	s24 =	sor.u32 $0x1, s20;
	s2 =	simm.s32 $0x1;
	p0 =	por !p6, !p6  }
0x17e: {  	s25 =	sshll.u32 s24, $0x4;
	s2 =	simm.s32 @!p0 $0x0;
	s22 =	sshll.u32 s0, $0x7  }
0x17f: {  	s26 =	sor.u32 $0x2, s20;
	s18 =	sadd.s32 s2, s16;
	s2 =	sor.u32 s21, s22  }
0x180: {  	s28 =	sshll.u32 s26, $0x4;
	s5 =	sor.u32 s25, s22;
	v9 =	vld [tilespmem:s2+$0x2200]  }
0x181: {  	s7 =	sor.u32 s28, s22;
	v10 =	vld [tilespmem:s5+$0x2200]  }
0x182: {  	v11 =	vld [tilespmem:s7+$0x2200]  }
0x183: {  	v12 =	vld [tilespmem:s2+$0x700]  }
0x184: {  	v13 =	vld [tilespmem:s2+$0x1480]  }
0x185: {  	v14 =	vld [tilespmem:s5+$0x700]  }
0x186: {  	s29 =	smul.u32 $0x1B0, s20;
	s1 =	sor.u32 $0x3, s20;
	v15 =	vld [tilespmem:s5+$0x1480]  }
0x187: {  	s4 =	smul.u32 $0x1B0, s24;
	s30 =	sshll.u32 s1, $0x4;
	v16 =	vld [tilespmem:s7+$0x700]  }
0x188: {  	v18 =	vimm.s32 $0x0;
	s6 =	smul.u32 $0x1B0, s26;
	s3 =	sor.u32 s30, s22;
	s2 =	sadd.s32 s29, s0;
	v17 =	vld [tilespmem:s7+$0x1480]  }
0x189: {  	s1 =	smul.u32 $0x1B0, s1;
	s4 =	sadd.s32 s4, s0;
	v22 =	vld [tilespmem:s3+$0x1480];
	v8 =	vadd.s32 s2, v1;
	v19 =	vsub.f32 v7, v9;
	v20 =	vsub.f32 v7, v10  }
0x18a: {  	s31 =	sadd.s32 s6, s0;
	v21 =	vld [tilespmem:s3+$0x700];
	v9 =	vadd.s32 s4, v1;
	v12 =	vsub.f32 v5, v12;
	v25 =	vsub.f32 v7, v11  }
0x18b: {  	s23 =	sshll.u32 s18, $0x3;
	s0 =	sadd.s32 s1, s0;
	v23 =	vld [tilespmem:s3+$0x2200];
	v10 =	vadd.s32 s31, v1;
	v13 =	vsub.f32 v6, v13;
	v14 =	vsub.f32 v5, v14  }
0x18c: {  	p1 =	sgt.u32 s23, $0x4;
	v11 =	vadd.s32 s0, v1;
	v15 =	vsub.f32 v6, v15;
	v16 =	vsub.f32 v5, v16  }
.Ltmp5:
0x18d: {  	v17 =	vsub.f32 v6, v17;
	v29 =	vmul.f32 v19, v19;
	v28 =	vmul.f32 v20, v20;
	(pc) =	sbr.rel @!p1 .LBB2_5-.Ltmp5, $4  }
0x18e: {  	v63 =	vsub.f32 v6, v22;
	v12 =	vmul.f32 v12, v12;
	v13 =	vmul.f32 v13, v13  }
0x18f: {  	v19 =	vsub.f32 v5, v21;
	v33 =	vmul.f32 v14, v14;
	v34 =	vmul.f32 v15, v15  }
0x190: {  	v32 =	vsub.f32 v7, v23;
	v35 =	vmul.f32 v16, v16;
	v37 =	vmul.f32 v17, v17  }
0x191: {  	p0 =	por $0x0, $0x0;
	s1 =	simm.s32 $0x4;
	v39 =	vmul.f32 v63, v63;
	v38 =	vadd.f32 v13, v12;
	v36 =	vmul.f32 v19, v19  }
0x192: {  	s0 =	sld [smem:$0x0];
	_ =	sdelay $0x1  }
0x193: {  	v12 =	vadd.f32 v34, v33;
	v13 =	vadd.f32 v37, v35;
	v16 =	vmul.f32 v25, v25;
	s1 =	sand.u32 $0x4, s1  }
0x194: {  	v19 =	vmul.f32 v32, v32;
	v15 =	vadd.f32 v29, v38;
	v17 =	vadd.f32 v39, v36;
	s2 =	sshll.u32 s1, $0x4;
	s4 =	sor.u32 $0x1, s1;
	s3 =	sshll.u32 s0, $0x7  }
0x195: {  	s6 =	sor.u32 $0x2, s1;
	v14 =	vadd.f32 v28, v12;
	v13 =	vadd.f32 v16, v13;
	s5 =	sshll.u32 s4, $0x4;
	s2 =	sor.u32 s2, s3  }
0x196: {  	s7 =	sshll.u32 s6, $0x4;
	vm8 =	vgt.f32 v15, $9.999999740e-05;
	v12 =	vadd.f32 v19, v17;
	vm9 =	vle.f32 v15, $2.500000000e+01;
	s5 =	sor.u32 s5, s3;
	v17 =	vld [tilespmem:s2+$0x2200]  }
0x197: {  	vm10 =	vgt.f32 v14, $9.999999740e-05;
	vm11 =	vle.f32 v14, $2.500000000e+01;
	vm8 =	vmand vm8, vm9;
	s7 =	sor.u32 s7, s3;
	v19 =	vld [tilespmem:s5+$0x2200]  }
0x198: {  	vm9 =	vgt.f32 v13, $9.999999740e-05;
	vm12 =	vle.f32 v13, $2.500000000e+01;
	v16 =	vmpcnt.ones.xlane vm8;
	v23 =	vld [tilespmem:s7+$0x2200]  }
0x199: {  	vm15 =	vmand vm10, vm11;
	vm10 =	vgt.f32 v12, $9.999999740e-05;
	vm9 =	vmand vm9, vm12;
	v25 =	vld [tilespmem:s2+$0x700]  }
0x19a: {  	vm11 =	vle.f32 v12, $2.500000000e+01;
	v22 =	vsel vm8, $0x1, v2;
	v26 =	vld [tilespmem:s2+$0x1480];
	v20 =	vmpcnt.ones.xlane vm15  }
0x19b: {  	s29 =	smul.u32 $0x1B0, s1;
	s1 =	sor.u32 $0x3, s1;
	v30 =	vld [tilespmem:s5+$0x700];
	vm10 =	vmand vm10, vm11;
	v27 =	vsel vm15, $0x1, v2;
	v28 =	vsel vm9, $0x1, v2  }
0x19c: {  	s6 =	smul.u32 $0x1B0, s6;
	s30 =	sshll.u32 s1, $0x4;
	v54 =	vld [tilespmem:s5+$0x1480];
	(xrf0) =	vadd.scan.msk.s32 $0xffff, v22;
	v22 =	vsel vm8, $0xFFFFFFFF, v2;
	v21 =	vadd.s32 v18, v16;
	v16 =	vmpcnt.ones.xlane vm9  }
0x19d: {  	s31 =	sor.u32 s30, s3;
	v56 =	vld [tilespmem:s7+$0x700];
	v24 =	vmpcnt.ones.xlane vm10;
	v31 =	vsel vm10, $0x1, v2;
	(xrf0) =	vadd.scan.msk.s32 $0xffff, v27;
	v27 =	vsel vm9, $0xFFFFFFFF, v2  }
0x19e: {  	s6 =	sadd.s32 s6, s0;
	v60 =	vld [tilespmem:s31+$0x700];
	v55 =	vsel vm10, $0xFFFFFFFF, v2;
	v18 =	vadd.s32 v22, v18;
	v20 =	vadd.s32 v21, v20  }
0x19f: {  	s4 =	smul.u32 $0x1B0, s4;
	s2 =	sadd.s32 s29, s0;
	v62 =	vld [tilespmem:s31+$0x1480];
	v22 =	vadd.s32 s6, v1;
	v29 =	vadd.s32 v20, v16;
	v20 =	vadd.s32 v27, v20  }
0x1a0: {  	s1 =	smul.u32 $0x1B0, s1;
	v27 =	vadd.s32 s2, v1;
	v17 =	vsub.f32 v7, v17;
	v59 =	vsub.f32 v7, v19  }
0x1a1: {  	v58 =	vld [tilespmem:s7+$0x1480];
	v16 =	vadd.s32 v29, v24;
	v61 =	vsub.f32 v5, v25;
	v25 =	vsub.f32 v7, v23  }
0x1a2: {  	s4 =	sadd.s32 s4, s0;
	s0 =	sadd.s32 s1, s0;
	v24 =	vsel vm15, $0xFFFFFFFF, v2;
	v30 =	vsub.f32 v5, v30;
	v32 =	vsub.f32 v6, v54  }
0x1a3: {  	(xrf0) =	vadd.scan.msk.s32 $0xffff, v28;
	v19 =	vadd.s32 s0, v1;
	v41 =	vsub.f32 v5, v56;
	v42 =	vsub.f32 v5, v60  }
0x1a4: {  	v40 =	vld [tilespmem:s31+$0x2200];
	v39 =	vsub.f32 v6, v62;
	v57 =	vadd.s32 v24, v21;
	v21 =	vadd.s32 v55, v29;
	v23, _, _ =	vpop (xrf0);
	(xrf0) =	vadd.scan.msk.s32 $0xffff, v31  }
0x1a5: {  	p1 =	sgt.u32 s23, $0x8;
	v24 =	vadd.s32 s4, v1;
	v31 =	vsub.f32 v6, v26;
	v29 =	vmul.f32 v17, v17  }
.Ltmp6:
0x1a6: {  	v28 =	vmul.f32 v59, v59;
	v17 =	vsub.f32 v6, v58;
	v33 =	vmul.f32 v30, v30;
	(pc) =	sbr.rel @!p1 .LBB2_9-.Ltmp6, $4  }
0x1a7: {  	v34 =	vmul.f32 v32, v32;
	v35 =	vmul.f32 v41, v41;
	v26 =	vadd.s32 v23, v18;
	v18, _, _ =	vpop (xrf0)  }
0x1a8: {  	v23 =	vadd.s32 v18, v57;
	v18 =	vmul.f32 v61, v61;
	v63 =	vmul.f32 v31, v31  }
0x1a9: {  	v32 =	vsub.f32 v7, v40;
	v36 =	vmul.f32 v42, v42;
	v30, _, _ =	vpop (xrf0);
	v37 =	vmul.f32 v17, v17  }
0x1aa: {  	s24 =	simm.s32 $0x8;
	p0 =	por $0x1, $0x1;
	v39 =	vmul.f32 v39, v39;
	v38 =	vadd.f32 v63, v18;
	v17 =	vmov v16;
	v31, _, _ =	vpop (xrf0)  }
.LBB2_10:
0x1ab: {  	v18 =	vadd.f32 v34, v33;
	v33 =	vadd.f32 v37, v35  }
0x1ac: {  	s0 =	sshrl.u32 s24, $0x3;
	v25 =	vmul.f32 v25, v25;
	vm12 =	vmmov vm9;
	vm11 =	vmmov vm10;
	s1 =	smov.u32 s24  }
0x1ad: {  	s24 =	sadd.s32 $0x4, s24;
	v32 =	vmul.f32 v32, v32;
	s25 =	sld [smem:s0+$0x0];
	v29 =	vadd.f32 v29, v38;
	v34 =	vadd.f32 v39, v36  }
0x1ae: {  	v20 =	vadd.s32 v30, v20;
	p1 =	slt.u32 s24, s23;
	v18 =	vadd.f32 v28, v18;
	v28 =	vadd.s32 v31, v21  }
0x1af: {  	s1 =	sand.u32 $0x4, s1;
	v21 =	vadd.f32 v25, v33;
	vm9 =	vgt.f32 v29, $9.999999740e-05;
	v25 =	vadd.f32 v32, v34;
	[tilespmem:v26+s11+$0x0] =	vst.idx.msk vm8, v15  }
0x1b0: {  	s2 =	sshll.u32 s1, $0x4;
	s3 =	sor.u32 $0x1, s1;
	vm10 =	vle.f32 v29, $2.500000000e+01;
	v15 =	vmovc v29;
	s0 =	sshll.u32 s25, $0x7;
	vm13 =	vgt.f32 v18, $9.999999740e-05;
	vm14 =	vle.f32 v18, $2.500000000e+01;
	[tilespmem:v26+s12+$0x0] =	vst.idx.msk vm8, v8;
	v8 =	vmovc v27  }
0x1b1: {  	s5 =	sor.u32 $0x2, s1;
	s4 =	sshll.u32 s3, $0x4;
	vm8 =	vmand vm9, vm10;
	vm9 =	vgt.f32 v21, $9.999999740e-05;
	vm10 =	vle.f32 v21, $2.500000000e+01;
	s2 =	sor.u32 s2, s0;
	[tilespmem:v23+s11+$0x0] =	vst.idx.msk vm15, v14;
	v14 =	vmovc v18  }
0x1b2: {  	s3 =	smul.u32 $0x1B0, s3;
	s6 =	sshll.u32 s5, $0x4;
	s4 =	sor.u32 s4, s0;
	v26 =	vmpcnt.ones.xlane vm8;
	vm3 =	vgt.f32 v25, $9.999999740e-05;
	v18 =	vld [tilespmem:s2+$0x2200];
	[tilespmem:v23+s12+$0x0] =	vst.idx.msk vm15, v9;
	vm15 =	vmand vm13, vm14;
	v9 =	vmovc v24  }
0x1b3: {  	s5 =	smul.u32 $0x1B0, s5;
	s6 =	sor.u32 s6, s0;
	vm9 =	vmand vm9, vm10;
	vm10 =	vle.f32 v25, $2.500000000e+01;
	v23 =	vld [tilespmem:s4+$0x2200];
	v24 =	vmpcnt.ones.xlane vm15;
	[tilespmem:v20+s11+$0x0] =	vst.idx.msk vm12, v13;
	v13 =	vmovc v21  }
0x1b4: {  	s7 =	smul.u32 $0x1B0, s1;
	s3 =	sadd.s32 s3, s25;
	vm10 =	vmand vm3, vm10;
	v21 =	vadd.s32 v16, v26;
	v16 =	vmpcnt.ones.xlane vm9;
	v29 =	vld [tilespmem:s6+$0x2200];
	[tilespmem:v20+s12+$0x0] =	vst.idx.msk vm12, v10;
	v10 =	vmovc v22  }
0x1b5: {  	s5 =	sadd.s32 s5, s25;
	v20 =	vsel vm8, $0x1, v2;
	v26 =	vld [tilespmem:s2+$0x700];
	v22 =	vadd.s32 v21, v24;
	v24 =	vmpcnt.ones.xlane vm10;
	[tilespmem:v28+s11+$0x0] =	vst.idx.msk vm11, v12;
	v12 =	vmovc v25  }
0x1b6: {  	v27 =	vsel vm9, $0x1, v2;
	v25 =	vsel vm15, $0x1, v2;
	v30 =	vld [tilespmem:s2+$0x1480];
	s2 =	sadd.s32 s7, s25;
	v31 =	vadd.s32 v22, v16;
	(xrf0) =	vadd.scan.msk.s32 $0xffff, v20  }
0x1b7: {  	v33 =	vsel vm8, $0xFFFFFFFF, v2;
	v34 =	vsel vm10, $0x1, v2;
	v32 =	vld [tilespmem:s4+$0x700];
	v16 =	vadd.s32 v31, v24;
	(xrf0) =	vadd.scan.msk.s32 $0xffff, v25  }
0x1b8: {  	s1 =	sor.u32 $0x3, s1;
	v20 =	vsel vm15, $0xFFFFFFFF, v2;
	v24 =	vsel vm9, $0xFFFFFFFF, v2;
	v25 =	vsel vm10, $0xFFFFFFFF, v2;
	v35 =	vld [tilespmem:s4+$0x1480];
	(xrf0) =	vadd.scan.msk.s32 $0xffff, v27  }
0x1b9: {  	v37 =	vadd.s32 v20, v21;
	s4 =	sshll.u32 s1, $0x4;
	s1 =	smul.u32 $0x1B0, s1;
	v20 =	vadd.s32 v24, v22;
	v21 =	vadd.s32 v25, v31;
	v36 =	vld [tilespmem:s6+$0x700];
	(xrf0) =	vadd.scan.msk.s32 $0xffff, v34  }
0x1ba: {  	v33 =	vadd.s32 v33, v17;
	v27 =	vadd.s32 s2, v1;
	v24 =	vadd.s32 s3, v1;
	v17 =	vmovc v16;
	s0 =	sor.u32 s4, s0;
	v31 =	vld [tilespmem:s6+$0x1480];
	[tilespmem:v28+s12+$0x0] =	vst.idx.msk vm11, v11  }
0x1bb: {  	v18 =	vsub.f32 v7, v18;
	v22 =	vadd.s32 s5, v1;
	v28 =	vsub.f32 v7, v23;
	s1 =	sadd.s32 s1, s25;
	v11 =	vmovc v19;
	v34 =	vld [tilespmem:s0+$0x700]  }
0x1bc: {  	v25 =	vsub.f32 v7, v29;
	v38 =	vsub.f32 v5, v26;
	v19 =	vadd.s32 s1, v1;
	v39 =	vld [tilespmem:s0+$0x1480];
	v23, _, _ =	vpop (xrf0)  }
0x1bd: {  	v40 =	vsub.f32 v6, v30;
	v32 =	vsub.f32 v5, v32;
	v41 =	vld [tilespmem:s0+$0x2200];
	v26 =	vadd.s32 v23, v33;
	v23, _, _ =	vpop (xrf0)  }
0x1be: {  	v35 =	vsub.f32 v6, v35;
	v36 =	vsub.f32 v5, v36;
	v23 =	vadd.s32 v23, v37;
	v30, _, _ =	vpop (xrf0)  }
.Ltmp7:
0x1bf: {  	v29 =	vmul.f32 v18, v18;
	v28 =	vmul.f32 v28, v28;
	v18 =	vsub.f32 v6, v31;
	v31, _, _ =	vpop (xrf0);
	(pc) =	sbr.rel @p1 .LBB2_10-.Ltmp7, $4  }
0x1c0: {  	v38 =	vmul.f32 v38, v38;
	v40 =	vmul.f32 v40, v40;
	v42 =	vsub.f32 v5, v34  }
0x1c1: {  	v33 =	vmul.f32 v32, v32;
	v34 =	vmul.f32 v35, v35;
	v39 =	vsub.f32 v6, v39  }
0x1c2: {  	v35 =	vmul.f32 v36, v36;
	v37 =	vmul.f32 v18, v18;
	v32 =	vsub.f32 v7, v41  }
0x1c3: {  	v38 =	vadd.f32 v40, v38;
	v36 =	vmul.f32 v42, v42;
	v39 =	vmul.f32 v39, v39  }
0x1c4: {  	v43 =	vmovc v8;
	v42 =	vmov v9;
	v41 =	vmov v10;
	v40 =	vmov v11  }
0x1c5: {  	v8 =	vmovc v27;
	v9 =	vmovc v24;
	v18 =	vmov v16;
	v10 =	vmov v22;
	v11 =	vmov v19  }
.LBB2_12:
0x1c6: {  	v16 =	vadd.f32 v34, v33;
	v19 =	vadd.f32 v29, v38  }
0x1c7: {  	v22 =	vadd.f32 v37, v35;
	v24 =	vmul.f32 v25, v25;
	v47 =	vadd.f32 v39, v36  }
0x1c8: {  	v16 =	vadd.f32 v28, v16;
	vm3 =	vgt.f32 v19, $9.999999740e-05;
	vm11 =	vle.f32 v19, $2.500000000e+01  }
0x1c9: {  	v27 =	vmul.f32 v32, v32;
	v22 =	vadd.f32 v24, v22;
	vm11 =	vmand vm3, vm11  }
0x1ca: {  	vm3 =	vgt.f32 v16, $9.999999740e-05;
	vm12 =	vle.f32 v16, $2.500000000e+01;
	v48 =	vsel vm11, $0x1, v2  }
0x1cb: {  	vm13 =	vmmov @p0 vm9;
	v25 =	vadd.f32 v27, v47;
	vm9 =	vmand vm3, vm12;
	(xrf0) =	vadd.scan.msk.s32 $0xffff, v48  }
0x1cc: {  	vm3 =	vgt.f32 v22, $9.999999740e-05;
	vm12 =	vle.f32 v22, $2.500000000e+01;
	v49 =	vsel vm9, $0x1, v2  }
0x1cd: {  	v20 =	vadd.s32 @p0 v30, v20;
	v21 =	vadd.s32 @p0 v31, v21;
	vm14 =	vmand vm3, vm12;
	(xrf0) =	vadd.scan.msk.s32 $0xffff, v49  }
0x1ce: {  	vm4 =	vgt.f32 v25, $9.999999740e-05;
	vm3 =	vle.f32 v25, $2.500000000e+01;
	v50 =	vsel vm14, $0x1, v2  }
0x1cf: {  	[tilespmem:v26+s11+$0x0] =	vst.idx.msk @p0 vm8, v15;
	vm12 =	vmand vm4, vm3;
	vm3 =	vmmov @p0 vm10;
	(xrf0) =	vadd.scan.msk.s32 $0xffff, v50  }
0x1d0: {  	[tilespmem:v23+s11+$0x0] =	vst.idx.msk @p0 vm15, v14;
	v51 =	vmpcnt.ones.xlane vm11;
	v52 =	vsel vm11, $0xFFFFFFFF, v2;
	v53 =	vsel vm12, $0x1, v2  }
0x1d1: {  	[tilespmem:v26+s12+$0x0] =	vst.idx.msk @p0 vm8, v43;
	v17 =	vadd.s32 v52, v17;
	v54 =	vmpcnt.ones.xlane vm9;
	(xrf0) =	vadd.scan.msk.s32 $0xffff, v53;
	v55, _, _ =	vpop (xrf0)  }
0x1d2: {  	[tilespmem:v23+s12+$0x0] =	vst.idx.msk @p0 vm15, v42;
	v15 =	vadd.s32 v18, v51;
	v56 =	vsel vm9, $0xFFFFFFFF, v2;
	v17 =	vadd.s32 v55, v17  }
0x1d3: {  	[tilespmem:v20+s11+$0x0] =	vst.idx.msk @p0 vm13, v13;
	v57 =	vmpcnt.ones.xlane vm14;
	v18 =	vadd.s32 v56, v15;
	v58, _, _ =	vpop (xrf0)  }
0x1d4: {  	[tilespmem:v20+s12+$0x0] =	vst.idx.msk @p0 vm13, v41;
	v59 =	vsel vm14, $0xFFFFFFFF, v2;
	v14 =	vadd.s32 v15, v54;
	v18 =	vadd.s32 v58, v18  }
0x1d5: {  	v60 =	vadd.s32 v59, v14;
	[tilespmem:v21+s11+$0x0] =	vst.idx.msk @p0 vm3, v12;
	v61, _, _ =	vpop (xrf0)  }
0x1d6: {  	v62 =	vsel vm12, $0xFFFFFFFF, v2;
	v13 =	vadd.s32 v14, v57;
	[tilespmem:v21+s12+$0x0] =	vst.idx.msk @p0 vm3, v40;
	v12 =	vadd.s32 v61, v60  }
0x1d7: {  	v14 =	vadd.s32 v62, v13;
	v63, _, _ =	vpop (xrf0);
	[tilespmem:v17+s11+$0x0] =	vst.idx.msk vm11, v19  }
0x1d8: {  	v14 =	vadd.s32 v63, v14;
	[tilespmem:v17+s12+$0x0] =	vst.idx.msk vm11, v8  }
0x1d9: {  	[tilespmem:v18+s11+$0x0] =	vst.idx.msk vm9, v16  }
0x1da: {  	[tilespmem:v18+s12+$0x0] =	vst.idx.msk vm9, v9  }
0x1db: {  	[tilespmem:v12+s11+$0x0] =	vst.idx.msk vm14, v22  }
0x1dc: {  	v8 =	vmpcnt.ones.xlane vm12;
	[tilespmem:v12+s12+$0x0] =	vst.idx.msk vm14, v10  }
0x1dd: {  	[tilespmem:v14+s11+$0x0] =	vst.idx.msk vm12, v25  }
0x1de: {  	vm4 =	vmmov vm14;
	vm3 =	vmmov vm12;
	v8 =	vadd.s32 v13, v8;
	[tilespmem:v14+s12+$0x0] =	vst.idx.msk vm12, v11  }
0x1df: {  	(v2sf) =	vpush v8, $0x0;
	_ =	sdelay $0xe  }
0x1e0: {  	s23 =	spop (v2sf)  }
0x1e1: {  	s0 =	sadd.s32 $0xF, s23  }
0x1e2: {  	s1 =	sand.u32 $0xF, s0  }
0x1e3: {  	s31 =	sshra.s32 s0, $0x1F;
	p1 =	slt.s32 s0, $0x1;
	p0 =	sne.s32 s1, $0x0  }
0x1e4: {  	s1 =	sshrl.u32 s31, $0x1C;
	p0 =	por !p1, !p0  }
0x1e5: {  	s0 =	sadd.s32 s1, s0;
	s1 =	simm.s32 $0x1;
	p0 =	por !p0, !p0  }
0x1e6: {  	s0 =	sshra.s32 s0, $0x4;
	s1 =	simm.s32 @!p0 $0x0  }
0x1e7: {  	s0 =	ssub.s32 s0, s1  }
0x1e8: {  	p0 =	sgt.s32 s0, $0x0  }
.Ltmp8:
0x1e9: {  	_ = 	snop;
	(pc) =	sbr.rel @!p0 .LBB2_7-.Ltmp8, $4  }
0x1ea: {  	_ = 	snop  }
0x1eb: {  	v9 =	vimm.f32 $1.000000000e+09  }
0x1ec: {  	v8 =	vimm.s32 $0x0;
	[tilespmem:s23+$0x4000] =	vst v9  }
0x1ed: {  	[tilespmem:s23+$0x4E00] =	vst v8  }
0x1ee: {  	s2 =	simm.s32 $0x4000  }
0x1ef: {  	s1 =	simm.s32 $0x4E00;
	v10 =	vld [tilespmem:s2+$0x0]  }
0x1f0: {  	p1 =	sne.s32 s0, $0x1;
	v11 =	vld [tilespmem:s1+$0x0]  }
.Ltmp9:
0x1f1: {  	_ = 	snop;
	(pc) =	sbr.rel @!p1 .LBB2_14-.Ltmp9, $2  }
0x1f2: {  	_ =	sdelay $0x2  }
0x1f3: {  	p0 =	por $0x0, $0x0;
	s2 =	sadd.s32 $0xFFFFFFFF, s0;
	(xrf1) =	vsort.ascd.msk.f32 $0xffff, v10, v11  }
0x1f4: {  	_ =	sdelay $0xa  }
0x1f5: {  	v10 =	vmul.u32 $0xFFFFFFFF, v0;
	_ =	sdelay $0x1  }
0x1f6: {  	v10 =	vadd.s32 $0xF, v10;
	v11, v12, _ =	vpop (xrf1)  }
0x1f7: {  	v11 =	vperm.xlane v11, v10  }
0x1f8: {  	v12 =	vperm.xlane v12, v10  }
0x1f9: {  	vm3 =	vle.f32 v9, v11  }
0x1fa: {  	v11 =	vsel vm3, v9, v11;
	v12 =	vsel vm3, v8, v12  }
0x1fb: {  	(xrf1) =	vsort.ascd.msk.f32 $0xffff, v11, v12;
	_ =	sdelay $0x9  }
0x1fc: {  	s1 =	simm.s32 $0x4E10  }
0x1fd: {  	s0 =	simm.s32 $0x4010;
	v14 =	vld [tilespmem:s1+$0x0]  }
0x1fe: {  	v11 =	vld [tilespmem:s0+$0x0]  }
0x1ff: {  	p1 =	sne.s32 s2, $0x1  }
.Ltmp10:
0x200: {  	v12, v13, _ =	vpop (xrf1);
	(pc) =	sbr.rel @!p1 .LBB2_16-.Ltmp10, $4  }
0x201: {  	v15 =	vperm.xlane v12, v10  }
0x202: {  	v12 =	vperm.xlane v13, v10  }
0x203: {  	(xrf1) =	vsort.ascd.msk.f32 $0xffff, v11, v14;
	v11 =	vimm.s32 $0x0;
	vm8 =	vle.f32 v9, v15  }
0x204: {  	s3 =	sadd.s32 $0xFFFFFFFF, s2;
	p0 =	por $0x1, $0x1;
	v13 =	vsel vm8, v9, v15;
	v14 =	vsel vm8, v15, v9;
	v15 =	vsel vm8, v12, v8  }
.LBB2_17:
0x205: {  	p1 =	sne.s32 s3, $0x1;
	s3 =	sadd.s32 $0xFFFFFFFF, s3;
	v11 =	vsel vm8, v11, v12;
	(xrf1) =	vsort.ascd.msk.f32 $0xffff, v14, v15  }
0x206: {  	(xrf1) =	vsort.ascd.msk.f32 $0xffff, v13, v11;
	_ =	sdelay $0xa  }
0x207: {  	v11, v12, _ =	vpop (xrf1)  }
0x208: {  	v13 =	vperm.xlane v11, v10;
	v12 =	vperm.xlane v12, v10  }
0x209: {  	v14, v15, _ =	vpop (xrf1)  }
0x20a: {  	vm3 =	vle.f32 v14, v13;
	v16, v11, _ =	vpop (xrf1)  }
0x20b: {  	v13 =	vsel vm3, v14, v13;
	v12 =	vsel vm3, v15, v12  }
0x20c: {  	(xrf1) =	vsort.ascd.msk.f32 $0xffff, v13, v12;
	_ =	sdelay $0x9  }
0x20d: {  	s0 =	sadd.s32 $0x10, s0  }
0x20e: {  	s1 =	sadd.s32 $0x10, s1;
	v13 =	vld [tilespmem:s0+$0x0]  }
0x20f: {  	v14 =	vld [tilespmem:s1+$0x0];
	_ =	sdelay $0x1  }
.Ltmp11:
0x210: {  	v12, v15, _ =	vpop (xrf1);
	(pc) =	sbr.rel @p1 .LBB2_17-.Ltmp11, $4  }
0x211: {  	v17 =	vperm.xlane v12, v10  }
0x212: {  	v12 =	vperm.xlane v15, v10  }
0x213: {  	(xrf1) =	vsort.ascd.msk.f32 $0xffff, v13, v14;
	vm8 =	vle.f32 v16, v17  }
0x214: {  	v13 =	vsel vm8, v16, v17;
	v14 =	vsel vm8, v17, v16;
	v15 =	vsel vm8, v12, v11  }
.LBB2_18:
0x215: {  	(xrf1) =	vsort.ascd.msk.f32 @p0 $0xffff, v14, v15;
	_ =	sdelay $0xa  }
0x216: {  	v10 =	vmul.u32 $0xFFFFFFFF, v0;
	_ =	sdelay $0x1  }
0x217: {  	v10 =	vadd.s32 $0xF, v10;
	v14, v15, _ =	vpop (xrf1)  }
0x218: {  	v14 =	vperm.xlane v14, v10;
	v16, v17, _ =	vpop @p0 (xrf1)  }
0x219: {  	v15 =	vperm.xlane v15, v10;
	v16 =	vpsel p0, v16, v9  }
0x21a: {  	v11 =	vsel @p0 vm8, v11, v12;
	v61 =	vpsel p0, v17, v8;
	vm3 =	vle.f32 v16, v14  }
0x21b: {  	(xrf1) =	vsort.ascd.msk.f32 @p0 $0xffff, v13, v11;
	v11 =	vsel vm3, v16, v14;
	v12 =	vsel vm3, v61, v15  }
0x21c: {  	(xrf1) =	vsort.ascd.msk.f32 $0xffff, v11, v12;
	_ =	sdelay $0xc  }
0x21d: {  	v11, v12, _ =	vpop @p0 (xrf1)  }
0x21e: {  	v62, v63, _ =	vpop (xrf1)  }
0x21f: {  	v13 =	vperm.xlane v62, v10  }
0x220: {  	v9 =	vpsel p0, v11, v9;
	v10 =	vperm.xlane v63, v10  }
0x221: {  	v8 =	vpsel p0, v12, v8;
	vm3 =	vle.f32 v9, v13  }
0x222: {  	v11 =	vsel vm3, v13, v9;
	v12 =	vsel vm3, v10, v8  }
0x223: {  	v9 =	vsel vm3, v9, v13;
	v8 =	vsel vm3, v8, v10;
	(xrf1) =	vsort.ascd.msk.f32 $0xffff, v11, v12  }
0x224: {  	(xrf1) =	vsort.ascd.msk.f32 $0xffff, v9, v8;
	_ =	sdelay $0x9  }
.Ltmp12:
0x225: {  	_ = 	snop;
	(pc) =	sbr.rel .LBB2_19-.Ltmp12, $3  }
0x226: {  	_ =	sdelay $0x1  }
0x227: {  	v11, v10, _ =	vpop (xrf1)  }
0x228: {  	v9, v8, _ =	vpop (xrf1)  }
.LBB2_7:
0x229: {  	v11 =	vimm.f32 $1.000000000e+09;
	v10 =	vimm.s32 $0x0  }
.LBB2_19:
0x22a: {  	p0 =	sgt.s32 s23, $0x1F  }
.Ltmp13:
0x22b: {  	_ = 	snop;
	(pc) =	sbr.rel @p0 .LBB2_23-.Ltmp13, $2  }
0x22c: {  	_ =	sdelay $0x2  }
0x22d: {  	s23 =	simm.s32 $0x0  }
0x22e: {  	s0 =	sshra.s32 s23, $0x2  }
0x22f: {  	v12 =	vld [tilespmem:s0+$0x1480]  }
0x230: {  	v13 =	vld [tilespmem:s0+$0x700];
	_ =	sdelay $0x1  }
0x231: {  	v14 =	vld [tilespmem:s0+$0x2200];
	_ =	sdelay $0x2  }
0x232: {  	v13 =	vsub.f32 v5, v13;
	v12 =	vsub.f32 v6, v12  }
0x233: {  	v15 =	vld [tilespmem:s0+$0x2F80]  }
0x234: {  	v14 =	vsub.f32 v7, v14;
	v13 =	vmul.f32 v13, v13;
	v12 =	vmul.f32 v12, v12;
	_ =	sdelay $0x1  }
0x235: {  	v12 =	vadd.f32 v12, v13;
	v13 =	vmul.f32 v14, v14;
	_ =	sdelay $0x1  }
0x236: {  	v12 =	vadd.f32 v13, v12;
	v13 =	vcvt.s32.f32 v15;
	_ =	sdelay $0x1  }
0x237: {  	vm3 =	vle.f32 v12, $9.999999740e-05;
	vm4 =	vgt.f32 v12, $2.500000000e+01;
	v12 =	vadd.f32 $1.000000000e+05, v13  }
0x238: {  	vm3 =	vmor vm3, vm4  }
0x239: {  	[tilespmem:s23+$0x5C00] =	vst.msk vm3, v12;
	v12 =	vsel vm3, $0x1, v2  }
0x23a: {  	(xrf0) =	vadd.scan.msk.s32 $0xffff, v12;
	_ =	sdelay $0x2  }
0x23b: {  	s31 =	sadd.s32 $0x40, s23  }
0x23c: {  	s1 =	sshra.s32 s31, $0x2;
	[tilespmem:s23+$0x6A00] =	vst.msk vm3, v15  }
0x23d: {  	s0 =	sadd.s32 $0x40, s31;
	v12 =	vld [tilespmem:s1+$0x1480]  }
.LBB2_21:
0x23e: {  	p1 =	sne.s32 s0, $0x35C0;
	v13 =	vld [tilespmem:s1+$0x700];
	v14, _, _ =	vpop (xrf0)  }
0x23f: {  	(v2sf) =	vpush v14, $0xF  }
0x240: {  	v14 =	vld [tilespmem:s1+$0x2200];
	_ =	sdelay $0x2  }
0x241: {  	v12 =	vsub.f32 v6, v12;
	v13 =	vsub.f32 v5, v13;
	_ =	sdelay $0x1  }
0x242: {  	v12 =	vmul.f32 v12, v12;
	v14 =	vsub.f32 v7, v14;
	v13 =	vmul.f32 v13, v13;
	_ =	sdelay $0x1  }
0x243: {  	v12 =	vadd.f32 v12, v13;
	v13 =	vmul.f32 v14, v14;
	v14 =	vld [tilespmem:s1+$0x2F80];
	_ =	sdelay $0x1  }
0x244: {  	v12 =	vadd.f32 v13, v12;
	_ =	sdelay $0x1  }
0x245: {  	vm3 =	vle.f32 v12, $9.999999740e-05;
	vm4 =	vgt.f32 v12, $2.500000000e+01  }
0x246: {  	vm3 =	vmor vm3, vm4;
	v12 =	vcvt.s32.f32 v14  }
0x247: {  	v13 =	vsel vm3, $0x1, v2  }
0x248: {  	v12 =	vadd.f32 $1.000000000e+05, v12;
	(xrf0) =	vadd.scan.msk.s32 $0xffff, v13;
	s1 =	spop (v2sf)  }
.Ltmp14:
0x249: {  	s23 =	sadd.s32 s23, s1;
	(pc) =	sbr.rel @p1 .LBB2_21-.Ltmp14, $4  }
0x24a: {  	[tilespmem:s23+$0x5C00] =	vst.msk vm3, v12  }
0x24b: {  	[tilespmem:s23+$0x6A00] =	vst.msk vm3, v14  }
0x24c: {  	s1 =	sshra.s32 s0, $0x2  }
0x24d: {  	s0 =	sadd.s32 $0x40, s0;
	v12 =	vld [tilespmem:s1+$0x1480]  }
0x24e: {  	v13 =	vld [tilespmem:s1+$0x700];
	_ =	sdelay $0x1  }
0x24f: {  	v14 =	vld [tilespmem:s1+$0x2200];
	_ =	sdelay $0x2  }
0x250: {  	v6 =	vsub.f32 v6, v12;
	v5 =	vsub.f32 v5, v13;
	_ =	sdelay $0x1  }
0x251: {  	v7 =	vsub.f32 v7, v14;
	v6 =	vmul.f32 v6, v6;
	v5 =	vmul.f32 v5, v5;
	_ =	sdelay $0x1  }
0x252: {  	v5 =	vadd.f32 v6, v5;
	v6 =	vmul.f32 v7, v7;
	_ =	sdelay $0x1  }
0x253: {  	v5 =	vadd.f32 v6, v5;
	_ =	sdelay $0x1  }
0x254: {  	vm3 =	vle.f32 v5, $9.999999740e-05;
	vm4 =	vgt.f32 v5, $2.500000000e+01  }
0x255: {  	vm3 =	vmor vm3, vm4  }
0x256: {  	v5 =	vsel vm3, $0x1, v2  }
0x257: {  	(xrf0) =	vadd.scan.msk.s32 $0xffff, v5;
	_ =	sdelay $0x3  }
0x258: {  	v5, _, _ =	vpop (xrf0)  }
0x259: {  	(v2sf) =	vpush v5, $0xF  }
0x25a: {  	v5, _, _ =	vpop (xrf0)  }
0x25b: {  	(v2sf) =	vpush v5, $0xF;
	_ =	sdelay $0x5  }
0x25c: {  	v5 =	vld [tilespmem:s1+$0x2F80];
	_ =	sdelay $0x4  }
0x25d: {  	v6 =	vcvt.s32.f32 v5;
	_ =	sdelay $0x1  }
0x25e: {  	v6 =	vadd.f32 $1.000000000e+05, v6;
	s0 =	spop (v2sf)  }
0x25f: {  	s0 =	sadd.s32 s23, s0  }
0x260: {  	[tilespmem:s0+$0x5C00] =	vst.msk vm3, v6;
	s31 =	spop (v2sf)  }
0x261: {  	[tilespmem:s0+$0x6A00] =	vst.msk vm3, v5;
	s23 =	sadd.s32 s0, s31  }
.LBB2_23:
0x262: {  	s0 =	sadd.s32 $0xF, s23  }
0x263: {  	s1 =	sand.u32 $0xF, s0  }
0x264: {  	s31 =	sshra.s32 s0, $0x1F;
	p2 =	slt.s32 s0, $0x1;
	p1 =	sne.s32 s1, $0x0  }
0x265: {  	s1 =	sshrl.u32 s31, $0x1C;
	p1 =	por !p2, !p1  }
0x266: {  	s0 =	sadd.s32 s1, s0;
	s1 =	simm.s32 $0x1;
	p1 =	por !p1, !p1  }
0x267: {  	s0 =	sshra.s32 s0, $0x4;
	s1 =	simm.s32 @!p1 $0x0  }
0x268: {  	s0 =	ssub.s32 s0, s1  }
0x269: {  	p1 =	slt.s32 @!p0 s0, $0x1  }
0x26a: {  	p1 =	por p0, p1  }
.Ltmp15:
0x26b: {  	_ = 	snop;
	(pc) =	sbr.rel @p1 .LBB2_33-.Ltmp15, $3  }
0x26c: {  	_ =	sdelay $0x1  }
0x26d: {  	[tilespmem:s23+$0x5C00] =	vst v3  }
0x26e: {  	[tilespmem:s23+$0x6A00] =	vst v2;
	[dreg:$0x14] =	wrdreg s10  }
0x26f: {  	s2 =	simm.s32 $0x5C00  }
0x270: {  	s1 =	simm.s32 $0x6A00;
	v5 =	vld [tilespmem:s2+$0x0]  }
0x271: {  	p1 =	sgt.s32 s0, $0x1;
	v6 =	vld [tilespmem:s1+$0x0]  }
.Ltmp16:
0x272: {  	_ = 	snop;
	(pc) =	sbr.rel @!p1 .LBB2_25-.Ltmp16, $2  }
0x273: {  	_ =	sdelay $0x2  }
0x274: {  	p0 =	por $0x0, $0x0;
	(xrf1) =	vsort.ascd.msk.f32 $0xffff, v5, v6;
	v5 =	vmul.u32 $0xFFFFFFFF, v0  }
0x275: {  	_ =	sdelay $0xc  }
0x276: {  	v6 =	vadd.s32 $0xF, v5;
	v7, v12, _ =	vpop (xrf1)  }
0x277: {  	v7 =	vperm.xlane v7, v6  }
0x278: {  	v12 =	vperm.xlane v12, v6  }
0x279: {  	vm3 =	vle.f32 v11, v7  }
0x27a: {  	v7 =	vsel vm3, v11, v7;
	v12 =	vsel vm3, v10, v12  }
0x27b: {  	(xrf1) =	vsort.ascd.msk.f32 $0xffff, v7, v12;
	_ =	sdelay $0x9  }
0x27c: {  	s3 =	simm.s32 $0x6A10  }
0x27d: {  	s1 =	simm.s32 $0x5C10;
	v13 =	vld [tilespmem:s3+$0x0]  }
0x27e: {  	v7 =	vld [tilespmem:s1+$0x0]  }
0x27f: {  	p1 =	sgt.s32 s0, $0x2  }
.Ltmp17:
0x280: {  	v12, v14, _ =	vpop (xrf1);
	(pc) =	sbr.rel @!p1 .LBB2_27-.Ltmp17, $4  }
0x281: {  	v15 =	vperm.xlane v12, v6  }
0x282: {  	v12 =	vperm.xlane v14, v6  }
0x283: {  	(xrf1) =	vsort.ascd.msk.f32 $0xffff, v7, v13;
	vm8 =	vle.f32 v9, v15  }
0x284: {  	s4 =	simm.s32 $0x2;
	p0 =	por $0x1, $0x1;
	v7 =	vmovc v8;
	v13 =	vsel vm8, v9, v15;
	v14 =	vsel vm8, v15, v9;
	v15 =	vsel vm8, v12, v8  }
.LBB2_28:
0x285: {  	s4 =	sadd.s32 $0x1, s4;
	v7 =	vsel vm8, v7, v12;
	(xrf1) =	vsort.ascd.msk.f32 $0xffff, v14, v15  }
0x286: {  	p1 =	sgt.s32 s0, s4;
	(xrf1) =	vsort.ascd.msk.f32 $0xffff, v13, v7;
	_ =	sdelay $0xa  }
0x287: {  	v7, v12, _ =	vpop (xrf1)  }
0x288: {  	v13 =	vperm.xlane v7, v6;
	v12 =	vperm.xlane v12, v6  }
0x289: {  	v14, v15, _ =	vpop (xrf1)  }
0x28a: {  	vm3 =	vle.f32 v14, v13;
	v16, v7, _ =	vpop (xrf1)  }
0x28b: {  	v13 =	vsel vm3, v14, v13;
	v12 =	vsel vm3, v15, v12  }
0x28c: {  	(xrf1) =	vsort.ascd.msk.f32 $0xffff, v13, v12;
	_ =	sdelay $0x9  }
0x28d: {  	s1 =	sadd.s32 $0x10, s1  }
0x28e: {  	s3 =	sadd.s32 $0x10, s3;
	v13 =	vld [tilespmem:s1+$0x0]  }
0x28f: {  	v14 =	vld [tilespmem:s3+$0x0];
	_ =	sdelay $0x1  }
.Ltmp18:
0x290: {  	v12, v15, _ =	vpop (xrf1);
	(pc) =	sbr.rel @p1 .LBB2_28-.Ltmp18, $4  }
0x291: {  	v17 =	vperm.xlane v12, v6  }
0x292: {  	v12 =	vperm.xlane v15, v6  }
0x293: {  	(xrf1) =	vsort.ascd.msk.f32 $0xffff, v13, v14;
	vm8 =	vle.f32 v16, v17  }
0x294: {  	v13 =	vsel vm8, v16, v17;
	v14 =	vsel vm8, v17, v16;
	v15 =	vsel vm8, v12, v7  }
.LBB2_29:
0x295: {  	(xrf1) =	vsort.ascd.msk.f32 @p0 $0xffff, v14, v15;
	_ =	sdelay $0xc  }
0x296: {  	v5 =	vadd.s32 $0xF, v5;
	v6, v63, _ =	vpop (xrf1)  }
0x297: {  	v6 =	vperm.xlane v6, v5;
	v15, v16, _ =	vpop @p0 (xrf1)  }
0x298: {  	v14 =	vperm.xlane v63, v5;
	v11 =	vpsel p0, v15, v11  }
0x299: {  	v7 =	vsel @p0 vm8, v7, v12;
	v10 =	vpsel p0, v16, v10;
	vm3 =	vle.f32 v11, v6  }
0x29a: {  	(xrf1) =	vsort.ascd.msk.f32 @p0 $0xffff, v13, v7;
	v6 =	vsel vm3, v11, v6;
	v7 =	vsel vm3, v10, v14  }
0x29b: {  	(xrf1) =	vsort.ascd.msk.f32 $0xffff, v6, v7;
	_ =	sdelay $0xc  }
0x29c: {  	v6, v7, _ =	vpop @p0 (xrf1)  }
0x29d: {  	v10, v11, _ =	vpop (xrf1)  }
0x29e: {  	v10 =	vperm.xlane v10, v5  }
0x29f: {  	v6 =	vpsel p0, v6, v9;
	v5 =	vperm.xlane v11, v5  }
0x2a0: {  	v7 =	vpsel p0, v7, v8;
	vm3 =	vle.f32 v6, v10  }
0x2a1: {  	v8 =	vsel vm3, v10, v6;
	v9 =	vsel vm3, v5, v7  }
0x2a2: {  	v6 =	vsel vm3, v6, v10;
	v5 =	vsel vm3, v7, v5;
	(xrf1) =	vsort.ascd.msk.f32 $0xffff, v8, v9  }
0x2a3: {  	(xrf1) =	vsort.ascd.msk.f32 $0xffff, v6, v5;
	_ =	sdelay $0x9  }
.Ltmp19:
0x2a4: {  	_ = 	snop;
	(pc) =	sbr.rel .LBB2_30-.Ltmp19, $3  }
0x2a5: {  	_ =	sdelay $0x1  }
0x2a6: {  	v5, v6, _ =	vpop (xrf1)  }
0x2a7: {  	v7, v8, _ =	vpop (xrf1)  }
.LBB2_5:
.Ltmp20:
0x2a8: {  	(pc) =	sbr.rel .LBB2_12-.Ltmp20, $2  }
0x2a9: {  	_ =	sdelay $0x2  }
0x2aa: {  	v17 =	vimm.s32 $0x0  }
.LBB2_9:
.Ltmp21:
0x2ab: {  	(pc) =	sbr.rel .LBB2_12-.Ltmp21, $3  }
0x2ac: {  	_ =	sdelay $0x1  }
0x2ad: {  	v43 =	vmovc v8;
	v42 =	vmovc v9;
	v41 =	vmov v10;
	v40 =	vmov v11;
	v8 =	vmov v27  }
0x2ae: {  	v9 =	vmovc v24;
	v18 =	vmovc v16;
	v10 =	vmov v22;
	v17 =	vmov v16;
	v11 =	vmov v19  }
.LBB2_25:
.Ltmp22:
0x2af: {  	(pc) =	sbr.rel .LBB2_29-.Ltmp22, $2  }
0x2b0: {  	_ =	sdelay $0x2  }
0x2b1: {  	v7 =	vmov v8  }
.LBB2_27:
.Ltmp23:
0x2b2: {  	(pc) =	sbr.rel .LBB2_29-.Ltmp23, $2  }
0x2b3: {  	_ =	sdelay $0x2  }
0x2b4: {  	v7 =	vmov v8  }
.LBB2_14:
.Ltmp24:
0x2b5: {  	(pc) =	sbr.rel .LBB2_18-.Ltmp24, $2  }
0x2b6: {  	_ =	sdelay $0x2  }
0x2b7: {  	v11 =	vimm.s32 $0x0  }
.LBB2_16:
.Ltmp25:
0x2b8: {  	(pc) =	sbr.rel .LBB2_18-.Ltmp25, $2  }
0x2b9: {  	_ =	sdelay $0x2  }
0x2ba: {  	v11 =	vimm.s32 $0x0  }
.LBB2_32:
0x2bb: {  	_ =	sfence.sel $0x180000  }
0x2bc: {  	[bflag:$0x0] =	sbarrier.arrive $0xFFFF  }
0x2bd: {  	_ =	strace $0x90000047  }
0x2be: {  	s0 =	stileid.u32;
	[bflag:$0x2] =	sbarrier.arrive $0xFFFF  }
0x2bf: {  	p0 =	sne.s32 s0, $0x0;
	s0 =	rddreg [dreg:$0x4]  }
0x2c0: {  	s0 =	sadd.s32 @!p0 $0x100000, s0  }
0x2c1: {  	[sflag:s0] =	ssyncadd.tile.s32 @!p0 $0x1;
	_ =	shalt  }
.Lfunc_end2:
_tile_overlayer_lowered:
.L_overlay_start_2:
0x2c2: {  	(tag) =	ssettag $0x2  }
0x2c3: {  	s0 =	rddreg [dreg:$0x0];
	s2 =	stileid.u32  }
0x2c4: {  	s1 =	rddreg [dreg:$0x1];
	p0 =	sne.s32 s2, $0x0  }
0x2c5: {  	s3 =	rddreg [dreg:$0x2];
	[bflag:$0x3] =	sbarrier.arrive $0xFFFF;
	s2 =	simm.s32 @!p0 $0x1C01  }
0x2c6: {  	[timem:s3], [sflag:s2] =	dma.local @!p0 [hbm:s0], s1  }
0x2c7: {  	s0 =	simm.s32 @!p0 $0x1  }
0x2c8: {  	_ =	swait.ge @!p0 [sflag:s0], s1  }
0x2c9: {  	s1 =	ssub.s32 @!p0 $0x0, s1;
	[sflag:s0] =	ssyncset.done @!p0 $0x0  }
0x2ca: {  	[sflag:s0] =	ssyncadd.s32 @!p0 s1  }
0x2cb: {  	[bflag:$0x3] =	sbarrier.arrive $0xFFFF  }
0x2cc: {  	_ =	shalt  }

</sc_bundles>
